<compile_context>
chip_gen: v7x
topology: tpu7x:2x2x1
jax: 0.10.2.dev20260603
libtpu: 0.0.44.dev20260713+nightly
codegen_flags: <defaults>
</compile_context>

<pallas_src>
import functools

import jax
import jax.numpy as jnp
from jax import lax
from jax.experimental import pallas as pl
from jax.experimental.pallas import tpu as pltpu
from jax.experimental.pallas import tpu_sc as plsc

BATCH = 4096
CORPUS = 100000
DIM = 128
K = 100

QT = 256
CT = 2048
CPAD = 100352
NBLK = CPAD // 128

NW = 32
ROWS_PER_W = BATCH // NW

NCAND = 256
QT_D = 128

NEG_INF = float("-inf")


def _matmul_body(q_ref, c_ref, s_ref, m_ref):
    j = pl.program_id(1)
    q = q_ref[...]
    c = c_ref[...]
    s = lax.dot_general(q, c, (((1,), (1,)), ((), ())),
                        preferred_element_type=jnp.float32)
    cols = j * CT + lax.broadcasted_iota(jnp.int32, (QT, CT), 1)
    s = jnp.where(cols < CORPUS, s, NEG_INF)
    s_ref[...] = s.reshape(QT, CT // 128, 128)
    parts = [jnp.max(s[:, t * 128:(t + 1) * 128], axis=1, keepdims=True)
             for t in range(CT // 128)]
    new = jnp.concatenate(parts, axis=1)
    colgrp = lax.broadcasted_iota(jnp.int32, (QT, NBLK), 1) // (CT // 128)
    prev = jnp.where(j == 0, jnp.full((QT, NBLK), NEG_INF), m_ref[...])
    m_ref[...] = jnp.where(colgrp == j,
                           jnp.pad(new, ((0, 0), (0, NBLK - CT // 128)),
                                   mode="wrap"),
                           prev)


def _scores_and_blockmax(q, corpus_padded):
    grid = (BATCH // QT, CPAD // CT)
    return pl.pallas_call(
        _matmul_body,
        grid=grid,
        in_specs=[
            pl.BlockSpec((QT, DIM), lambda i, j: (i, 0)),
            pl.BlockSpec((CT, DIM), lambda i, j: (j, 0)),
        ],
        out_specs=[
            pl.BlockSpec((QT, CT // 128, 128), lambda i, j: (i, j, 0)),
            pl.BlockSpec((QT, NBLK), lambda i, j: (i, 0)),
        ],
        out_shape=[
            jax.ShapeDtypeStruct((BATCH, NBLK, 128), jnp.float32),
            jax.ShapeDtypeStruct((BATCH, NBLK), jnp.float32),
        ],
    )(q, corpus_padded)


def _thr_body(m1_ref, thr_ref):
    v = m1_ref[...]
    ui = lax.bitcast_convert_type(v, jnp.int32)
    neg = lax.shift_right_arithmetic(ui, 31)
    key = lax.bitwise_xor(ui, lax.bitwise_and(neg, jnp.int32(0x7FFFFFFF)))

    def count_ge(t):
        return jnp.sum((key >= t).astype(jnp.int32), axis=1, keepdims=True)

    cnt_pos = count_ge(jnp.zeros((QT, 1), jnp.int32))
    t0 = jnp.where(cnt_pos >= K, jnp.int32(0), jnp.int32(-2147483648))

    def step(i, t):
        b = 30 - i
        cand = t + lax.shift_left(jnp.int32(1), b)
        return jnp.where(count_ge(cand) >= K, cand, t)

    t = lax.fori_loop(0, 31, step, t0)
    tneg = lax.shift_right_arithmetic(t, 31)
    tui = lax.bitwise_xor(t, lax.bitwise_and(tneg, jnp.int32(0x7FFFFFFF)))
    thr_ref[...] = lax.bitcast_convert_type(tui, jnp.float32)


def _thresholds(m1):
    return pl.pallas_call(
        _thr_body,
        grid=(BATCH // QT,),
        in_specs=[pl.BlockSpec((QT, NBLK), lambda i: (i, 0))],
        out_specs=pl.BlockSpec((QT, 1), lambda i: (i, 0)),
        out_shape=jax.ShapeDtypeStruct((BATCH, 1), jnp.float32),
    )(m1)


def _iota16():
    return lax.iota(jnp.int32, 16)


def _splat16(x):
    return jnp.zeros((16,), jnp.int32) + x


def _scalar(v):
    return jnp.max(v)


def _row_collect(m1_hbm, thr_v, m1_v, bid_v, gid_v, base, r_loc):
    r = base + r_loc
    pltpu.sync_copy(m1_hbm.at[r], m1_v)
    tvec = plsc.bitcast(plsc.load_gather(thr_v, [_splat16(r_loc)]), jnp.float32)
    for t in range(9):
        bid_v[pl.ds(t * 16, 16)] = jnp.zeros((16,), jnp.int32)
    cnt = jnp.int32(0)
    for c in range(NBLK // 16):
        mv = m1_v[pl.ds(c * 16, 16)]
        msk = mv >= tvec
        ids = _iota16() + (c * 16)
        plsc.store_compressed(bid_v.at[pl.ds(cnt, 16)], ids, mask=msk)
        pc = _scalar(plsc.all_reduce_population_count(msk))
        cnt = jnp.minimum(cnt + pc, 128)
    for t in range(8):
        gid_v[pl.ds(t * 16, 16)] = bid_v[pl.ds(t * 16, 16)] + r * NBLK
    return cnt


def _row_compact(thr_v, bid_v, rows_v, cs_v, ci_v, cs_hbm, ci_hbm,
                 base, r_loc, cnt):
    r = base + r_loc
    tvec = plsc.bitcast(plsc.load_gather(thr_v, [_splat16(r_loc)]), jnp.float32)
    for t in range(NCAND // 16 + 1):
        cs_v[pl.ds(t * 16, 16)] = jnp.full((16,), NEG_INF)
        ci_v[pl.ds(t * 16, 16)] = jnp.zeros((16,), jnp.int32)

    def blk_body(j, ccnt):
        bvec = plsc.load_gather(bid_v, [_splat16(j)])
        for k in range(8):
            sv = plsc.load_gather(rows_v, [_splat16(j), _iota16() + (k * 16)])
            msk = sv >= tvec
            col = bvec * 128 + (k * 16) + _iota16()
            plsc.store_compressed(cs_v.at[pl.ds(ccnt, 16)], sv, mask=msk)
            plsc.store_compressed(ci_v.at[pl.ds(ccnt, 16)], col, mask=msk)
            pc = _scalar(plsc.all_reduce_population_count(msk))
            ccnt = jnp.minimum(ccnt + pc, NCAND)
        return ccnt

    lax.fori_loop(0, cnt, blk_body, jnp.int32(0))
    pltpu.sync_copy(cs_v.at[pl.ds(0, NCAND)], cs_hbm.at[r])
    pltpu.sync_copy(ci_v.at[pl.ds(0, NCAND)], ci_hbm.at[r])


def _compact_body(m1_hbm, thr_hbm, sb_hbm, cs_hbm, ci_hbm,
                  m1_v, thr_v, bidA, bidB, gidA, gidB, rowsA, rowsB,
                  cs_v, ci_v, gsA, gsB):
    cid = lax.axis_index("c")
    sid = lax.axis_index("s")
    wid = sid * 2 + cid
    base = wid * ROWS_PER_W
    pltpu.sync_copy(thr_hbm.at[pl.ds(base, ROWS_PER_W)], thr_v)

    def row_body(r, carry):
        cnt = _row_collect(m1_hbm, thr_v, m1_v, bidA, gidA, base, r)
        pltpu.async_copy(sb_hbm.at[gidA], rowsA, gsA).wait()
        _row_compact(thr_v, bidA, rowsA, cs_v, ci_v, cs_hbm, ci_hbm,
                     base, r, cnt)
        return carry

    lax.fori_loop(0, ROWS_PER_W, row_body, jnp.int32(0))


def _compact_candidates(m1_rows, thr, score_blocks):
    mesh = plsc.VectorSubcoreMesh(core_axis_name="c", subcore_axis_name="s")
    thr_i = lax.bitcast_convert_type(thr, jnp.int32)
    f = pl.kernel(
        _compact_body,
        out_type=[
            jax.ShapeDtypeStruct((BATCH, NCAND), jnp.float32),
            jax.ShapeDtypeStruct((BATCH, NCAND), jnp.int32),
        ],
        mesh=mesh,
        compiler_params=pltpu.CompilerParams(needs_layout_passes=False),
        scratch_types=[
            pltpu.VMEM((NBLK,), jnp.float32),
            pltpu.VMEM((ROWS_PER_W,), jnp.int32),
            pltpu.VMEM((144,), jnp.int32),
            pltpu.VMEM((144,), jnp.int32),
            pltpu.VMEM((128,), jnp.int32),
            pltpu.VMEM((128,), jnp.int32),
            pltpu.VMEM((128, 128), jnp.float32),
            pltpu.VMEM((128, 128), jnp.float32),
            pltpu.VMEM((NCAND + 16,), jnp.float32),
            pltpu.VMEM((NCAND + 16,), jnp.int32),
            pltpu.SemaphoreType.DMA,
            pltpu.SemaphoreType.DMA,
        ],
    )
    return f(m1_rows, thr_i, score_blocks)


def _topk_body(cs_ref, ci_ref, os_ref, oi_ref):
    v0 = cs_ref[...]
    ci = ci_ref[...]
    lane = lax.broadcasted_iota(jnp.int32, (QT_D, 128), 1)
    out_s0 = jnp.full((QT_D, 128), NEG_INF)
    out_i0 = jnp.zeros((QT_D, 128), jnp.int32)

    def step(i, carry):
        v, out_s, out_i = carry
        m = jnp.max(v, axis=1, keepdims=True)
        sel = v == m
        idxm = jnp.min(jnp.where(sel, ci, jnp.int32(2147483647)),
                       axis=1, keepdims=True)
        v = jnp.where(sel & (ci == idxm), NEG_INF, v)
        out_s = jnp.where(lane == i, m, out_s)
        out_i = jnp.where(lane == i, idxm, out_i)
        return v, out_s, out_i

    _, out_s, out_i = lax.fori_loop(0, K, step, (v0, out_s0, out_i0))
    os_ref[...] = out_s
    oi_ref[...] = out_i


def _topk_of_candidates(cs, ci):
    return pl.pallas_call(
        _topk_body,
        grid=(BATCH // QT_D,),
        in_specs=[
            pl.BlockSpec((QT_D, NCAND), lambda i: (i, 0)),
            pl.BlockSpec((QT_D, NCAND), lambda i: (i, 0)),
        ],
        out_specs=[
            pl.BlockSpec((QT_D, 128), lambda i: (i, 0)),
            pl.BlockSpec((QT_D, 128), lambda i: (i, 0)),
        ],
        out_shape=[
            jax.ShapeDtypeStruct((BATCH, 128), jnp.float32),
            jax.ShapeDtypeStruct((BATCH, 128), jnp.int32),
        ],
    )(cs, ci)


IPAD = 112


def _stage_idx(idxg, iv, r_loc):
    for t in range(IPAD // 16):
        iv[pl.ds(t * 16, 16)] = plsc.load_gather(
            idxg, [_splat16(r_loc), _iota16() + (t * 16)])


def _gather_body(idx_hbm, corpus_hbm, out_hbm, idxg,
                 ivA, ivB, eA, eB, gsA, gsB, wsA, wsB):
    cid = lax.axis_index("c")
    sid = lax.axis_index("s")
    wid = sid * 2 + cid
    base = wid * ROWS_PER_W

    def row_body(r, carry):
        pltpu.sync_copy(idx_hbm.at[base + r], ivA)
        pltpu.async_copy(corpus_hbm.at[ivA], eA, gsA).wait()
        pltpu.sync_copy(eA.at[pl.ds(0, K)], out_hbm.at[base + r])
        return carry

    lax.fori_loop(0, ROWS_PER_W, row_body, jnp.int32(0))


def _gather_embeddings(idx_padded, corpus):
    mesh = plsc.VectorSubcoreMesh(core_axis_name="c", subcore_axis_name="s")
    f = pl.kernel(
        _gather_body,
        out_type=jax.ShapeDtypeStruct((BATCH, K, DIM), jnp.float32),
        mesh=mesh,
        compiler_params=pltpu.CompilerParams(needs_layout_passes=False),
        scratch_types=[
            pltpu.VMEM((ROWS_PER_W, IPAD), jnp.int32),
            pltpu.VMEM((IPAD,), jnp.int32),
            pltpu.VMEM((IPAD,), jnp.int32),
            pltpu.VMEM((IPAD, DIM), jnp.float32),
            pltpu.VMEM((IPAD, DIM), jnp.float32),
            pltpu.SemaphoreType.DMA,
            pltpu.SemaphoreType.DMA,
            pltpu.SemaphoreType.DMA,
            pltpu.SemaphoreType.DMA,
        ],
    )
    return f(idx_padded, corpus)


def kernel(query_embedding, corpus, num_items):
    corpus_padded = jnp.pad(corpus, ((0, CPAD - CORPUS), (0, 0)))
    scores, m1_rows = _scores_and_blockmax(query_embedding, corpus_padded)
    thr = _thresholds(m1_rows)
    score_blocks = scores.reshape(BATCH * NBLK, 128)
    cs, ci = _compact_candidates(m1_rows, thr.reshape(BATCH), score_blocks)
    out_s, out_i = _topk_of_candidates(cs, ci)
    indices = out_i[:, :K] + (num_items - K)
    mips_scores = out_s[:, :K]
    fill = (jnp.arange(BATCH, dtype=jnp.int32)[:, None] * (IPAD - K)
            + jnp.arange(IPAD - K, dtype=jnp.int32)[None, :]) % CORPUS
    idx_padded = jnp.concatenate([indices, fill], axis=1)
    embeddings = _gather_embeddings(idx_padded, corpus)
    return (indices, mips_scores, embeddings)

# --- scband reference (transcript-rebuilt; emitter-appended) ---
"""Pipeline reference for scband-baseline-mipsmodule-8744553415357 (READ-ONLY COPY).

The authoritative reference and input builder live on the scoring server;
editing this copy changes nothing except your own understanding.
"""

import jax, jax.numpy as jnp
import numpy as np

CORPUS_SIZE = 100000
EMBED_DIM = 128
BATCH = 4096
NUM_ITEMS = 100


def setup_inputs(seed: int = 0) -> dict:
    key = jax.random.key(seed)
    k1, k2 = jax.random.split(key)
    query_embedding = jax.random.normal(k1, (BATCH, EMBED_DIM), dtype=jnp.float32)
    corpus = jax.random.normal(k2, (CORPUS_SIZE, EMBED_DIM), dtype=jnp.float32)
    return {"query_embedding": query_embedding, "corpus": corpus, "num_items": 100}


def reference(query_embedding, corpus, num_items):
    # scores: [B, corpus_size]
    scores = jnp.matmul(query_embedding, corpus.T)
    # top-k over corpus dim
    mips_scores, indices = jax.lax.top_k(scores, NUM_ITEMS)
    indices = indices + (num_items - NUM_ITEMS)
    # gather embeddings: [B, NI, D]
    embeddings = corpus[indices]
    return (indices, mips_scores, embeddings)

if __name__ == "__main__":
    import jax
    _d = setup_inputs()
    print(jax.jit(kernel)(*tuple(_d.values())))

</pallas_src>

<mosaic_0001>
#map = affine_map<(d0, d1) -> (0, 0)>
#map1 = affine_map<(d0, d1) -> (0, 0, 0)>
module attributes {stable_mosaic.version = 14 : i64} {
  func.func @_gather_body(%arg0: i32, %arg1: i32, %arg2: memref<4096x112xi32, #tpu.memory_space<hbm>>, %arg3: memref<100000x128xf32, #tpu.memory_space<hbm>>, %arg4: memref<4096x100x128xf32, #tpu.memory_space<hbm>>, %arg5: memref<128x112xi32, #tpu.memory_space<vmem>>, %arg6: memref<112xi32, #tpu.memory_space<vmem>>, %arg7: memref<112xi32, #tpu.memory_space<vmem>>, %arg8: memref<112x128xf32, #tpu.memory_space<vmem>>, %arg9: memref<112x128xf32, #tpu.memory_space<vmem>>, %arg10: memref<!tpu.dma_semaphore, #tpu.memory_space<semaphore_mem>>, %arg11: memref<!tpu.dma_semaphore, #tpu.memory_space<semaphore_mem>>, %arg12: memref<!tpu.dma_semaphore, #tpu.memory_space<semaphore_mem>>, %arg13: memref<!tpu.dma_semaphore, #tpu.memory_space<semaphore_mem>>) attributes {dimension_semantics = [#tpu.dimension_semantics<core_parallel>, #tpu.dimension_semantics<subcore_parallel>], iteration_bounds = array<i64: 2, 16>, scalar_prefetch = 0 : i64, scratch_operands = 9 : i64, tpu.core_type = #tpu.core_type<sc_vector_subcore>, window_params = [{transform_indices = #map}, {transform_indices = #map}, {transform_indices = #map1}]} {
    %mul3A = arith.constant 2 : i32
    %mul3A_0 = arith.muli %arg1, %mul3A : i32
    %add3A = arith.addi %mul3A_0, %arg0 : i32
    %mul3A_1 = arith.constant 128 : i32
    %mul3A_2 = arith.muli %add3A, %mul3A_1 : i32
    %scan3A = arith.constant 0 : i32
    %scan3A_3 = arith.constant 0 : i32
    %scan3A_4 = arith.constant 128 : i32
    %scan3A_5 = arith.addi %scan3A_3, %scan3A_4 : i32
    %scan3A_6 = arith.constant 1 : i32
    scf.for %scan3A_8 = %scan3A_3 to %scan3A_5 step %scan3A_6  : i32 {
      %add3A_9 = arith.addi %mul3A_2, %scan3A_8 : i32
      "tpu.region"() ({
        %run_scoped3A = tpu.sem_alloc : memref<!tpu.dma_semaphore, #tpu.memory_space<semaphore_mem>>
        %dma_start3A_15 = arith.constant 0 : i32
        %dma_start3A_16 = tpu.memref_slice %arg2[%add3A_9, %dma_start3A_15] : memref<4096x112xi32, #tpu.memory_space<hbm>> -> memref<1x112xi32, #tpu.memory_space<hbm>>
        %dma_start3A_17 = tpu.memref_squeeze %dma_start3A_16 : memref<1x112xi32, #tpu.memory_space<hbm>> -> memref<112xi32, #tpu.memory_space<hbm>>
        %dma_start3A_18 = arith.constant 0 : i32
        %dma_start3A_19 = tpu.memref_slice %arg2[%add3A_9, %dma_start3A_18] : memref<4096x112xi32, #tpu.memory_space<hbm>> -> memref<1x112xi32, #tpu.memory_space<hbm>>
        %dma_start3A_20 = tpu.memref_squeeze %dma_start3A_19 : memref<1x112xi32, #tpu.memory_space<hbm>> -> memref<112xi32, #tpu.memory_space<hbm>>
        tpu.enqueue_dma source(%dma_start3A_20 : memref<112xi32, #tpu.memory_space<hbm>>) target(%arg6 : memref<112xi32, #tpu.memory_space<vmem>>) target_semaphore(%run_scoped3A : memref<!tpu.dma_semaphore, #tpu.memory_space<semaphore_mem>>)
        %dma_wait3A_21 = arith.constant 0 : i32
        %dma_wait3A_22 = tpu.memref_slice %arg2[%add3A_9, %dma_wait3A_21] : memref<4096x112xi32, #tpu.memory_space<hbm>> -> memref<1x112xi32, #tpu.memory_space<hbm>>
        %dma_wait3A_23 = tpu.memref_squeeze %dma_wait3A_22 : memref<1x112xi32, #tpu.memory_space<hbm>> -> memref<112xi32, #tpu.memory_space<hbm>>
        %dma_wait3A_24 = arith.constant 0 : i32
        %dma_wait3A_25 = tpu.memref_slice %arg2[%add3A_9, %dma_wait3A_24] : memref<4096x112xi32, #tpu.memory_space<hbm>> -> memref<1x112xi32, #tpu.memory_space<hbm>>
        %dma_wait3A_26 = tpu.memref_squeeze %dma_wait3A_25 : memref<1x112xi32, #tpu.memory_space<hbm>> -> memref<112xi32, #tpu.memory_space<hbm>>
        tpu.wait_dma2 semaphore(%run_scoped3A : memref<!tpu.dma_semaphore, #tpu.memory_space<semaphore_mem>>) src(%dma_wait3A_26 : memref<112xi32, #tpu.memory_space<hbm>>) dst(%arg6 : memref<112xi32, #tpu.memory_space<vmem>>)
        tpu.yield
      }) : () -> ()
      %dma_start3A = arith.constant 0 : i32
      %dma_start3A_10 = arith.constant 0 : i32
      %dma_start3A_11 = tpu.memref_slice %arg3[%dma_start3A, %dma_start3A_10] : memref<100000x128xf32, #tpu.memory_space<hbm>> -> memref<100000x128xf32, #tpu.memory_space<hbm>>
      tpu.enqueue_indirect_dma source(%dma_start3A_11 : memref<100000x128xf32, #tpu.memory_space<hbm>>) target(%arg8 : memref<112x128xf32, #tpu.memory_space<vmem>>) offsets(%arg6 : memref<112xi32, #tpu.memory_space<vmem>>) semaphore(%arg10 : memref<!tpu.dma_semaphore, #tpu.memory_space<semaphore_mem>>)
      %dma_wait3A = arith.constant 0 : i32
      %dma_wait3A_12 = arith.constant 0 : i32
      %dma_wait3A_13 = tpu.memref_slice %arg3[%dma_wait3A, %dma_wait3A_12] : memref<100000x128xf32, #tpu.memory_space<hbm>> -> memref<100000x128xf32, #tpu.memory_space<hbm>>
      tpu.wait_indirect_dma semaphore(%arg10 : memref<!tpu.dma_semaphore, #tpu.memory_space<semaphore_mem>>) src(%dma_wait3A_13 : memref<100000x128xf32, #tpu.memory_space<hbm>>) dst(%arg8 : memref<112x128xf32, #tpu.memory_space<vmem>>)
      %add3A_14 = arith.addi %mul3A_2, %scan3A_8 : i32
      "tpu.region"() ({
        %run_scoped3A = tpu.sem_alloc : memref<!tpu.dma_semaphore, #tpu.memory_space<semaphore_mem>>
        %dma_start3A_15 = arith.constant 0 : i32
        %dma_start3A_16 = arith.constant 0 : i32
        %dma_start3A_17 = tpu.memref_slice %arg8[%dma_start3A_15, %dma_start3A_16] : memref<112x128xf32, #tpu.memory_space<vmem>> -> memref<100x128xf32, #tpu.memory_space<vmem>>
        %dma_start3A_18 = arith.constant 0 : i32
        %dma_start3A_19 = arith.constant 0 : i32
        %dma_start3A_20 = tpu.memref_slice %arg4[%add3A_14, %dma_start3A_18, %dma_start3A_19] : memref<4096x100x128xf32, #tpu.memory_space<hbm>> -> memref<1x100x128xf32, #tpu.memory_space<hbm>>
        %dma_start3A_21 = tpu.memref_squeeze %dma_start3A_20 : memref<1x100x128xf32, #tpu.memory_space<hbm>> -> memref<100x128xf32, #tpu.memory_space<hbm>>
        %dma_start3A_22 = arith.constant 0 : i32
        %dma_start3A_23 = arith.constant 0 : i32
        %dma_start3A_24 = tpu.memref_slice %arg4[%add3A_14, %dma_start3A_22, %dma_start3A_23] : memref<4096x100x128xf32, #tpu.memory_space<hbm>> -> memref<1x100x128xf32, #tpu.memory_space<hbm>>
        %dma_start3A_25 = tpu.memref_squeeze %dma_start3A_24 : memref<1x100x128xf32, #tpu.memory_space<hbm>> -> memref<100x128xf32, #tpu.memory_space<hbm>>
        %dma_start3A_26 = arith.constant 0 : i32
        %dma_start3A_27 = arith.constant 0 : i32
        %dma_start3A_28 = tpu.memref_slice %arg8[%dma_start3A_26, %dma_start3A_27] : memref<112x128xf32, #tpu.memory_space<vmem>> -> memref<100x128xf32, #tpu.memory_space<vmem>>
        tpu.enqueue_dma source(%dma_start3A_28 : memref<100x128xf32, #tpu.memory_space<vmem>>) target(%dma_start3A_25 : memref<100x128xf32, #tpu.memory_space<hbm>>) target_semaphore(%run_scoped3A : memref<!tpu.dma_semaphore, #tpu.memory_space<semaphore_mem>>)
        %dma_wait3A_29 = arith.constant 0 : i32
        %dma_wait3A_30 = arith.constant 0 : i32
        %dma_wait3A_31 = tpu.memref_slice %arg8[%dma_wait3A_29, %dma_wait3A_30] : memref<112x128xf32, #tpu.memory_space<vmem>> -> memref<100x128xf32, #tpu.memory_space<vmem>>
        %dma_wait3A_32 = arith.constant 0 : i32
        %dma_wait3A_33 = arith.constant 0 : i32
        %dma_wait3A_34 = tpu.memref_slice %arg4[%add3A_14, %dma_wait3A_32, %dma_wait3A_33] : memref<4096x100x128xf32, #tpu.memory_space<hbm>> -> memref<1x100x128xf32, #tpu.memory_space<hbm>>
        %dma_wait3A_35 = tpu.memref_squeeze %dma_wait3A_34 : memref<1x100x128xf32, #tpu.memory_space<hbm>> -> memref<100x128xf32, #tpu.memory_space<hbm>>
        %dma_wait3A_36 = arith.constant 0 : i32
        %dma_wait3A_37 = arith.constant 0 : i32
        %dma_wait3A_38 = tpu.memref_slice %arg4[%add3A_14, %dma_wait3A_36, %dma_wait3A_37] : memref<4096x100x128xf32, #tpu.memory_space<hbm>> -> memref<1x100x128xf32, #tpu.memory_space<hbm>>
        %dma_wait3A_39 = tpu.memref_squeeze %dma_wait3A_38 : memref<1x100x128xf32, #tpu.memory_space<hbm>> -> memref<100x128xf32, #tpu.memory_space<hbm>>
        %dma_wait3A_40 = arith.constant 0 : i32
        %dma_wait3A_41 = arith.constant 0 : i32
        %dma_wait3A_42 = tpu.memref_slice %arg8[%dma_wait3A_40, %dma_wait3A_41] : memref<112x128xf32, #tpu.memory_space<vmem>> -> memref<100x128xf32, #tpu.memory_space<vmem>>
        tpu.wait_dma2 semaphore(%run_scoped3A : memref<!tpu.dma_semaphore, #tpu.memory_space<semaphore_mem>>) src(%dma_wait3A_42 : memref<100x128xf32, #tpu.memory_space<vmem>>) dst(%dma_wait3A_39 : memref<100x128xf32, #tpu.memory_space<hbm>>)
        tpu.yield
      }) : () -> ()
    }
    %scan3A_7 = arith.constant 128 : i32
    return
  }
}

#map = affine_map<(d0, d1) -> (0, 0)>
#map1 = affine_map<(d0, d1) -> (0)>
module attributes {stable_mosaic.version = 14 : i64} {
  func.func @_compact_body(%arg0: i32, %arg1: i32, %arg2: memref<4096x784xf32, #tpu.memory_space<hbm>>, %arg3: memref<4096xi32, #tpu.memory_space<hbm>>, %arg4: memref<3211264x128xf32, #tpu.memory_space<hbm>>, %arg5: memref<4096x256xf32, #tpu.memory_space<hbm>>, %arg6: memref<4096x256xi32, #tpu.memory_space<hbm>>, %arg7: memref<784xf32, #tpu.memory_space<vmem>>, %arg8: memref<128xi32, #tpu.memory_space<vmem>>, %arg9: memref<144xi32, #tpu.memory_space<vmem>>, %arg10: memref<144xi32, #tpu.memory_space<vmem>>, %arg11: memref<128xi32, #tpu.memory_space<vmem>>, %arg12: memref<128xi32, #tpu.memory_space<vmem>>, %arg13: memref<128x128xf32, #tpu.memory_space<vmem>>, %arg14: memref<128x128xf32, #tpu.memory_space<vmem>>, %arg15: memref<272xf32, #tpu.memory_space<vmem>>, %arg16: memref<272xi32, #tpu.memory_space<vmem>>, %arg17: memref<!tpu.dma_semaphore, #tpu.memory_space<semaphore_mem>>, %arg18: memref<!tpu.dma_semaphore, #tpu.memory_space<semaphore_mem>>) attributes {dimension_semantics = [#tpu.dimension_semantics<core_parallel>, #tpu.dimension_semantics<subcore_parallel>], iteration_bounds = array<i64: 2, 16>, scalar_prefetch = 0 : i64, scratch_operands = 12 : i64, tpu.core_type = #tpu.core_type<sc_vector_subcore>, window_params = [{transform_indices = #map}, {transform_indices = #map1}, {transform_indices = #map}, {transform_indices = #map}, {transform_indices = #map}]} {
    %mul3A = arith.constant 2 : i32
    %mul3A_0 = arith.muli %arg1, %mul3A : i32
    %add3A = arith.addi %mul3A_0, %arg0 : i32
    %mul3A_1 = arith.constant 128 : i32
    %mul3A_2 = arith.muli %add3A, %mul3A_1 : i32
    "tpu.region"() ({
      %run_scoped3A = tpu.sem_alloc : memref<!tpu.dma_semaphore, #tpu.memory_space<semaphore_mem>>
      %dma_start3A = tpu.memref_slice %arg3[%mul3A_2] : memref<4096xi32, #tpu.memory_space<hbm>> -> memref<128xi32, #tpu.memory_space<hbm>>
      %dma_start3A_8 = tpu.memref_slice %arg3[%mul3A_2] : memref<4096xi32, #tpu.memory_space<hbm>> -> memref<128xi32, #tpu.memory_space<hbm>>
      tpu.enqueue_dma source(%dma_start3A_8 : memref<128xi32, #tpu.memory_space<hbm>>) target(%arg8 : memref<128xi32, #tpu.memory_space<vmem>>) target_semaphore(%run_scoped3A : memref<!tpu.dma_semaphore, #tpu.memory_space<semaphore_mem>>)
      %dma_wait3A = tpu.memref_slice %arg3[%mul3A_2] : memref<4096xi32, #tpu.memory_space<hbm>> -> memref<128xi32, #tpu.memory_space<hbm>>
      %dma_wait3A_9 = tpu.memref_slice %arg3[%mul3A_2] : memref<4096xi32, #tpu.memory_space<hbm>> -> memref<128xi32, #tpu.memory_space<hbm>>
      tpu.wait_dma2 semaphore(%run_scoped3A : memref<!tpu.dma_semaphore, #tpu.memory_space<semaphore_mem>>) src(%dma_wait3A_9 : memref<128xi32, #tpu.memory_space<hbm>>) dst(%arg8 : memref<128xi32, #tpu.memory_space<vmem>>)
      tpu.yield
    }) : () -> ()
    %scan3A = arith.constant 0 : i32
    %scan3A_3 = arith.constant 0 : i32
    %scan3A_4 = arith.constant 128 : i32
    %scan3A_5 = arith.addi %scan3A_3, %scan3A_4 : i32
    %scan3A_6 = arith.constant 1 : i32
    scf.for %scan3A_8 = %scan3A_3 to %scan3A_5 step %scan3A_6  : i32 {
      %add3A_9 = arith.addi %mul3A_2, %scan3A_8 : i32
      "tpu.region"() ({
        %run_scoped3A = tpu.sem_alloc : memref<!tpu.dma_semaphore, #tpu.memory_space<semaphore_mem>>
        %dma_start3A_1295 = arith.constant 0 : i32
        %dma_start3A_1296 = tpu.memref_slice %arg2[%add3A_9, %dma_start3A_1295] : memref<4096x784xf32, #tpu.memory_space<hbm>> -> memref<1x784xf32, #tpu.memory_space<hbm>>
        %dma_start3A_1297 = tpu.memref_squeeze %dma_start3A_1296 : memref<1x784xf32, #tpu.memory_space<hbm>> -> memref<784xf32, #tpu.memory_space<hbm>>
        %dma_start3A_1298 = arith.constant 0 : i32
        %dma_start3A_1299 = tpu.memref_slice %arg2[%add3A_9, %dma_start3A_1298] : memref<4096x784xf32, #tpu.memory_space<hbm>> -> memref<1x784xf32, #tpu.memory_space<hbm>>
        %dma_start3A_1300 = tpu.memref_squeeze %dma_start3A_1299 : memref<1x784xf32, #tpu.memory_space<hbm>> -> memref<784xf32, #tpu.memory_space<hbm>>
        tpu.enqueue_dma source(%dma_start3A_1300 : memref<784xf32, #tpu.memory_space<hbm>>) target(%arg7 : memref<784xf32, #tpu.memory_space<vmem>>) target_semaphore(%run_scoped3A : memref<!tpu.dma_semaphore, #tpu.memory_space<semaphore_mem>>)
        %dma_wait3A_1301 = arith.constant 0 : i32
        %dma_wait3A_1302 = tpu.memref_slice %arg2[%add3A_9, %dma_wait3A_1301] : memref<4096x784xf32, #tpu.memory_space<hbm>> -> memref<1x784xf32, #tpu.memory_space<hbm>>
        %dma_wait3A_1303 = tpu.memref_squeeze %dma_wait3A_1302 : memref<1x784xf32, #tpu.memory_space<hbm>> -> memref<784xf32, #tpu.memory_space<hbm>>
        %dma_wait3A_1304 = arith.constant 0 : i32
        %dma_wait3A_1305 = tpu.memref_slice %arg2[%add3A_9, %dma_wait3A_1304] : memref<4096x784xf32, #tpu.memory_space<hbm>> -> memref<1x784xf32, #tpu.memory_space<hbm>>
        %dma_wait3A_1306 = tpu.memref_squeeze %dma_wait3A_1305 : memref<1x784xf32, #tpu.memory_space<hbm>> -> memref<784xf32, #tpu.memory_space<hbm>>
        tpu.wait_dma2 semaphore(%run_scoped3A : memref<!tpu.dma_semaphore, #tpu.memory_space<semaphore_mem>>) src(%dma_wait3A_1306 : memref<784xf32, #tpu.memory_space<hbm>>) dst(%arg7 : memref<784xf32, #tpu.memory_space<vmem>>)
        tpu.yield
      }) : () -> ()
      %broadcast_in_dim3A = arith.constant 0 : i32
      %broadcast_in_dim3A_10 = vector.broadcast %broadcast_in_dim3A : i32 to vector<16xi32>
      %add3A_11 = vector.broadcast %scan3A_8 : i32 to vector<16xi32>
      %add3A_12 = arith.addi %broadcast_in_dim3A_10, %add3A_11 : vector<16xi32>
      %gather3A = tpu.vector_load_idx %arg8[%add3A_12] : memref<128xi32, #tpu.memory_space<vmem>>[vector<16xi32>], vector<16xi32>,
      %bitcast3A = vector.bitcast %gather3A : vector<16xi32> to vector<16xf32>
      %broadcast_in_dim3A_13 = arith.constant 0 : i32
      %broadcast_in_dim3A_14 = vector.broadcast %broadcast_in_dim3A_13 : i32 to vector<16xi32>
      %swap3A = arith.constant 0 : index
      %swap3A_15 = tpu.vector_load %arg9[%swap3A] {strides = array<i32>} : memref<144xi32, #tpu.memory_space<vmem>>, vector<16xi32>,
      tpu.vector_store %arg9[%swap3A], %broadcast_in_dim3A_14 {strides = array<i32>} : memref<144xi32, #tpu.memory_space<vmem>>, vector<16xi32>,
      %broadcast_in_dim3A_16 = arith.constant 0 : i32
      %broadcast_in_dim3A_17 = vector.broadcast %broadcast_in_dim3A_16 : i32 to vector<16xi32>
      %swap3A_18 = arith.constant 16 : index
      %swap3A_19 = tpu.vector_load %arg9[%swap3A_18] {strides = array<i32>} : memref<144xi32, #tpu.memory_space<vmem>>, vector<16xi32>,
      tpu.vector_store %arg9[%swap3A_18], %broadcast_in_dim3A_17 {strides = array<i32>} : memref<144xi32, #tpu.memory_space<vmem>>, vector<16xi32>,
      %broadcast_in_dim3A_20 = arith.constant 0 : i32
      %broadcast_in_dim3A_21 = vector.broadcast %broadcast_in_dim3A_20 : i32 to vector<16xi32>
      %swap3A_22 = arith.constant 32 : index
      %swap3A_23 = tpu.vector_load %arg9[%swap3A_22] {strides = array<i32>} : memref<144xi32, #tpu.memory_space<vmem>>, vector<16xi32>,
      tpu.vector_store %arg9[%swap3A_22], %broadcast_in_dim3A_21 {strides = array<i32>} : memref<144xi32, #tpu.memory_space<vmem>>, vector<16xi32>,
      %broadcast_in_dim3A_24 = arith.constant 0 : i32
      %broadcast_in_dim3A_25 = vector.broadcast %broadcast_in_dim3A_24 : i32 to vector<16xi32>
      %swap3A_26 = arith.constant 48 : index
      %swap3A_27 = tpu.vector_load %arg9[%swap3A_26] {strides = array<i32>} : memref<144xi32, #tpu.memory_space<vmem>>, vector<16xi32>,
      tpu.vector_store %arg9[%swap3A_26], %broadcast_in_dim3A_25 {strides = array<i32>} : memref<144xi32, #tpu.memory_space<vmem>>, vector<16xi32>,
      %broadcast_in_dim3A_28 = arith.constant 0 : i32
      %broadcast_in_dim3A_29 = vector.broadcast %broadcast_in_dim3A_28 : i32 to vector<16xi32>
      %swap3A_30 = arith.constant 64 : index
      %swap3A_31 = tpu.vector_load %arg9[%swap3A_30] {strides = array<i32>} : memref<144xi32, #tpu.memory_space<vmem>>, vector<16xi32>,
      tpu.vector_store %arg9[%swap3A_30], %broadcast_in_dim3A_29 {strides = array<i32>} : memref<144xi32, #tpu.memory_space<vmem>>, vector<16xi32>,
      %broadcast_in_dim3A_32 = arith.constant 0 : i32
      %broadcast_in_dim3A_33 = vector.broadcast %broadcast_in_dim3A_32 : i32 to vector<16xi32>
      %swap3A_34 = arith.constant 80 : index
      %swap3A_35 = tpu.vector_load %arg9[%swap3A_34] {strides = array<i32>} : memref<144xi32, #tpu.memory_space<vmem>>, vector<16xi32>,
      tpu.vector_store %arg9[%swap3A_34], %broadcast_in_dim3A_33 {strides = array<i32>} : memref<144xi32, #tpu.memory_space<vmem>>, vector<16xi32>,
      %broadcast_in_dim3A_36 = arith.constant 0 : i32
      %broadcast_in_dim3A_37 = vector.broadcast %broadcast_in_dim3A_36 : i32 to vector<16xi32>
      %swap3A_38 = arith.constant 96 : index
      %swap3A_39 = tpu.vector_load %arg9[%swap3A_38] {strides = array<i32>} : memref<144xi32, #tpu.memory_space<vmem>>, vector<16xi32>,
      tpu.vector_store %arg9[%swap3A_38], %broadcast_in_dim3A_37 {strides = array<i32>} : memref<144xi32, #tpu.memory_space<vmem>>, vector<16xi32>,
      %broadcast_in_dim3A_40 = arith.constant 0 : i32
      %broadcast_in_dim3A_41 = vector.broadcast %broadcast_in_dim3A_40 : i32 to vector<16xi32>
      %swap3A_42 = arith.constant 112 : index
      %swap3A_43 = tpu.vector_load %arg9[%swap3A_42] {strides = array<i32>} : memref<144xi32, #tpu.memory_space<vmem>>, vector<16xi32>,
      tpu.vector_store %arg9[%swap3A_42], %broadcast_in_dim3A_41 {strides = array<i32>} : memref<144xi32, #tpu.memory_space<vmem>>, vector<16xi32>,
      %broadcast_in_dim3A_44 = arith.constant 0 : i32
      %broadcast_in_dim3A_45 = vector.broadcast %broadcast_in_dim3A_44 : i32 to vector<16xi32>
      %swap3A_46 = arith.constant 128 : index
      %swap3A_47 = tpu.vector_load %arg9[%swap3A_46] {strides = array<i32>} : memref<144xi32, #tpu.memory_space<vmem>>, vector<16xi32>,
      tpu.vector_store %arg9[%swap3A_46], %broadcast_in_dim3A_45 {strides = array<i32>} : memref<144xi32, #tpu.memory_space<vmem>>, vector<16xi32>,
      %get3A = arith.constant 0 : index
      %get3A_48 = tpu.vector_load %arg7[%get3A] {strides = array<i32>} : memref<784xf32, #tpu.memory_space<vmem>>, vector<16xf32>,
      %ge3A = arith.cmpf oge, %get3A_48, %bitcast3A : vector<16xf32>
      %iota3A = tpu.iota {dimensions = array<i32: 0>} : vector<16xi32>
      %add3A_49 = arith.constant 0 : i32
      %add3A_50 = vector.broadcast %add3A_49 : i32 to vector<16xi32>
      %add3A_51 = arith.addi %iota3A, %add3A_50 : vector<16xi32>
      %swap3A_52 = arith.constant 0 : i32
      %swap3A_53 = arith.index_cast %swap3A_52 : i32 to index
      %swap3A_54 = tpu.vector_load %arg9[%swap3A_53] masked %ge3A {strides = array<i32>} : memref<144xi32, #tpu.memory_space<vmem>>, vector<16xi32>, vector<16xi1>
      tpu.vector_store %arg9[%swap3A_53], %add3A_51 masked %ge3A {strides = array<i32>} : memref<144xi32, #tpu.memory_space<vmem>>, vector<16xi32>, vector<16xi1>
      %all_reduce_population_count3A = tpu.all_reduce %ge3A {dim = 0 : i64, kind = #tpu.reduction_kind<sum>} : vector<16xi1> -> vector<16xi32>
      %reduce_max3A = arith.constant true
      %reduce_max3A_55 = vector.broadcast %reduce_max3A : i1 to vector<16xi1>
      %reduce_max3A_56 = arith.constant -2147483648 : i32
      %reduce_max3A_57 = vector.broadcast %reduce_max3A_56 : i32 to vector<16xi32>
      %reduce_max3A_58 = arith.xori %all_reduce_population_count3A, %reduce_max3A_57 : vector<16xi32>
      %reduce_max3A_59 = tpu.scan <max>, %reduce_max3A_58 masked %reduce_max3A_55 : vector<16xi32>, vector<16xi1> -> vector<16xi32>
      %reduce_max3A_60 = arith.xori %reduce_max3A_59, %reduce_max3A_57 : vector<16xi32>
      %reduce_max3A_61 = vector.extract %reduce_max3A_60[15] : i32 from vector<16xi32>
      %add3A_62 = arith.constant 0 : i32
      %add3A_63 = arith.addi %add3A_62, %reduce_max3A_61 : i32
      %min3A = arith.constant 128 : i32
      %min3A_64 = arith.minsi %add3A_63, %min3A : i32
      %get3A_65 = arith.constant 16 : index
      %get3A_66 = tpu.vector_load %arg7[%get3A_65] {strides = array<i32>} : memref<784xf32, #tpu.memory_space<vmem>>, vector<16xf32>,
      %ge3A_67 = arith.cmpf oge, %get3A_66, %bitcast3A : vector<16xf32>
      %iota3A_68 = tpu.iota {dimensions = array<i32: 0>} : vector<16xi32>
      %add3A_69 = arith.constant 16 : i32
      %add3A_70 = vector.broadcast %add3A_69 : i32 to vector<16xi32>
      %add3A_71 = arith.addi %iota3A_68, %add3A_70 : vector<16xi32>
      %swap3A_72 = arith.index_cast %min3A_64 : i32 to index
      %swap3A_73 = tpu.vector_load %arg9[%swap3A_72] masked %ge3A_67 {strides = array<i32>} : memref<144xi32, #tpu.memory_space<vmem>>, vector<16xi32>, vector<16xi1>
      tpu.vector_store %arg9[%swap3A_72], %add3A_71 masked %ge3A_67 {strides = array<i32>} : memref<144xi32, #tpu.memory_space<vmem>>, vector<16xi32>, vector<16xi1>
      %all_reduce_population_count3A_74 = tpu.all_reduce %ge3A_67 {dim = 0 : i64, kind = #tpu.reduction_kind<sum>} : vector<16xi1> -> vector<16xi32>
      %reduce_max3A_75 = arith.constant true
      %reduce_max3A_76 = vector.broadcast %reduce_max3A_75 : i1 to vector<16xi1>
      %reduce_max3A_77 = arith.constant -2147483648 : i32
      %reduce_max3A_78 = vector.broadcast %reduce_max3A_77 : i32 to vector<16xi32>
      %reduce_max3A_79 = arith.xori %all_reduce_population_count3A_74, %reduce_max3A_78 : vector<16xi32>
      %reduce_max3A_80 = tpu.scan <max>, %reduce_max3A_79 masked %reduce_max3A_76 : vector<16xi32>, vector<16xi1> -> vector<16xi32>
      %reduce_max3A_81 = arith.xori %reduce_max3A_80, %reduce_max3A_78 : vector<16xi32>
      %reduce_max3A_82 = vector.extract %reduce_max3A_81[15] : i32 from vector<16xi32>
      %add3A_83 = arith.addi %min3A_64, %reduce_max3A_82 : i32
      %min3A_84 = arith.constant 128 : i32
      %min3A_85 = arith.minsi %add3A_83, %min3A_84 : i32
      %get3A_86 = arith.constant 32 : index
      %get3A_87 = tpu.vector_load %arg7[%get3A_86] {strides = array<i32>} : memref<784xf32, #tpu.memory_space<vmem>>, vector<16xf32>,
      %ge3A_88 = arith.cmpf oge, %get3A_87, %bitcast3A : vector<16xf32>
      %iota3A_89 = tpu.iota {dimensions = array<i32: 0>} : vector<16xi32>
      %add3A_90 = arith.constant 32 : i32
      %add3A_91 = vector.broadcast %add3A_90 : i32 to vector<16xi32>
      %add3A_92 = arith.addi %iota3A_89, %add3A_91 : vector<16xi32>
      %swap3A_93 = arith.index_cast %min3A_85 : i32 to index
      %swap3A_94 = tpu.vector_load %arg9[%swap3A_93] masked %ge3A_88 {strides = array<i32>} : memref<144xi32, #tpu.memory_space<vmem>>, vector<16xi32>, vector<16xi1>
      tpu.vector_store %arg9[%swap3A_93], %add3A_92 masked %ge3A_88 {strides = array<i32>} : memref<144xi32, #tpu.memory_space<vmem>>, vector<16xi32>, vector<16xi1>
      %all_reduce_population_count3A_95 = tpu.all_reduce %ge3A_88 {dim = 0 : i64, kind = #tpu.reduction_kind<sum>} : vector<16xi1> -> vector<16xi32>
      %reduce_max3A_96 = arith.constant true
      %reduce_max3A_97 = vector.broadcast %reduce_max3A_96 : i1 to vector<16xi1>
      %reduce_max3A_98 = arith.constant -2147483648 : i32
      %reduce_max3A_99 = vector.broadcast %reduce_max3A_98 : i32 to vector<16xi32>
      %reduce_max3A_100 = arith.xori %all_reduce_population_count3A_95, %reduce_max3A_99 : vector<16xi32>
      %reduce_max3A_101 = tpu.scan <max>, %reduce_max3A_100 masked %reduce_max3A_97 : vector<16xi32>, vector<16xi1> -> vector<16xi32>
      %reduce_max3A_102 = arith.xori %reduce_max3A_101, %reduce_max3A_99 : vector<16xi32>
      %reduce_max3A_103 = vector.extract %reduce_max3A_102[15] : i32 from vector<16xi32>
      %add3A_104 = arith.addi %min3A_85, %reduce_max3A_103 : i32
      %min3A_105 = arith.constant 128 : i32
      %min3A_106 = arith.minsi %add3A_104, %min3A_105 : i32
      %get3A_107 = arith.constant 48 : index
      %get3A_108 = tpu.vector_load %arg7[%get3A_107] {strides = array<i32>} : memref<784xf32, #tpu.memory_space<vmem>>, vector<16xf32>,
      %ge3A_109 = arith.cmpf oge, %get3A_108, %bitcast3A : vector<16xf32>
      %iota3A_110 = tpu.iota {dimensions = array<i32: 0>} : vector<16xi32>
      %add3A_111 = arith.constant 48 : i32
      %add3A_112 = vector.broadcast %add3A_111 : i32 to vector<16xi32>
      %add3A_113 = arith.addi %iota3A_110, %add3A_112 : vector<16xi32>
      %swap3A_114 = arith.index_cast %min3A_106 : i32 to index
      %swap3A_115 = tpu.vector_load %arg9[%swap3A_114] masked %ge3A_109 {strides = array<i32>} : memref<144xi32, #tpu.memory_space<vmem>>, vector<16xi32>, vector<16xi1>
      tpu.vector_store %arg9[%swap3A_114], %add3A_113 masked %ge3A_109 {strides = array<i32>} : memref<144xi32, #tpu.memory_space<vmem>>, vector<16xi32>, vector<16xi1>
      %all_reduce_population_count3A_116 = tpu.all_reduce %ge3A_109 {dim = 0 : i64, kind = #tpu.reduction_kind<sum>} : vector<16xi1> -> vector<16xi32>
      %reduce_max3A_117 = arith.constant true
      %reduce_max3A_118 = vector.broadcast %reduce_max3A_117 : i1 to vector<16xi1>
      %reduce_max3A_119 = arith.constant -2147483648 : i32
      %reduce_max3A_120 = vector.broadcast %reduce_max3A_119 : i32 to vector<16xi32>
      %reduce_max3A_121 = arith.xori %all_reduce_population_count3A_116, %reduce_max3A_120 : vector<16xi32>
      %reduce_max3A_122 = tpu.scan <max>, %reduce_max3A_121 masked %reduce_max3A_118 : vector<16xi32>, vector<16xi1> -> vector<16xi32>
      %reduce_max3A_123 = arith.xori %reduce_max3A_122, %reduce_max3A_120 : vector<16xi32>
      %reduce_max3A_124 = vector.extract %reduce_max3A_123[15] : i32 from vector<16xi32>
      %add3A_125 = arith.addi %min3A_106, %reduce_max3A_124 : i32
      %min3A_126 = arith.constant 128 : i32
      %min3A_127 = arith.minsi %add3A_125, %min3A_126 : i32
      %get3A_128 = arith.constant 64 : index
      %get3A_129 = tpu.vector_load %arg7[%get3A_128] {strides = array<i32>} : memref<784xf32, #tpu.memory_space<vmem>>, vector<16xf32>,
      %ge3A_130 = arith.cmpf oge, %get3A_129, %bitcast3A : vector<16xf32>
      %iota3A_131 = tpu.iota {dimensions = array<i32: 0>} : vector<16xi32>
      %add3A_132 = arith.constant 64 : i32
      %add3A_133 = vector.broadcast %add3A_132 : i32 to vector<16xi32>
      %add3A_134 = arith.addi %iota3A_131, %add3A_133 : vector<16xi32>
      %swap3A_135 = arith.index_cast %min3A_127 : i32 to index
      %swap3A_136 = tpu.vector_load %arg9[%swap3A_135] masked %ge3A_130 {strides = array<i32>} : memref<144xi32, #tpu.memory_space<vmem>>, vector<16xi32>, vector<16xi1>
      tpu.vector_store %arg9[%swap3A_135], %add3A_134 masked %ge3A_130 {strides = array<i32>} : memref<144xi32, #tpu.memory_space<vmem>>, vector<16xi32>, vector<16xi1>
      %all_reduce_population_count3A_137 = tpu.all_reduce %ge3A_130 {dim = 0 : i64, kind = #tpu.reduction_kind<sum>} : vector<16xi1> -> vector<16xi32>
      %reduce_max3A_138 = arith.constant true
      %reduce_max3A_139 = vector.broadcast %reduce_max3A_138 : i1 to vector<16xi1>
      %reduce_max3A_140 = arith.constant -2147483648 : i32
      %reduce_max3A_141 = vector.broadcast %reduce_max3A_140 : i32 to vector<16xi32>
      %reduce_max3A_142 = arith.xori %all_reduce_population_count3A_137, %reduce_max3A_141 : vector<16xi32>
      %reduce_max3A_143 = tpu.scan <max>, %reduce_max3A_142 masked %reduce_max3A_139 : vector<16xi32>, vector<16xi1> -> vector<16xi32>
      %reduce_max3A_144 = arith.xori %reduce_max3A_143, %reduce_max3A_141 : vector<16xi32>
      %reduce_max3A_145 = vector.extract %reduce_max3A_144[15] : i32 from vector<16xi32>
      %add3A_146 = arith.addi %min3A_127, %reduce_max3A_145 : i32
      %min3A_147 = arith.constant 128 : i32
      %min3A_148 = arith.minsi %add3A_146, %min3A_147 : i32
      %get3A_149 = arith.constant 80 : index
      %get3A_150 = tpu.vector_load %arg7[%get3A_149] {strides = array<i32>} : memref<784xf32, #tpu.memory_space<vmem>>, vector<16xf32>,
      %ge3A_151 = arith.cmpf oge, %get3A_150, %bitcast3A : vector<16xf32>
      %iota3A_152 = tpu.iota {dimensions = array<i32: 0>} : vector<16xi32>
      %add3A_153 = arith.constant 80 : i32
      %add3A_154 = vector.broadcast %add3A_153 : i32 to vector<16xi32>
      %add3A_155 = arith.addi %iota3A_152, %add3A_154 : vector<16xi32>
      %swap3A_156 = arith.index_cast %min3A_148 : i32 to index
      %swap3A_157 = tpu.vector_load %arg9[%swap3A_156] masked %ge3A_151 {strides = array<i32>} : memref<144xi32, #tpu.memory_space<vmem>>, vector<16xi32>, vector<16xi1>
      tpu.vector_store %arg9[%swap3A_156], %add3A_155 masked %ge3A_151 {strides = array<i32>} : memref<144xi32, #tpu.memory_space<vmem>>, vector<16xi32>, vector<16xi1>
      %all_reduce_population_count3A_158 = tpu.all_reduce %ge3A_151 {dim = 0 : i64, kind = #tpu.reduction_kind<sum>} : vector<16xi1> -> vector<16xi32>
      %reduce_max3A_159 = arith.constant true
      %reduce_max3A_160 = vector.broadcast %reduce_max3A_159 : i1 to vector<16xi1>
      %reduce_max3A_161 = arith.constant -2147483648 : i32
      %reduce_max3A_162 = vector.broadcast %reduce_max3A_161 : i32 to vector<16xi32>
      %reduce_max3A_163 = arith.xori %all_reduce_population_count3A_158, %reduce_max3A_162 : vector<16xi32>
      %reduce_max3A_164 = tpu.scan <max>, %reduce_max3A_163 masked %reduce_max3A_160 : vector<16xi32>, vector<16xi1> -> vector<16xi32>
      %reduce_max3A_165 = arith.xori %reduce_max3A_164, %reduce_max3A_162 : vector<16xi32>
      %reduce_max3A_166 = vector.extract %reduce_max3A_165[15] : i32 from vector<16xi32>
      %add3A_167 = arith.addi %min3A_148, %reduce_max3A_166 : i32
      %min3A_168 = arith.constant 128 : i32
      %min3A_169 = arith.minsi %add3A_167, %min3A_168 : i32
      %get3A_170 = arith.constant 96 : index
      %get3A_171 = tpu.vector_load %arg7[%get3A_170] {strides = array<i32>} : memref<784xf32, #tpu.memory_space<vmem>>, vector<16xf32>,
      %ge3A_172 = arith.cmpf oge, %get3A_171, %bitcast3A : vector<16xf32>
      %iota3A_173 = tpu.iota {dimensions = array<i32: 0>} : vector<16xi32>
      %add3A_174 = arith.constant 96 : i32
      %add3A_175 = vector.broadcast %add3A_174 : i32 to vector<16xi32>
      %add3A_176 = arith.addi %iota3A_173, %add3A_175 : vector<16xi32>
      %swap3A_177 = arith.index_cast %min3A_169 : i32 to index
      %swap3A_178 = tpu.vector_load %arg9[%swap3A_177] masked %ge3A_172 {strides = array<i32>} : memref<144xi32, #tpu.memory_space<vmem>>, vector<16xi32>, vector<16xi1>
      tpu.vector_store %arg9[%swap3A_177], %add3A_176 masked %ge3A_172 {strides = array<i32>} : memref<144xi32, #tpu.memory_space<vmem>>, vector<16xi32>, vector<16xi1>
      %all_reduce_population_count3A_179 = tpu.all_reduce %ge3A_172 {dim = 0 : i64, kind = #tpu.reduction_kind<sum>} : vector<16xi1> -> vector<16xi32>
      %reduce_max3A_180 = arith.constant true
      %reduce_max3A_181 = vector.broadcast %reduce_max3A_180 : i1 to vector<16xi1>
      %reduce_max3A_182 = arith.constant -2147483648 : i32
      %reduce_max3A_183 = vector.broadcast %reduce_max3A_182 : i32 to vector<16xi32>
      %reduce_max3A_184 = arith.xori %all_reduce_population_count3A_179, %reduce_max3A_183 : vector<16xi32>
      %reduce_max3A_185 = tpu.scan <max>, %reduce_max3A_184 masked %reduce_max3A_181 : vector<16xi32>, vector<16xi1> -> vector<16xi32>
      %reduce_max3A_186 = arith.xori %reduce_max3A_185, %reduce_max3A_183 : vector<16xi32>
      %reduce_max3A_187 = vector.extract %reduce_max3A_186[15] : i32 from vector<16xi32>
      %add3A_188 = arith.addi %min3A_169, %reduce_max3A_187 : i32
      %min3A_189 = arith.constant 128 : i32
      %min3A_190 = arith.minsi %add3A_188, %min3A_189 : i32
      %get3A_191 = arith.constant 112 : index
      %get3A_192 = tpu.vector_load %arg7[%get3A_191] {strides = array<i32>} : memref<784xf32, #tpu.memory_space<vmem>>, vector<16xf32>,
      %ge3A_193 = arith.cmpf oge, %get3A_192, %bitcast3A : vector<16xf32>
      %iota3A_194 = tpu.iota {dimensions = array<i32: 0>} : vector<16xi32>
      %add3A_195 = arith.constant 112 : i32
      %add3A_196 = vector.broadcast %add3A_195 : i32 to vector<16xi32>
      %add3A_197 = arith.addi %iota3A_194, %add3A_196 : vector<16xi32>
      %swap3A_198 = arith.index_cast %min3A_190 : i32 to index
      %swap3A_199 = tpu.vector_load %arg9[%swap3A_198] masked %ge3A_193 {strides = array<i32>} : memref<144xi32, #tpu.memory_space<vmem>>, vector<16xi32>, vector<16xi1>
      tpu.vector_store %arg9[%swap3A_198], %add3A_197 masked %ge3A_193 {strides = array<i32>} : memref<144xi32, #tpu.memory_space<vmem>>, vector<16xi32>, vector<16xi1>
      %all_reduce_population_count3A_200 = tpu.all_reduce %ge3A_193 {dim = 0 : i64, kind = #tpu.reduction_kind<sum>} : vector<16xi1> -> vector<16xi32>
      %reduce_max3A_201 = arith.constant true
      %reduce_max3A_202 = vector.broadcast %reduce_max3A_201 : i1 to vector<16xi1>
      %reduce_max3A_203 = arith.constant -2147483648 : i32
      %reduce_max3A_204 = vector.broadcast %reduce_max3A_203 : i32 to vector<16xi32>
      %reduce_max3A_205 = arith.xori %all_reduce_population_count3A_200, %reduce_max3A_204 : vector<16xi32>
      %reduce_max3A_206 = tpu.scan <max>, %reduce_max3A_205 masked %reduce_max3A_202 : vector<16xi32>, vector<16xi1> -> vector<16xi32>
      %reduce_max3A_207 = arith.xori %reduce_max3A_206, %reduce_max3A_204 : vector<16xi32>
      %reduce_max3A_208 = vector.extract %reduce_max3A_207[15] : i32 from vector<16xi32>
      %add3A_209 = arith.addi %min3A_190, %reduce_max3A_208 : i32
      %min3A_210 = arith.constant 128 : i32
      %min3A_211 = arith.minsi %add3A_209, %min3A_210 : i32
      %get3A_212 = arith.constant 128 : index
      %get3A_213 = tpu.vector_load %arg7[%get3A_212] {strides = array<i32>} : memref<784xf32, #tpu.memory_space<vmem>>, vector<16xf32>,
      %ge3A_214 = arith.cmpf oge, %get3A_213, %bitcast3A : vector<16xf32>
      %iota3A_215 = tpu.iota {dimensions = array<i32: 0>} : vector<16xi32>
      %add3A_216 = arith.constant 128 : i32
      %add3A_217 = vector.broadcast %add3A_216 : i32 to vector<16xi32>
      %add3A_218 = arith.addi %iota3A_215, %add3A_217 : vector<16xi32>
      %swap3A_219 = arith.index_cast %min3A_211 : i32 to index
      %swap3A_220 = tpu.vector_load %arg9[%swap3A_219] masked %ge3A_214 {strides = array<i32>} : memref<144xi32, #tpu.memory_space<vmem>>, vector<16xi32>, vector<16xi1>
      tpu.vector_store %arg9[%swap3A_219], %add3A_218 masked %ge3A_214 {strides = array<i32>} : memref<144xi32, #tpu.memory_space<vmem>>, vector<16xi32>, vector<16xi1>
      %all_reduce_population_count3A_221 = tpu.all_reduce %ge3A_214 {dim = 0 : i64, kind = #tpu.reduction_kind<sum>} : vector<16xi1> -> vector<16xi32>
      %reduce_max3A_222 = arith.constant true
      %reduce_max3A_223 = vector.broadcast %reduce_max3A_222 : i1 to vector<16xi1>
      %reduce_max3A_224 = arith.constant -2147483648 : i32
      %reduce_max3A_225 = vector.broadcast %reduce_max3A_224 : i32 to vector<16xi32>
      %reduce_max3A_226 = arith.xori %all_reduce_population_count3A_221, %reduce_max3A_225 : vector<16xi32>
      %reduce_max3A_227 = tpu.scan <max>, %reduce_max3A_226 masked %reduce_max3A_223 : vector<16xi32>, vector<16xi1> -> vector<16xi32>
      %reduce_max3A_228 = arith.xori %reduce_max3A_227, %reduce_max3A_225 : vector<16xi32>
      %reduce_max3A_229 = vector.extract %reduce_max3A_228[15] : i32 from vector<16xi32>
      %add3A_230 = arith.addi %min3A_211, %reduce_max3A_229 : i32
      %min3A_231 = arith.constant 128 : i32
      %min3A_232 = arith.minsi %add3A_230, %min3A_231 : i32
      %get3A_233 = arith.constant 144 : index
      %get3A_234 = tpu.vector_load %arg7[%get3A_233] {strides = array<i32>} : memref<784xf32, #tpu.memory_space<vmem>>, vector<16xf32>,
      %ge3A_235 = arith.cmpf oge, %get3A_234, %bitcast3A : vector<16xf32>
      %iota3A_236 = tpu.iota {dimensions = array<i32: 0>} : vector<16xi32>
      %add3A_237 = arith.constant 144 : i32
      %add3A_238 = vector.broadcast %add3A_237 : i32 to vector<16xi32>
      %add3A_239 = arith.addi %iota3A_236, %add3A_238 : vector<16xi32>
      %swap3A_240 = arith.index_cast %min3A_232 : i32 to index
      %swap3A_241 = tpu.vector_load %arg9[%swap3A_240] masked %ge3A_235 {strides = array<i32>} : memref<144xi32, #tpu.memory_space<vmem>>, vector<16xi32>, vector<16xi1>
      tpu.vector_store %arg9[%swap3A_240], %add3A_239 masked %ge3A_235 {strides = array<i32>} : memref<144xi32, #tpu.memory_space<vmem>>, vector<16xi32>, vector<16xi1>
      %all_reduce_population_count3A_242 = tpu.all_reduce %ge3A_235 {dim = 0 : i64, kind = #tpu.reduction_kind<sum>} : vector<16xi1> -> vector<16xi32>
      %reduce_max3A_243 = arith.constant true
      %reduce_max3A_244 = vector.broadcast %reduce_max3A_243 : i1 to vector<16xi1>
      %reduce_max3A_245 = arith.constant -2147483648 : i32
      %reduce_max3A_246 = vector.broadcast %reduce_max3A_245 : i32 to vector<16xi32>
      %reduce_max3A_247 = arith.xori %all_reduce_population_count3A_242, %reduce_max3A_246 : vector<16xi32>
      %reduce_max3A_248 = tpu.scan <max>, %reduce_max3A_247 masked %reduce_max3A_244 : vector<16xi32>, vector<16xi1> -> vector<16xi32>
      %reduce_max3A_249 = arith.xori %reduce_max3A_248, %reduce_max3A_246 : vector<16xi32>
      %reduce_max3A_250 = vector.extract %reduce_max3A_249[15] : i32 from vector<16xi32>
      %add3A_251 = arith.addi %min3A_232, %reduce_max3A_250 : i32
      %min3A_252 = arith.constant 128 : i32
      %min3A_253 = arith.minsi %add3A_251, %min3A_252 : i32
      %get3A_254 = arith.constant 160 : index
      %get3A_255 = tpu.vector_load %arg7[%get3A_254] {strides = array<i32>} : memref<784xf32, #tpu.memory_space<vmem>>, vector<16xf32>,
      %ge3A_256 = arith.cmpf oge, %get3A_255, %bitcast3A : vector<16xf32>
      %iota3A_257 = tpu.iota {dimensions = array<i32: 0>} : vector<16xi32>
      %add3A_258 = arith.constant 160 : i32
      %add3A_259 = vector.broadcast %add3A_258 : i32 to vector<16xi32>
      %add3A_260 = arith.addi %iota3A_257, %add3A_259 : vector<16xi32>
      %swap3A_261 = arith.index_cast %min3A_253 : i32 to index
      %swap3A_262 = tpu.vector_load %arg9[%swap3A_261] masked %ge3A_256 {strides = array<i32>} : memref<144xi32, #tpu.memory_space<vmem>>, vector<16xi32>, vector<16xi1>
      tpu.vector_store %arg9[%swap3A_261], %add3A_260 masked %ge3A_256 {strides = array<i32>} : memref<144xi32, #tpu.memory_space<vmem>>, vector<16xi32>, vector<16xi1>
      %all_reduce_population_count3A_263 = tpu.all_reduce %ge3A_256 {dim = 0 : i64, kind = #tpu.reduction_kind<sum>} : vector<16xi1> -> vector<16xi32>
      %reduce_max3A_264 = arith.constant true
      %reduce_max3A_265 = vector.broadcast %reduce_max3A_264 : i1 to vector<16xi1>
      %reduce_max3A_266 = arith.constant -2147483648 : i32
      %reduce_max3A_267 = vector.broadcast %reduce_max3A_266 : i32 to vector<16xi32>
      %reduce_max3A_268 = arith.xori %all_reduce_population_count3A_263, %reduce_max3A_267 : vector<16xi32>
      %reduce_max3A_269 = tpu.scan <max>, %reduce_max3A_268 masked %reduce_max3A_265 : vector<16xi32>, vector<16xi1> -> vector<16xi32>
      %reduce_max3A_270 = arith.xori %reduce_max3A_269, %reduce_max3A_267 : vector<16xi32>
      %reduce_max3A_271 = vector.extract %reduce_max3A_270[15] : i32 from vector<16xi32>
      %add3A_272 = arith.addi %min3A_253, %reduce_max3A_271 : i32
      %min3A_273 = arith.constant 128 : i32
      %min3A_274 = arith.minsi %add3A_272, %min3A_273 : i32
      %get3A_275 = arith.constant 176 : index
      %get3A_276 = tpu.vector_load %arg7[%get3A_275] {strides = array<i32>} : memref<784xf32, #tpu.memory_space<vmem>>, vector<16xf32>,
      %ge3A_277 = arith.cmpf oge, %get3A_276, %bitcast3A : vector<16xf32>
      %iota3A_278 = tpu.iota {dimensions = array<i32: 0>} : vector<16xi32>
      %add3A_279 = arith.constant 176 : i32
      %add3A_280 = vector.broadcast %add3A_279 : i32 to vector<16xi32>
      %add3A_281 = arith.addi %iota3A_278, %add3A_280 : vector<16xi32>
      %swap3A_282 = arith.index_cast %min3A_274 : i32 to index
      %swap3A_283 = tpu.vector_load %arg9[%swap3A_282] masked %ge3A_277 {strides = array<i32>} : memref<144xi32, #tpu.memory_space<vmem>>, vector<16xi32>, vector<16xi1>
      tpu.vector_store %arg9[%swap3A_282], %add3A_281 masked %ge3A_277 {strides = array<i32>} : memref<144xi32, #tpu.memory_space<vmem>>, vector<16xi32>, vector<16xi1>
      %all_reduce_population_count3A_284 = tpu.all_reduce %ge3A_277 {dim = 0 : i64, kind = #tpu.reduction_kind<sum>} : vector<16xi1> -> vector<16xi32>
      %reduce_max3A_285 = arith.constant true
      %reduce_max3A_286 = vector.broadcast %reduce_max3A_285 : i1 to vector<16xi1>
      %reduce_max3A_287 = arith.constant -2147483648 : i32
      %reduce_max3A_288 = vector.broadcast %reduce_max3A_287 : i32 to vector<16xi32>
      %reduce_max3A_289 = arith.xori %all_reduce_population_count3A_284, %reduce_max3A_288 : vector<16xi32>
      %reduce_max3A_290 = tpu.scan <max>, %reduce_max3A_289 masked %reduce_max3A_286 : vector<16xi32>, vector<16xi1> -> vector<16xi32>
      %reduce_max3A_291 = arith.xori %reduce_max3A_290, %reduce_max3A_288 : vector<16xi32>
      %reduce_max3A_292 = vector.extract %reduce_max3A_291[15] : i32 from vector<16xi32>
      %add3A_293 = arith.addi %min3A_274, %reduce_max3A_292 : i32
      %min3A_294 = arith.constant 128 : i32
      %min3A_295 = arith.minsi %add3A_293, %min3A_294 : i32
      %get3A_296 = arith.constant 192 : index
      %get3A_297 = tpu.vector_load %arg7[%get3A_296] {strides = array<i32>} : memref<784xf32, #tpu.memory_space<vmem>>, vector<16xf32>,
      %ge3A_298 = arith.cmpf oge, %get3A_297, %bitcast3A : vector<16xf32>
      %iota3A_299 = tpu.iota {dimensions = array<i32: 0>} : vector<16xi32>
      %add3A_300 = arith.constant 192 : i32
      %add3A_301 = vector.broadcast %add3A_300 : i32 to vector<16xi32>
      %add3A_302 = arith.addi %iota3A_299, %add3A_301 : vector<16xi32>
      %swap3A_303 = arith.index_cast %min3A_295 : i32 to index
      %swap3A_304 = tpu.vector_load %arg9[%swap3A_303] masked %ge3A_298 {strides = array<i32>} : memref<144xi32, #tpu.memory_space<vmem>>, vector<16xi32>, vector<16xi1>
      tpu.vector_store %arg9[%swap3A_303], %add3A_302 masked %ge3A_298 {strides = array<i32>} : memref<144xi32, #tpu.memory_space<vmem>>, vector<16xi32>, vector<16xi1>
      %all_reduce_population_count3A_305 = tpu.all_reduce %ge3A_298 {dim = 0 : i64, kind = #tpu.reduction_kind<sum>} : vector<16xi1> -> vector<16xi32>
      %reduce_max3A_306 = arith.constant true
      %reduce_max3A_307 = vector.broadcast %reduce_max3A_306 : i1 to vector<16xi1>
      %reduce_max3A_308 = arith.constant -2147483648 : i32
      %reduce_max3A_309 = vector.broadcast %reduce_max3A_308 : i32 to vector<16xi32>
      %reduce_max3A_310 = arith.xori %all_reduce_population_count3A_305, %reduce_max3A_309 : vector<16xi32>
      %reduce_max3A_311 = tpu.scan <max>, %reduce_max3A_310 masked %reduce_max3A_307 : vector<16xi32>, vector<16xi1> -> vector<16xi32>
      %reduce_max3A_312 = arith.xori %reduce_max3A_311, %reduce_max3A_309 : vector<16xi32>
      %reduce_max3A_313 = vector.extract %reduce_max3A_312[15] : i32 from vector<16xi32>
      %add3A_314 = arith.addi %min3A_295, %reduce_max3A_313 : i32
      %min3A_315 = arith.constant 128 : i32
      %min3A_316 = arith.minsi %add3A_314, %min3A_315 : i32
      %get3A_317 = arith.constant 208 : index
      %get3A_318 = tpu.vector_load %arg7[%get3A_317] {strides = array<i32>} : memref<784xf32, #tpu.memory_space<vmem>>, vector<16xf32>,
      %ge3A_319 = arith.cmpf oge, %get3A_318, %bitcast3A : vector<16xf32>
      %iota3A_320 = tpu.iota {dimensions = array<i32: 0>} : vector<16xi32>
      %add3A_321 = arith.constant 208 : i32
      %add3A_322 = vector.broadcast %add3A_321 : i32 to vector<16xi32>
      %add3A_323 = arith.addi %iota3A_320, %add3A_322 : vector<16xi32>
      %swap3A_324 = arith.index_cast %min3A_316 : i32 to index
      %swap3A_325 = tpu.vector_load %arg9[%swap3A_324] masked %ge3A_319 {strides = array<i32>} : memref<144xi32, #tpu.memory_space<vmem>>, vector<16xi32>, vector<16xi1>
      tpu.vector_store %arg9[%swap3A_324], %add3A_323 masked %ge3A_319 {strides = array<i32>} : memref<144xi32, #tpu.memory_space<vmem>>, vector<16xi32>, vector<16xi1>
      %all_reduce_population_count3A_326 = tpu.all_reduce %ge3A_319 {dim = 0 : i64, kind = #tpu.reduction_kind<sum>} : vector<16xi1> -> vector<16xi32>
      %reduce_max3A_327 = arith.constant true
      %reduce_max3A_328 = vector.broadcast %reduce_max3A_327 : i1 to vector<16xi1>
      %reduce_max3A_329 = arith.constant -2147483648 : i32
      %reduce_max3A_330 = vector.broadcast %reduce_max3A_329 : i32 to vector<16xi32>
      %reduce_max3A_331 = arith.xori %all_reduce_population_count3A_326, %reduce_max3A_330 : vector<16xi32>
      %reduce_max3A_332 = tpu.scan <max>, %reduce_max3A_331 masked %reduce_max3A_328 : vector<16xi32>, vector<16xi1> -> vector<16xi32>
      %reduce_max3A_333 = arith.xori %reduce_max3A_332, %reduce_max3A_330 : vector<16xi32>
      %reduce_max3A_334 = vector.extract %reduce_max3A_333[15] : i32 from vector<16xi32>
      %add3A_335 = arith.addi %min3A_316, %reduce_max3A_334 : i32
      %min3A_336 = arith.constant 128 : i32
      %min3A_337 = arith.minsi %add3A_335, %min3A_336 : i32
      %get3A_338 = arith.constant 224 : index
      %get3A_339 = tpu.vector_load %arg7[%get3A_338] {strides = array<i32>} : memref<784xf32, #tpu.memory_space<vmem>>, vector<16xf32>,
      %ge3A_340 = arith.cmpf oge, %get3A_339, %bitcast3A : vector<16xf32>
      %iota3A_341 = tpu.iota {dimensions = array<i32: 0>} : vector<16xi32>
      %add3A_342 = arith.constant 224 : i32
      %add3A_343 = vector.broadcast %add3A_342 : i32 to vector<16xi32>
      %add3A_344 = arith.addi %iota3A_341, %add3A_343 : vector<16xi32>
      %swap3A_345 = arith.index_cast %min3A_337 : i32 to index
      %swap3A_346 = tpu.vector_load %arg9[%swap3A_345] masked %ge3A_340 {strides = array<i32>} : memref<144xi32, #tpu.memory_space<vmem>>, vector<16xi32>, vector<16xi1>
      tpu.vector_store %arg9[%swap3A_345], %add3A_344 masked %ge3A_340 {strides = array<i32>} : memref<144xi32, #tpu.memory_space<vmem>>, vector<16xi32>, vector<16xi1>
      %all_reduce_population_count3A_347 = tpu.all_reduce %ge3A_340 {dim = 0 : i64, kind = #tpu.reduction_kind<sum>} : vector<16xi1> -> vector<16xi32>
      %reduce_max3A_348 = arith.constant true
      %reduce_max3A_349 = vector.broadcast %reduce_max3A_348 : i1 to vector<16xi1>
      %reduce_max3A_350 = arith.constant -2147483648 : i32
      %reduce_max3A_351 = vector.broadcast %reduce_max3A_350 : i32 to vector<16xi32>
      %reduce_max3A_352 = arith.xori %all_reduce_population_count3A_347, %reduce_max3A_351 : vector<16xi32>
      %reduce_max3A_353 = tpu.scan <max>, %reduce_max3A_352 masked %reduce_max3A_349 : vector<16xi32>, vector<16xi1> -> vector<16xi32>
      %reduce_max3A_354 = arith.xori %reduce_max3A_353, %reduce_max3A_351 : vector<16xi32>
      %reduce_max3A_355 = vector.extract %reduce_max3A_354[15] : i32 from vector<16xi32>
      %add3A_356 = arith.addi %min3A_337, %reduce_max3A_355 : i32
      %min3A_357 = arith.constant 128 : i32
      %min3A_358 = arith.minsi %add3A_356, %min3A_357 : i32
      %get3A_359 = arith.constant 240 : index
      %get3A_360 = tpu.vector_load %arg7[%get3A_359] {strides = array<i32>} : memref<784xf32, #tpu.memory_space<vmem>>, vector<16xf32>,
      %ge3A_361 = arith.cmpf oge, %get3A_360, %bitcast3A : vector<16xf32>
      %iota3A_362 = tpu.iota {dimensions = array<i32: 0>} : vector<16xi32>
      %add3A_363 = arith.constant 240 : i32
      %add3A_364 = vector.broadcast %add3A_363 : i32 to vector<16xi32>
      %add3A_365 = arith.addi %iota3A_362, %add3A_364 : vector<16xi32>
      %swap3A_366 = arith.index_cast %min3A_358 : i32 to index
      %swap3A_367 = tpu.vector_load %arg9[%swap3A_366] masked %ge3A_361 {strides = array<i32>} : memref<144xi32, #tpu.memory_space<vmem>>, vector<16xi32>, vector<16xi1>
      tpu.vector_store %arg9[%swap3A_366], %add3A_365 masked %ge3A_361 {strides = array<i32>} : memref<144xi32, #tpu.memory_space<vmem>>, vector<16xi32>, vector<16xi1>
      %all_reduce_population_count3A_368 = tpu.all_reduce %ge3A_361 {dim = 0 : i64, kind = #tpu.reduction_kind<sum>} : vector<16xi1> -> vector<16xi32>
      %reduce_max3A_369 = arith.constant true
      %reduce_max3A_370 = vector.broadcast %reduce_max3A_369 : i1 to vector<16xi1>
      %reduce_max3A_371 = arith.constant -2147483648 : i32
      %reduce_max3A_372 = vector.broadcast %reduce_max3A_371 : i32 to vector<16xi32>
      %reduce_max3A_373 = arith.xori %all_reduce_population_count3A_368, %reduce_max3A_372 : vector<16xi32>
      %reduce_max3A_374 = tpu.scan <max>, %reduce_max3A_373 masked %reduce_max3A_370 : vector<16xi32>, vector<16xi1> -> vector<16xi32>
      %reduce_max3A_375 = arith.xori %reduce_max3A_374, %reduce_max3A_372 : vector<16xi32>
      %reduce_max3A_376 = vector.extract %reduce_max3A_375[15] : i32 from vector<16xi32>
      %add3A_377 = arith.addi %min3A_358, %reduce_max3A_376 : i32
      %min3A_378 = arith.constant 128 : i32
      %min3A_379 = arith.minsi %add3A_377, %min3A_378 : i32
      %get3A_380 = arith.constant 256 : index
      %get3A_381 = tpu.vector_load %arg7[%get3A_380] {strides = array<i32>} : memref<784xf32, #tpu.memory_space<vmem>>, vector<16xf32>,
      %ge3A_382 = arith.cmpf oge, %get3A_381, %bitcast3A : vector<16xf32>
      %iota3A_383 = tpu.iota {dimensions = array<i32: 0>} : vector<16xi32>
      %add3A_384 = arith.constant 256 : i32
      %add3A_385 = vector.broadcast %add3A_384 : i32 to vector<16xi32>
      %add3A_386 = arith.addi %iota3A_383, %add3A_385 : vector<16xi32>
      %swap3A_387 = arith.index_cast %min3A_379 : i32 to index
      %swap3A_388 = tpu.vector_load %arg9[%swap3A_387] masked %ge3A_382 {strides = array<i32>} : memref<144xi32, #tpu.memory_space<vmem>>, vector<16xi32>, vector<16xi1>
      tpu.vector_store %arg9[%swap3A_387], %add3A_386 masked %ge3A_382 {strides = array<i32>} : memref<144xi32, #tpu.memory_space<vmem>>, vector<16xi32>, vector<16xi1>
      %all_reduce_population_count3A_389 = tpu.all_reduce %ge3A_382 {dim = 0 : i64, kind = #tpu.reduction_kind<sum>} : vector<16xi1> -> vector<16xi32>
      %reduce_max3A_390 = arith.constant true
      %reduce_max3A_391 = vector.broadcast %reduce_max3A_390 : i1 to vector<16xi1>
      %reduce_max3A_392 = arith.constant -2147483648 : i32
      %reduce_max3A_393 = vector.broadcast %reduce_max3A_392 : i32 to vector<16xi32>
      %reduce_max3A_394 = arith.xori %all_reduce_population_count3A_389, %reduce_max3A_393 : vector<16xi32>
      %reduce_max3A_395 = tpu.scan <max>, %reduce_max3A_394 masked %reduce_max3A_391 : vector<16xi32>, vector<16xi1> -> vector<16xi32>
      %reduce_max3A_396 = arith.xori %reduce_max3A_395, %reduce_max3A_393 : vector<16xi32>
      %reduce_max3A_397 = vector.extract %reduce_max3A_396[15] : i32 from vector<16xi32>
      %add3A_398 = arith.addi %min3A_379, %reduce_max3A_397 : i32
      %min3A_399 = arith.constant 128 : i32
      %min3A_400 = arith.minsi %add3A_398, %min3A_399 : i32
      %get3A_401 = arith.constant 272 : index
      %get3A_402 = tpu.vector_load %arg7[%get3A_401] {strides = array<i32>} : memref<784xf32, #tpu.memory_space<vmem>>, vector<16xf32>,
      %ge3A_403 = arith.cmpf oge, %get3A_402, %bitcast3A : vector<16xf32>
      %iota3A_404 = tpu.iota {dimensions = array<i32: 0>} : vector<16xi32>
      %add3A_405 = arith.constant 272 : i32
      %add3A_406 = vector.broadcast %add3A_405 : i32 to vector<16xi32>
      %add3A_407 = arith.addi %iota3A_404, %add3A_406 : vector<16xi32>
      %swap3A_408 = arith.index_cast %min3A_400 : i32 to index
      %swap3A_409 = tpu.vector_load %arg9[%swap3A_408] masked %ge3A_403 {strides = array<i32>} : memref<144xi32, #tpu.memory_space<vmem>>, vector<16xi32>, vector<16xi1>
      tpu.vector_store %arg9[%swap3A_408], %add3A_407 masked %ge3A_403 {strides = array<i32>} : memref<144xi32, #tpu.memory_space<vmem>>, vector<16xi32>, vector<16xi1>
      %all_reduce_population_count3A_410 = tpu.all_reduce %ge3A_403 {dim = 0 : i64, kind = #tpu.reduction_kind<sum>} : vector<16xi1> -> vector<16xi32>
      %reduce_max3A_411 = arith.constant true
      %reduce_max3A_412 = vector.broadcast %reduce_max3A_411 : i1 to vector<16xi1>
      %reduce_max3A_413 = arith.constant -2147483648 : i32
      %reduce_max3A_414 = vector.broadcast %reduce_max3A_413 : i32 to vector<16xi32>
      %reduce_max3A_415 = arith.xori %all_reduce_population_count3A_410, %reduce_max3A_414 : vector<16xi32>
      %reduce_max3A_416 = tpu.scan <max>, %reduce_max3A_415 masked %reduce_max3A_412 : vector<16xi32>, vector<16xi1> -> vector<16xi32>
      %reduce_max3A_417 = arith.xori %reduce_max3A_416, %reduce_max3A_414 : vector<16xi32>
      %reduce_max3A_418 = vector.extract %reduce_max3A_417[15] : i32 from vector<16xi32>
      %add3A_419 = arith.addi %min3A_400, %reduce_max3A_418 : i32
      %min3A_420 = arith.constant 128 : i32
      %min3A_421 = arith.minsi %add3A_419, %min3A_420 : i32
      %get3A_422 = arith.constant 288 : index
      %get3A_423 = tpu.vector_load %arg7[%get3A_422] {strides = array<i32>} : memref<784xf32, #tpu.memory_space<vmem>>, vector<16xf32>,
      %ge3A_424 = arith.cmpf oge, %get3A_423, %bitcast3A : vector<16xf32>
      %iota3A_425 = tpu.iota {dimensions = array<i32: 0>} : vector<16xi32>
      %add3A_426 = arith.constant 288 : i32
      %add3A_427 = vector.broadcast %add3A_426 : i32 to vector<16xi32>
      %add3A_428 = arith.addi %iota3A_425, %add3A_427 : vector<16xi32>
      %swap3A_429 = arith.index_cast %min3A_421 : i32 to index
      %swap3A_430 = tpu.vector_load %arg9[%swap3A_429] masked %ge3A_424 {strides = array<i32>} : memref<144xi32, #tpu.memory_space<vmem>>, vector<16xi32>, vector<16xi1>
      tpu.vector_store %arg9[%swap3A_429], %add3A_428 masked %ge3A_424 {strides = array<i32>} : memref<144xi32, #tpu.memory_space<vmem>>, vector<16xi32>, vector<16xi1>
      %all_reduce_population_count3A_431 = tpu.all_reduce %ge3A_424 {dim = 0 : i64, kind = #tpu.reduction_kind<sum>} : vector<16xi1> -> vector<16xi32>
      %reduce_max3A_432 = arith.constant true
      %reduce_max3A_433 = vector.broadcast %reduce_max3A_432 : i1 to vector<16xi1>
      %reduce_max3A_434 = arith.constant -2147483648 : i32
      %reduce_max3A_435 = vector.broadcast %reduce_max3A_434 : i32 to vector<16xi32>
      %reduce_max3A_436 = arith.xori %all_reduce_population_count3A_431, %reduce_max3A_435 : vector<16xi32>
      %reduce_max3A_437 = tpu.scan <max>, %reduce_max3A_436 masked %reduce_max3A_433 : vector<16xi32>, vector<16xi1> -> vector<16xi32>
      %reduce_max3A_438 = arith.xori %reduce_max3A_437, %reduce_max3A_435 : vector<16xi32>
      %reduce_max3A_439 = vector.extract %reduce_max3A_438[15] : i32 from vector<16xi32>
      %add3A_440 = arith.addi %min3A_421, %reduce_max3A_439 : i32
      %min3A_441 = arith.constant 128 : i32
      %min3A_442 = arith.minsi %add3A_440, %min3A_441 : i32
      %get3A_443 = arith.constant 304 : index
      %get3A_444 = tpu.vector_load %arg7[%get3A_443] {strides = array<i32>} : memref<784xf32, #tpu.memory_space<vmem>>, vector<16xf32>,
      %ge3A_445 = arith.cmpf oge, %get3A_444, %bitcast3A : vector<16xf32>
      %iota3A_446 = tpu.iota {dimensions = array<i32: 0>} : vector<16xi32>
      %add3A_447 = arith.constant 304 : i32
      %add3A_448 = vector.broadcast %add3A_447 : i32 to vector<16xi32>
      %add3A_449 = arith.addi %iota3A_446, %add3A_448 : vector<16xi32>
      %swap3A_450 = arith.index_cast %min3A_442 : i32 to index
      %swap3A_451 = tpu.vector_load %arg9[%swap3A_450] masked %ge3A_445 {strides = array<i32>} : memref<144xi32, #tpu.memory_space<vmem>>, vector<16xi32>, vector<16xi1>
      tpu.vector_store %arg9[%swap3A_450], %add3A_449 masked %ge3A_445 {strides = array<i32>} : memref<144xi32, #tpu.memory_space<vmem>>, vector<16xi32>, vector<16xi1>
      %all_reduce_population_count3A_452 = tpu.all_reduce %ge3A_445 {dim = 0 : i64, kind = #tpu.reduction_kind<sum>} : vector<16xi1> -> vector<16xi32>
      %reduce_max3A_453 = arith.constant true
      %reduce_max3A_454 = vector.broadcast %reduce_max3A_453 : i1 to vector<16xi1>
      %reduce_max3A_455 = arith.constant -2147483648 : i32
      %reduce_max3A_456 = vector.broadcast %reduce_max3A_455 : i32 to vector<16xi32>
      %reduce_max3A_457 = arith.xori %all_reduce_population_count3A_452, %reduce_max3A_456 : vector<16xi32>
      %reduce_max3A_458 = tpu.scan <max>, %reduce_max3A_457 masked %reduce_max3A_454 : vector<16xi32>, vector<16xi1> -> vector<16xi32>
      %reduce_max3A_459 = arith.xori %reduce_max3A_458, %reduce_max3A_456 : vector<16xi32>
      %reduce_max3A_460 = vector.extract %reduce_max3A_459[15] : i32 from vector<16xi32>
      %add3A_461 = arith.addi %min3A_442, %reduce_max3A_460 : i32
      %min3A_462 = arith.constant 128 : i32
      %min3A_463 = arith.minsi %add3A_461, %min3A_462 : i32
      %get3A_464 = arith.constant 320 : index
      %get3A_465 = tpu.vector_load %arg7[%get3A_464] {strides = array<i32>} : memref<784xf32, #tpu.memory_space<vmem>>, vector<16xf32>,
      %ge3A_466 = arith.cmpf oge, %get3A_465, %bitcast3A : vector<16xf32>
      %iota3A_467 = tpu.iota {dimensions = array<i32: 0>} : vector<16xi32>
      %add3A_468 = arith.constant 320 : i32
      %add3A_469 = vector.broadcast %add3A_468 : i32 to vector<16xi32>
      %add3A_470 = arith.addi %iota3A_467, %add3A_469 : vector<16xi32>
      %swap3A_471 = arith.index_cast %min3A_463 : i32 to index
      %swap3A_472 = tpu.vector_load %arg9[%swap3A_471] masked %ge3A_466 {strides = array<i32>} : memref<144xi32, #tpu.memory_space<vmem>>, vector<16xi32>, vector<16xi1>
      tpu.vector_store %arg9[%swap3A_471], %add3A_470 masked %ge3A_466 {strides = array<i32>} : memref<144xi32, #tpu.memory_space<vmem>>, vector<16xi32>, vector<16xi1>
      %all_reduce_population_count3A_473 = tpu.all_reduce %ge3A_466 {dim = 0 : i64, kind = #tpu.reduction_kind<sum>} : vector<16xi1> -> vector<16xi32>
      %reduce_max3A_474 = arith.constant true
      %reduce_max3A_475 = vector.broadcast %reduce_max3A_474 : i1 to vector<16xi1>
      %reduce_max3A_476 = arith.constant -2147483648 : i32
      %reduce_max3A_477 = vector.broadcast %reduce_max3A_476 : i32 to vector<16xi32>
      %reduce_max3A_478 = arith.xori %all_reduce_population_count3A_473, %reduce_max3A_477 : vector<16xi32>
      %reduce_max3A_479 = tpu.scan <max>, %reduce_max3A_478 masked %reduce_max3A_475 : vector<16xi32>, vector<16xi1> -> vector<16xi32>
      %reduce_max3A_480 = arith.xori %reduce_max3A_479, %reduce_max3A_477 : vector<16xi32>
      %reduce_max3A_481 = vector.extract %reduce_max3A_480[15] : i32 from vector<16xi32>
      %add3A_482 = arith.addi %min3A_463, %reduce_max3A_481 : i32
      %min3A_483 = arith.constant 128 : i32
      %min3A_484 = arith.minsi %add3A_482, %min3A_483 : i32
      %get3A_485 = arith.constant 336 : index
      %get3A_486 = tpu.vector_load %arg7[%get3A_485] {strides = array<i32>} : memref<784xf32, #tpu.memory_space<vmem>>, vector<16xf32>,
      %ge3A_487 = arith.cmpf oge, %get3A_486, %bitcast3A : vector<16xf32>
      %iota3A_488 = tpu.iota {dimensions = array<i32: 0>} : vector<16xi32>
      %add3A_489 = arith.constant 336 : i32
      %add3A_490 = vector.broadcast %add3A_489 : i32 to vector<16xi32>
      %add3A_491 = arith.addi %iota3A_488, %add3A_490 : vector<16xi32>
      %swap3A_492 = arith.index_cast %min3A_484 : i32 to index
      %swap3A_493 = tpu.vector_load %arg9[%swap3A_492] masked %ge3A_487 {strides = array<i32>} : memref<144xi32, #tpu.memory_space<vmem>>, vector<16xi32>, vector<16xi1>
      tpu.vector_store %arg9[%swap3A_492], %add3A_491 masked %ge3A_487 {strides = array<i32>} : memref<144xi32, #tpu.memory_space<vmem>>, vector<16xi32>, vector<16xi1>
      %all_reduce_population_count3A_494 = tpu.all_reduce %ge3A_487 {dim = 0 : i64, kind = #tpu.reduction_kind<sum>} : vector<16xi1> -> vector<16xi32>
      %reduce_max3A_495 = arith.constant true
      %reduce_max3A_496 = vector.broadcast %reduce_max3A_495 : i1 to vector<16xi1>
      %reduce_max3A_497 = arith.constant -2147483648 : i32
      %reduce_max3A_498 = vector.broadcast %reduce_max3A_497 : i32 to vector<16xi32>
      %reduce_max3A_499 = arith.xori %all_reduce_population_count3A_494, %reduce_max3A_498 : vector<16xi32>
      %reduce_max3A_500 = tpu.scan <max>, %reduce_max3A_499 masked %reduce_max3A_496 : vector<16xi32>, vector<16xi1> -> vector<16xi32>
      %reduce_max3A_501 = arith.xori %reduce_max3A_500, %reduce_max3A_498 : vector<16xi32>
      %reduce_max3A_502 = vector.extract %reduce_max3A_501[15] : i32 from vector<16xi32>
      %add3A_503 = arith.addi %min3A_484, %reduce_max3A_502 : i32
      %min3A_504 = arith.constant 128 : i32
      %min3A_505 = arith.minsi %add3A_503, %min3A_504 : i32
      %get3A_506 = arith.constant 352 : index
      %get3A_507 = tpu.vector_load %arg7[%get3A_506] {strides = array<i32>} : memref<784xf32, #tpu.memory_space<vmem>>, vector<16xf32>,
      %ge3A_508 = arith.cmpf oge, %get3A_507, %bitcast3A : vector<16xf32>
      %iota3A_509 = tpu.iota {dimensions = array<i32: 0>} : vector<16xi32>
      %add3A_510 = arith.constant 352 : i32
      %add3A_511 = vector.broadcast %add3A_510 : i32 to vector<16xi32>
      %add3A_512 = arith.addi %iota3A_509, %add3A_511 : vector<16xi32>
      %swap3A_513 = arith.index_cast %min3A_505 : i32 to index
      %swap3A_514 = tpu.vector_load %arg9[%swap3A_513] masked %ge3A_508 {strides = array<i32>} : memref<144xi32, #tpu.memory_space<vmem>>, vector<16xi32>, vector<16xi1>
      tpu.vector_store %arg9[%swap3A_513], %add3A_512 masked %ge3A_508 {strides = array<i32>} : memref<144xi32, #tpu.memory_space<vmem>>, vector<16xi32>, vector<16xi1>
      %all_reduce_population_count3A_515 = tpu.all_reduce %ge3A_508 {dim = 0 : i64, kind = #tpu.reduction_kind<sum>} : vector<16xi1> -> vector<16xi32>
      %reduce_max3A_516 = arith.constant true
      %reduce_max3A_517 = vector.broadcast %reduce_max3A_516 : i1 to vector<16xi1>
      %reduce_max3A_518 = arith.constant -2147483648 : i32
      %reduce_max3A_519 = vector.broadcast %reduce_max3A_518 : i32 to vector<16xi32>
      %reduce_max3A_520 = arith.xori %all_reduce_population_count3A_515, %reduce_max3A_519 : vector<16xi32>
      %reduce_max3A_521 = tpu.scan <max>, %reduce_max3A_520 masked %reduce_max3A_517 : vector<16xi32>, vector<16xi1> -> vector<16xi32>
      %reduce_max3A_522 = arith.xori %reduce_max3A_521, %reduce_max3A_519 : vector<16xi32>
      %reduce_max3A_523 = vector.extract %reduce_max3A_522[15] : i32 from vector<16xi32>
      %add3A_524 = arith.addi %min3A_505, %reduce_max3A_523 : i32
      %min3A_525 = arith.constant 128 : i32
      %min3A_526 = arith.minsi %add3A_524, %min3A_525 : i32
      %get3A_527 = arith.constant 368 : index
      %get3A_528 = tpu.vector_load %arg7[%get3A_527] {strides = array<i32>} : memref<784xf32, #tpu.memory_space<vmem>>, vector<16xf32>,
      %ge3A_529 = arith.cmpf oge, %get3A_528, %bitcast3A : vector<16xf32>
      %iota3A_530 = tpu.iota {dimensions = array<i32: 0>} : vector<16xi32>
      %add3A_531 = arith.constant 368 : i32
      %add3A_532 = vector.broadcast %add3A_531 : i32 to vector<16xi32>
      %add3A_533 = arith.addi %iota3A_530, %add3A_532 : vector<16xi32>
      %swap3A_534 = arith.index_cast %min3A_526 : i32 to index
      %swap3A_535 = tpu.vector_load %arg9[%swap3A_534] masked %ge3A_529 {strides = array<i32>} : memref<144xi32, #tpu.memory_space<vmem>>, vector<16xi32>, vector<16xi1>
      tpu.vector_store %arg9[%swap3A_534], %add3A_533 masked %ge3A_529 {strides = array<i32>} : memref<144xi32, #tpu.memory_space<vmem>>, vector<16xi32>, vector<16xi1>
      %all_reduce_population_count3A_536 = tpu.all_reduce %ge3A_529 {dim = 0 : i64, kind = #tpu.reduction_kind<sum>} : vector<16xi1> -> vector<16xi32>
      %reduce_max3A_537 = arith.constant true
      %reduce_max3A_538 = vector.broadcast %reduce_max3A_537 : i1 to vector<16xi1>
      %reduce_max3A_539 = arith.constant -2147483648 : i32
      %reduce_max3A_540 = vector.broadcast %reduce_max3A_539 : i32 to vector<16xi32>
      %reduce_max3A_541 = arith.xori %all_reduce_population_count3A_536, %reduce_max3A_540 : vector<16xi32>
      %reduce_max3A_542 = tpu.scan <max>, %reduce_max3A_541 masked %reduce_max3A_538 : vector<16xi32>, vector<16xi1> -> vector<16xi32>
      %reduce_max3A_543 = arith.xori %reduce_max3A_542, %reduce_max3A_540 : vector<16xi32>
      %reduce_max3A_544 = vector.extract %reduce_max3A_543[15] : i32 from vector<16xi32>
      %add3A_545 = arith.addi %min3A_526, %reduce_max3A_544 : i32
      %min3A_546 = arith.constant 128 : i32
      %min3A_547 = arith.minsi %add3A_545, %min3A_546 : i32
      %get3A_548 = arith.constant 384 : index
      %get3A_549 = tpu.vector_load %arg7[%get3A_548] {strides = array<i32>} : memref<784xf32, #tpu.memory_space<vmem>>, vector<16xf32>,
      %ge3A_550 = arith.cmpf oge, %get3A_549, %bitcast3A : vector<16xf32>
      %iota3A_551 = tpu.iota {dimensions = array<i32: 0>} : vector<16xi32>
      %add3A_552 = arith.constant 384 : i32
      %add3A_553 = vector.broadcast %add3A_552 : i32 to vector<16xi32>
      %add3A_554 = arith.addi %iota3A_551, %add3A_553 : vector<16xi32>
      %swap3A_555 = arith.index_cast %min3A_547 : i32 to index
      %swap3A_556 = tpu.vector_load %arg9[%swap3A_555] masked %ge3A_550 {strides = array<i32>} : memref<144xi32, #tpu.memory_space<vmem>>, vector<16xi32>, vector<16xi1>
      tpu.vector_store %arg9[%swap3A_555], %add3A_554 masked %ge3A_550 {strides = array<i32>} : memref<144xi32, #tpu.memory_space<vmem>>, vector<16xi32>, vector<16xi1>
      %all_reduce_population_count3A_557 = tpu.all_reduce %ge3A_550 {dim = 0 : i64, kind = #tpu.reduction_kind<sum>} : vector<16xi1> -> vector<16xi32>
      %reduce_max3A_558 = arith.constant true
      %reduce_max3A_559 = vector.broadcast %reduce_max3A_558 : i1 to vector<16xi1>
      %reduce_max3A_560 = arith.constant -2147483648 : i32
      %reduce_max3A_561 = vector.broadcast %reduce_max3A_560 : i32 to vector<16xi32>
      %reduce_max3A_562 = arith.xori %all_reduce_population_count3A_557, %reduce_max3A_561 : vector<16xi32>
      %reduce_max3A_563 = tpu.scan <max>, %reduce_max3A_562 masked %reduce_max3A_559 : vector<16xi32>, vector<16xi1> -> vector<16xi32>
      %reduce_max3A_564 = arith.xori %reduce_max3A_563, %reduce_max3A_561 : vector<16xi32>
      %reduce_max3A_565 = vector.extract %reduce_max3A_564[15] : i32 from vector<16xi32>
      %add3A_566 = arith.addi %min3A_547, %reduce_max3A_565 : i32
      %min3A_567 = arith.constant 128 : i32
      %min3A_568 = arith.minsi %add3A_566, %min3A_567 : i32
      %get3A_569 = arith.constant 400 : index
      %get3A_570 = tpu.vector_load %arg7[%get3A_569] {strides = array<i32>} : memref<784xf32, #tpu.memory_space<vmem>>, vector<16xf32>,
      %ge3A_571 = arith.cmpf oge, %get3A_570, %bitcast3A : vector<16xf32>
      %iota3A_572 = tpu.iota {dimensions = array<i32: 0>} : vector<16xi32>
      %add3A_573 = arith.constant 400 : i32
      %add3A_574 = vector.broadcast %add3A_573 : i32 to vector<16xi32>
      %add3A_575 = arith.addi %iota3A_572, %add3A_574 : vector<16xi32>
      %swap3A_576 = arith.index_cast %min3A_568 : i32 to index
      %swap3A_577 = tpu.vector_load %arg9[%swap3A_576] masked %ge3A_571 {strides = array<i32>} : memref<144xi32, #tpu.memory_space<vmem>>, vector<16xi32>, vector<16xi1>
      tpu.vector_store %arg9[%swap3A_576], %add3A_575 masked %ge3A_571 {strides = array<i32>} : memref<144xi32, #tpu.memory_space<vmem>>, vector<16xi32>, vector<16xi1>
      %all_reduce_population_count3A_578 = tpu.all_reduce %ge3A_571 {dim = 0 : i64, kind = #tpu.reduction_kind<sum>} : vector<16xi1> -> vector<16xi32>
      %reduce_max3A_579 = arith.constant true
      %reduce_max3A_580 = vector.broadcast %reduce_max3A_579 : i1 to vector<16xi1>
      %reduce_max3A_581 = arith.constant -2147483648 : i32
      %reduce_max3A_582 = vector.broadcast %reduce_max3A_581 : i32 to vector<16xi32>
      %reduce_max3A_583 = arith.xori %all_reduce_population_count3A_578, %reduce_max3A_582 : vector<16xi32>
      %reduce_max3A_584 = tpu.scan <max>, %reduce_max3A_583 masked %reduce_max3A_580 : vector<16xi32>, vector<16xi1> -> vector<16xi32>
      %reduce_max3A_585 = arith.xori %reduce_max3A_584, %reduce_max3A_582 : vector<16xi32>
      %reduce_max3A_586 = vector.extract %reduce_max3A_585[15] : i32 from vector<16xi32>
      %add3A_587 = arith.addi %min3A_568, %reduce_max3A_586 : i32
      %min3A_588 = arith.constant 128 : i32
      %min3A_589 = arith.minsi %add3A_587, %min3A_588 : i32
      %get3A_590 = arith.constant 416 : index
      %get3A_591 = tpu.vector_load %arg7[%get3A_590] {strides = array<i32>} : memref<784xf32, #tpu.memory_space<vmem>>, vector<16xf32>,
      %ge3A_592 = arith.cmpf oge, %get3A_591, %bitcast3A : vector<16xf32>
      %iota3A_593 = tpu.iota {dimensions = array<i32: 0>} : vector<16xi32>
      %add3A_594 = arith.constant 416 : i32
      %add3A_595 = vector.broadcast %add3A_594 : i32 to vector<16xi32>
      %add3A_596 = arith.addi %iota3A_593, %add3A_595 : vector<16xi32>
      %swap3A_597 = arith.index_cast %min3A_589 : i32 to index
      %swap3A_598 = tpu.vector_load %arg9[%swap3A_597] masked %ge3A_592 {strides = array<i32>} : memref<144xi32, #tpu.memory_space<vmem>>, vector<16xi32>, vector<16xi1>
      tpu.vector_store %arg9[%swap3A_597], %add3A_596 masked %ge3A_592 {strides = array<i32>} : memref<144xi32, #tpu.memory_space<vmem>>, vector<16xi32>, vector<16xi1>
      %all_reduce_population_count3A_599 = tpu.all_reduce %ge3A_592 {dim = 0 : i64, kind = #tpu.reduction_kind<sum>} : vector<16xi1> -> vector<16xi32>
      %reduce_max3A_600 = arith.constant true
      %reduce_max3A_601 = vector.broadcast %reduce_max3A_600 : i1 to vector<16xi1>
      %reduce_max3A_602 = arith.constant -2147483648 : i32
      %reduce_max3A_603 = vector.broadcast %reduce_max3A_602 : i32 to vector<16xi32>
      %reduce_max3A_604 = arith.xori %all_reduce_population_count3A_599, %reduce_max3A_603 : vector<16xi32>
      %reduce_max3A_605 = tpu.scan <max>, %reduce_max3A_604 masked %reduce_max3A_601 : vector<16xi32>, vector<16xi1> -> vector<16xi32>
      %reduce_max3A_606 = arith.xori %reduce_max3A_605, %reduce_max3A_603 : vector<16xi32>
      %reduce_max3A_607 = vector.extract %reduce_max3A_606[15] : i32 from vector<16xi32>
      %add3A_608 = arith.addi %min3A_589, %reduce_max3A_607 : i32
      %min3A_609 = arith.constant 128 : i32
      %min3A_610 = arith.minsi %add3A_608, %min3A_609 : i32
      %get3A_611 = arith.constant 432 : index
      %get3A_612 = tpu.vector_load %arg7[%get3A_611] {strides = array<i32>} : memref<784xf32, #tpu.memory_space<vmem>>, vector<16xf32>,
      %ge3A_613 = arith.cmpf oge, %get3A_612, %bitcast3A : vector<16xf32>
      %iota3A_614 = tpu.iota {dimensions = array<i32: 0>} : vector<16xi32>
      %add3A_615 = arith.constant 432 : i32
      %add3A_616 = vector.broadcast %add3A_615 : i32 to vector<16xi32>
      %add3A_617 = arith.addi %iota3A_614, %add3A_616 : vector<16xi32>
      %swap3A_618 = arith.index_cast %min3A_610 : i32 to index
      %swap3A_619 = tpu.vector_load %arg9[%swap3A_618] masked %ge3A_613 {strides = array<i32>} : memref<144xi32, #tpu.memory_space<vmem>>, vector<16xi32>, vector<16xi1>
      tpu.vector_store %arg9[%swap3A_618], %add3A_617 masked %ge3A_613 {strides = array<i32>} : memref<144xi32, #tpu.memory_space<vmem>>, vector<16xi32>, vector<16xi1>
      %all_reduce_population_count3A_620 = tpu.all_reduce %ge3A_613 {dim = 0 : i64, kind = #tpu.reduction_kind<sum>} : vector<16xi1> -> vector<16xi32>
      %reduce_max3A_621 = arith.constant true
      %reduce_max3A_622 = vector.broadcast %reduce_max3A_621 : i1 to vector<16xi1>
      %reduce_max3A_623 = arith.constant -2147483648 : i32
      %reduce_max3A_624 = vector.broadcast %reduce_max3A_623 : i32 to vector<16xi32>
      %reduce_max3A_625 = arith.xori %all_reduce_population_count3A_620, %reduce_max3A_624 : vector<16xi32>
      %reduce_max3A_626 = tpu.scan <max>, %reduce_max3A_625 masked %reduce_max3A_622 : vector<16xi32>, vector<16xi1> -> vector<16xi32>
      %reduce_max3A_627 = arith.xori %reduce_max3A_626, %reduce_max3A_624 : vector<16xi32>
      %reduce_max3A_628 = vector.extract %reduce_max3A_627[15] : i32 from vector<16xi32>
      %add3A_629 = arith.addi %min3A_610, %reduce_max3A_628 : i32
      %min3A_630 = arith.constant 128 : i32
      %min3A_631 = arith.minsi %add3A_629, %min3A_630 : i32
      %get3A_632 = arith.constant 448 : index
      %get3A_633 = tpu.vector_load %arg7[%get3A_632] {strides = array<i32>} : memref<784xf32, #tpu.memory_space<vmem>>, vector<16xf32>,
      %ge3A_634 = arith.cmpf oge, %get3A_633, %bitcast3A : vector<16xf32>
      %iota3A_635 = tpu.iota {dimensions = array<i32: 0>} : vector<16xi32>
      %add3A_636 = arith.constant 448 : i32
      %add3A_637 = vector.broadcast %add3A_636 : i32 to vector<16xi32>
      %add3A_638 = arith.addi %iota3A_635, %add3A_637 : vector<16xi32>
      %swap3A_639 = arith.index_cast %min3A_631 : i32 to index
      %swap3A_640 = tpu.vector_load %arg9[%swap3A_639] masked %ge3A_634 {strides = array<i32>} : memref<144xi32, #tpu.memory_space<vmem>>, vector<16xi32>, vector<16xi1>
      tpu.vector_store %arg9[%swap3A_639], %add3A_638 masked %ge3A_634 {strides = array<i32>} : memref<144xi32, #tpu.memory_space<vmem>>, vector<16xi32>, vector<16xi1>
      %all_reduce_population_count3A_641 = tpu.all_reduce %ge3A_634 {dim = 0 : i64, kind = #tpu.reduction_kind<sum>} : vector<16xi1> -> vector<16xi32>
      %reduce_max3A_642 = arith.constant true
      %reduce_max3A_643 = vector.broadcast %reduce_max3A_642 : i1 to vector<16xi1>
      %reduce_max3A_644 = arith.constant -2147483648 : i32
      %reduce_max3A_645 = vector.broadcast %reduce_max3A_644 : i32 to vector<16xi32>
      %reduce_max3A_646 = arith.xori %all_reduce_population_count3A_641, %reduce_max3A_645 : vector<16xi32>
      %reduce_max3A_647 = tpu.scan <max>, %reduce_max3A_646 masked %reduce_max3A_643 : vector<16xi32>, vector<16xi1> -> vector<16xi32>
      %reduce_max3A_648 = arith.xori %reduce_max3A_647, %reduce_max3A_645 : vector<16xi32>
      %reduce_max3A_649 = vector.extract %reduce_max3A_648[15] : i32 from vector<16xi32>
      %add3A_650 = arith.addi %min3A_631, %reduce_max3A_649 : i32
      %min3A_651 = arith.constant 128 : i32
      %min3A_652 = arith.minsi %add3A_650, %min3A_651 : i32
      %get3A_653 = arith.constant 464 : index
      %get3A_654 = tpu.vector_load %arg7[%get3A_653] {strides = array<i32>} : memref<784xf32, #tpu.memory_space<vmem>>, vector<16xf32>,
      %ge3A_655 = arith.cmpf oge, %get3A_654, %bitcast3A : vector<16xf32>
      %iota3A_656 = tpu.iota {dimensions = array<i32: 0>} : vector<16xi32>
      %add3A_657 = arith.constant 464 : i32
      %add3A_658 = vector.broadcast %add3A_657 : i32 to vector<16xi32>
      %add3A_659 = arith.addi %iota3A_656, %add3A_658 : vector<16xi32>
      %swap3A_660 = arith.index_cast %min3A_652 : i32 to index
      %swap3A_661 = tpu.vector_load %arg9[%swap3A_660] masked %ge3A_655 {strides = array<i32>} : memref<144xi32, #tpu.memory_space<vmem>>, vector<16xi32>, vector<16xi1>
      tpu.vector_store %arg9[%swap3A_660], %add3A_659 masked %ge3A_655 {strides = array<i32>} : memref<144xi32, #tpu.memory_space<vmem>>, vector<16xi32>, vector<16xi1>
      %all_reduce_population_count3A_662 = tpu.all_reduce %ge3A_655 {dim = 0 : i64, kind = #tpu.reduction_kind<sum>} : vector<16xi1> -> vector<16xi32>
      %reduce_max3A_663 = arith.constant true
      %reduce_max3A_664 = vector.broadcast %reduce_max3A_663 : i1 to vector<16xi1>
      %reduce_max3A_665 = arith.constant -2147483648 : i32
      %reduce_max3A_666 = vector.broadcast %reduce_max3A_665 : i32 to vector<16xi32>
      %reduce_max3A_667 = arith.xori %all_reduce_population_count3A_662, %reduce_max3A_666 : vector<16xi32>
      %reduce_max3A_668 = tpu.scan <max>, %reduce_max3A_667 masked %reduce_max3A_664 : vector<16xi32>, vector<16xi1> -> vector<16xi32>
      %reduce_max3A_669 = arith.xori %reduce_max3A_668, %reduce_max3A_666 : vector<16xi32>
      %reduce_max3A_670 = vector.extract %reduce_max3A_669[15] : i32 from vector<16xi32>
      %add3A_671 = arith.addi %min3A_652, %reduce_max3A_670 : i32
      %min3A_672 = arith.constant 128 : i32
      %min3A_673 = arith.minsi %add3A_671, %min3A_672 : i32
      %get3A_674 = arith.constant 480 : index
      %get3A_675 = tpu.vector_load %arg7[%get3A_674] {strides = array<i32>} : memref<784xf32, #tpu.memory_space<vmem>>, vector<16xf32>,
      %ge3A_676 = arith.cmpf oge, %get3A_675, %bitcast3A : vector<16xf32>
      %iota3A_677 = tpu.iota {dimensions = array<i32: 0>} : vector<16xi32>
      %add3A_678 = arith.constant 480 : i32
      %add3A_679 = vector.broadcast %add3A_678 : i32 to vector<16xi32>
      %add3A_680 = arith.addi %iota3A_677, %add3A_679 : vector<16xi32>
      %swap3A_681 = arith.index_cast %min3A_673 : i32 to index
      %swap3A_682 = tpu.vector_load %arg9[%swap3A_681] masked %ge3A_676 {strides = array<i32>} : memref<144xi32, #tpu.memory_space<vmem>>, vector<16xi32>, vector<16xi1>
      tpu.vector_store %arg9[%swap3A_681], %add3A_680 masked %ge3A_676 {strides = array<i32>} : memref<144xi32, #tpu.memory_space<vmem>>, vector<16xi32>, vector<16xi1>
      %all_reduce_population_count3A_683 = tpu.all_reduce %ge3A_676 {dim = 0 : i64, kind = #tpu.reduction_kind<sum>} : vector<16xi1> -> vector<16xi32>
      %reduce_max3A_684 = arith.constant true
      %reduce_max3A_685 = vector.broadcast %reduce_max3A_684 : i1 to vector<16xi1>
      %reduce_max3A_686 = arith.constant -2147483648 : i32
      %reduce_max3A_687 = vector.broadcast %reduce_max3A_686 : i32 to vector<16xi32>
      %reduce_max3A_688 = arith.xori %all_reduce_population_count3A_683, %reduce_max3A_687 : vector<16xi32>
      %reduce_max3A_689 = tpu.scan <max>, %reduce_max3A_688 masked %reduce_max3A_685 : vector<16xi32>, vector<16xi1> -> vector<16xi32>
      %reduce_max3A_690 = arith.xori %reduce_max3A_689, %reduce_max3A_687 : vector<16xi32>
      %reduce_max3A_691 = vector.extract %reduce_max3A_690[15] : i32 from vector<16xi32>
      %add3A_692 = arith.addi %min3A_673, %reduce_max3A_691 : i32
      %min3A_693 = arith.constant 128 : i32
      %min3A_694 = arith.minsi %add3A_692, %min3A_693 : i32
      %get3A_695 = arith.constant 496 : index
      %get3A_696 = tpu.vector_load %arg7[%get3A_695] {strides = array<i32>} : memref<784xf32, #tpu.memory_space<vmem>>, vector<16xf32>,
      %ge3A_697 = arith.cmpf oge, %get3A_696, %bitcast3A : vector<16xf32>
      %iota3A_698 = tpu.iota {dimensions = array<i32: 0>} : vector<16xi32>
      %add3A_699 = arith.constant 496 : i32
      %add3A_700 = vector.broadcast %add3A_699 : i32 to vector<16xi32>
      %add3A_701 = arith.addi %iota3A_698, %add3A_700 : vector<16xi32>
      %swap3A_702 = arith.index_cast %min3A_694 : i32 to index
      %swap3A_703 = tpu.vector_load %arg9[%swap3A_702] masked %ge3A_697 {strides = array<i32>} : memref<144xi32, #tpu.memory_space<vmem>>, vector<16xi32>, vector<16xi1>
      tpu.vector_store %arg9[%swap3A_702], %add3A_701 masked %ge3A_697 {strides = array<i32>} : memref<144xi32, #tpu.memory_space<vmem>>, vector<16xi32>, vector<16xi1>
      %all_reduce_population_count3A_704 = tpu.all_reduce %ge3A_697 {dim = 0 : i64, kind = #tpu.reduction_kind<sum>} : vector<16xi1> -> vector<16xi32>
      %reduce_max3A_705 = arith.constant true
      %reduce_max3A_706 = vector.broadcast %reduce_max3A_705 : i1 to vector<16xi1>
      %reduce_max3A_707 = arith.constant -2147483648 : i32
      %reduce_max3A_708 = vector.broadcast %reduce_max3A_707 : i32 to vector<16xi32>
      %reduce_max3A_709 = arith.xori %all_reduce_population_count3A_704, %reduce_max3A_708 : vector<16xi32>
      %reduce_max3A_710 = tpu.scan <max>, %reduce_max3A_709 masked %reduce_max3A_706 : vector<16xi32>, vector<16xi1> -> vector<16xi32>
      %reduce_max3A_711 = arith.xori %reduce_max3A_710, %reduce_max3A_708 : vector<16xi32>
      %reduce_max3A_712 = vector.extract %reduce_max3A_711[15] : i32 from vector<16xi32>
      %add3A_713 = arith.addi %min3A_694, %reduce_max3A_712 : i32
      %min3A_714 = arith.constant 128 : i32
      %min3A_715 = arith.minsi %add3A_713, %min3A_714 : i32
      %get3A_716 = arith.constant 512 : index
      %get3A_717 = tpu.vector_load %arg7[%get3A_716] {strides = array<i32>} : memref<784xf32, #tpu.memory_space<vmem>>, vector<16xf32>,
      %ge3A_718 = arith.cmpf oge, %get3A_717, %bitcast3A : vector<16xf32>
      %iota3A_719 = tpu.iota {dimensions = array<i32: 0>} : vector<16xi32>
      %add3A_720 = arith.constant 512 : i32
      %add3A_721 = vector.broadcast %add3A_720 : i32 to vector<16xi32>
      %add3A_722 = arith.addi %iota3A_719, %add3A_721 : vector<16xi32>
      %swap3A_723 = arith.index_cast %min3A_715 : i32 to index
      %swap3A_724 = tpu.vector_load %arg9[%swap3A_723] masked %ge3A_718 {strides = array<i32>} : memref<144xi32, #tpu.memory_space<vmem>>, vector<16xi32>, vector<16xi1>
      tpu.vector_store %arg9[%swap3A_723], %add3A_722 masked %ge3A_718 {strides = array<i32>} : memref<144xi32, #tpu.memory_space<vmem>>, vector<16xi32>, vector<16xi1>
      %all_reduce_population_count3A_725 = tpu.all_reduce %ge3A_718 {dim = 0 : i64, kind = #tpu.reduction_kind<sum>} : vector<16xi1> -> vector<16xi32>
      %reduce_max3A_726 = arith.constant true
      %reduce_max3A_727 = vector.broadcast %reduce_max3A_726 : i1 to vector<16xi1>
      %reduce_max3A_728 = arith.constant -2147483648 : i32
      %reduce_max3A_729 = vector.broadcast %reduce_max3A_728 : i32 to vector<16xi32>
      %reduce_max3A_730 = arith.xori %all_reduce_population_count3A_725, %reduce_max3A_729 : vector<16xi32>
      %reduce_max3A_731 = tpu.scan <max>, %reduce_max3A_730 masked %reduce_max3A_727 : vector<16xi32>, vector<16xi1> -> vector<16xi32>
      %reduce_max3A_732 = arith.xori %reduce_max3A_731, %reduce_max3A_729 : vector<16xi32>
      %reduce_max3A_733 = vector.extract %reduce_max3A_732[15] : i32 from vector<16xi32>
      %add3A_734 = arith.addi %min3A_715, %reduce_max3A_733 : i32
      %min3A_735 = arith.constant 128 : i32
      %min3A_736 = arith.minsi %add3A_734, %min3A_735 : i32
      %get3A_737 = arith.constant 528 : index
      %get3A_738 = tpu.vector_load %arg7[%get3A_737] {strides = array<i32>} : memref<784xf32, #tpu.memory_space<vmem>>, vector<16xf32>,
      %ge3A_739 = arith.cmpf oge, %get3A_738, %bitcast3A : vector<16xf32>
      %iota3A_740 = tpu.iota {dimensions = array<i32: 0>} : vector<16xi32>
      %add3A_741 = arith.constant 528 : i32
      %add3A_742 = vector.broadcast %add3A_741 : i32 to vector<16xi32>
      %add3A_743 = arith.addi %iota3A_740, %add3A_742 : vector<16xi32>
      %swap3A_744 = arith.index_cast %min3A_736 : i32 to index
      %swap3A_745 = tpu.vector_load %arg9[%swap3A_744] masked %ge3A_739 {strides = array<i32>} : memref<144xi32, #tpu.memory_space<vmem>>, vector<16xi32>, vector<16xi1>
      tpu.vector_store %arg9[%swap3A_744], %add3A_743 masked %ge3A_739 {strides = array<i32>} : memref<144xi32, #tpu.memory_space<vmem>>, vector<16xi32>, vector<16xi1>
      %all_reduce_population_count3A_746 = tpu.all_reduce %ge3A_739 {dim = 0 : i64, kind = #tpu.reduction_kind<sum>} : vector<16xi1> -> vector<16xi32>
      %reduce_max3A_747 = arith.constant true
      %reduce_max3A_748 = vector.broadcast %reduce_max3A_747 : i1 to vector<16xi1>
      %reduce_max3A_749 = arith.constant -2147483648 : i32
      %reduce_max3A_750 = vector.broadcast %reduce_max3A_749 : i32 to vector<16xi32>
      %reduce_max3A_751 = arith.xori %all_reduce_population_count3A_746, %reduce_max3A_750 : vector<16xi32>
      %reduce_max3A_752 = tpu.scan <max>, %reduce_max3A_751 masked %reduce_max3A_748 : vector<16xi32>, vector<16xi1> -> vector<16xi32>
      %reduce_max3A_753 = arith.xori %reduce_max3A_752, %reduce_max3A_750 : vector<16xi32>
      %reduce_max3A_754 = vector.extract %reduce_max3A_753[15] : i32 from vector<16xi32>
      %add3A_755 = arith.addi %min3A_736, %reduce_max3A_754 : i32
      %min3A_756 = arith.constant 128 : i32
      %min3A_757 = arith.minsi %add3A_755, %min3A_756 : i32
      %get3A_758 = arith.constant 544 : index
      %get3A_759 = tpu.vector_load %arg7[%get3A_758] {strides = array<i32>} : memref<784xf32, #tpu.memory_space<vmem>>, vector<16xf32>,
      %ge3A_760 = arith.cmpf oge, %get3A_759, %bitcast3A : vector<16xf32>
      %iota3A_761 = tpu.iota {dimensions = array<i32: 0>} : vector<16xi32>
      %add3A_762 = arith.constant 544 : i32
      %add3A_763 = vector.broadcast %add3A_762 : i32 to vector<16xi32>
      %add3A_764 = arith.addi %iota3A_761, %add3A_763 : vector<16xi32>
      %swap3A_765 = arith.index_cast %min3A_757 : i32 to index
      %swap3A_766 = tpu.vector_load %arg9[%swap3A_765] masked %ge3A_760 {strides = array<i32>} : memref<144xi32, #tpu.memory_space<vmem>>, vector<16xi32>, vector<16xi1>
      tpu.vector_store %arg9[%swap3A_765], %add3A_764 masked %ge3A_760 {strides = array<i32>} : memref<144xi32, #tpu.memory_space<vmem>>, vector<16xi32>, vector<16xi1>
      %all_reduce_population_count3A_767 = tpu.all_reduce %ge3A_760 {dim = 0 : i64, kind = #tpu.reduction_kind<sum>} : vector<16xi1> -> vector<16xi32>
      %reduce_max3A_768 = arith.constant true
      %reduce_max3A_769 = vector.broadcast %reduce_max3A_768 : i1 to vector<16xi1>
      %reduce_max3A_770 = arith.constant -2147483648 : i32
      %reduce_max3A_771 = vector.broadcast %reduce_max3A_770 : i32 to vector<16xi32>
      %reduce_max3A_772 = arith.xori %all_reduce_population_count3A_767, %reduce_max3A_771 : vector<16xi32>
      %reduce_max3A_773 = tpu.scan <max>, %reduce_max3A_772 masked %reduce_max3A_769 : vector<16xi32>, vector<16xi1> -> vector<16xi32>
      %reduce_max3A_774 = arith.xori %reduce_max3A_773, %reduce_max3A_771 : vector<16xi32>
      %reduce_max3A_775 = vector.extract %reduce_max3A_774[15] : i32 from vector<16xi32>
      %add3A_776 = arith.addi %min3A_757, %reduce_max3A_775 : i32
      %min3A_777 = arith.constant 128 : i32
      %min3A_778 = arith.minsi %add3A_776, %min3A_777 : i32
      %get3A_779 = arith.constant 560 : index
      %get3A_780 = tpu.vector_load %arg7[%get3A_779] {strides = array<i32>} : memref<784xf32, #tpu.memory_space<vmem>>, vector<16xf32>,
      %ge3A_781 = arith.cmpf oge, %get3A_780, %bitcast3A : vector<16xf32>
      %iota3A_782 = tpu.iota {dimensions = array<i32: 0>} : vector<16xi32>
      %add3A_783 = arith.constant 560 : i32
      %add3A_784 = vector.broadcast %add3A_783 : i32 to vector<16xi32>
      %add3A_785 = arith.addi %iota3A_782, %add3A_784 : vector<16xi32>
      %swap3A_786 = arith.index_cast %min3A_778 : i32 to index
      %swap3A_787 = tpu.vector_load %arg9[%swap3A_786] masked %ge3A_781 {strides = array<i32>} : memref<144xi32, #tpu.memory_space<vmem>>, vector<16xi32>, vector<16xi1>
      tpu.vector_store %arg9[%swap3A_786], %add3A_785 masked %ge3A_781 {strides = array<i32>} : memref<144xi32, #tpu.memory_space<vmem>>, vector<16xi32>, vector<16xi1>
      %all_reduce_population_count3A_788 = tpu.all_reduce %ge3A_781 {dim = 0 : i64, kind = #tpu.reduction_kind<sum>} : vector<16xi1> -> vector<16xi32>
      %reduce_max3A_789 = arith.constant true
      %reduce_max3A_790 = vector.broadcast %reduce_max3A_789 : i1 to vector<16xi1>
      %reduce_max3A_791 = arith.constant -2147483648 : i32
      %reduce_max3A_792 = vector.broadcast %reduce_max3A_791 : i32 to vector<16xi32>
      %reduce_max3A_793 = arith.xori %all_reduce_population_count3A_788, %reduce_max3A_792 : vector<16xi32>
      %reduce_max3A_794 = tpu.scan <max>, %reduce_max3A_793 masked %reduce_max3A_790 : vector<16xi32>, vector<16xi1> -> vector<16xi32>
      %reduce_max3A_795 = arith.xori %reduce_max3A_794, %reduce_max3A_792 : vector<16xi32>
      %reduce_max3A_796 = vector.extract %reduce_max3A_795[15] : i32 from vector<16xi32>
      %add3A_797 = arith.addi %min3A_778, %reduce_max3A_796 : i32
      %min3A_798 = arith.constant 128 : i32
      %min3A_799 = arith.minsi %add3A_797, %min3A_798 : i32
      %get3A_800 = arith.constant 576 : index
      %get3A_801 = tpu.vector_load %arg7[%get3A_800] {strides = array<i32>} : memref<784xf32, #tpu.memory_space<vmem>>, vector<16xf32>,
      %ge3A_802 = arith.cmpf oge, %get3A_801, %bitcast3A : vector<16xf32>
      %iota3A_803 = tpu.iota {dimensions = array<i32: 0>} : vector<16xi32>
      %add3A_804 = arith.constant 576 : i32
      %add3A_805 = vector.broadcast %add3A_804 : i32 to vector<16xi32>
      %add3A_806 = arith.addi %iota3A_803, %add3A_805 : vector<16xi32>
      %swap3A_807 = arith.index_cast %min3A_799 : i32 to index
      %swap3A_808 = tpu.vector_load %arg9[%swap3A_807] masked %ge3A_802 {strides = array<i32>} : memref<144xi32, #tpu.memory_space<vmem>>, vector<16xi32>, vector<16xi1>
      tpu.vector_store %arg9[%swap3A_807], %add3A_806 masked %ge3A_802 {strides = array<i32>} : memref<144xi32, #tpu.memory_space<vmem>>, vector<16xi32>, vector<16xi1>
      %all_reduce_population_count3A_809 = tpu.all_reduce %ge3A_802 {dim = 0 : i64, kind = #tpu.reduction_kind<sum>} : vector<16xi1> -> vector<16xi32>
      %reduce_max3A_810 = arith.constant true
      %reduce_max3A_811 = vector.broadcast %reduce_max3A_810 : i1 to vector<16xi1>
      %reduce_max3A_812 = arith.constant -2147483648 : i32
      %reduce_max3A_813 = vector.broadcast %reduce_max3A_812 : i32 to vector<16xi32>
      %reduce_max3A_814 = arith.xori %all_reduce_population_count3A_809, %reduce_max3A_813 : vector<16xi32>
      %reduce_max3A_815 = tpu.scan <max>, %reduce_max3A_814 masked %reduce_max3A_811 : vector<16xi32>, vector<16xi1> -> vector<16xi32>
      %reduce_max3A_816 = arith.xori %reduce_max3A_815, %reduce_max3A_813 : vector<16xi32>
      %reduce_max3A_817 = vector.extract %reduce_max3A_816[15] : i32 from vector<16xi32>
      %add3A_818 = arith.addi %min3A_799, %reduce_max3A_817 : i32
      %min3A_819 = arith.constant 128 : i32
      %min3A_820 = arith.minsi %add3A_818, %min3A_819 : i32
      %get3A_821 = arith.constant 592 : index
      %get3A_822 = tpu.vector_load %arg7[%get3A_821] {strides = array<i32>} : memref<784xf32, #tpu.memory_space<vmem>>, vector<16xf32>,
      %ge3A_823 = arith.cmpf oge, %get3A_822, %bitcast3A : vector<16xf32>
      %iota3A_824 = tpu.iota {dimensions = array<i32: 0>} : vector<16xi32>
      %add3A_825 = arith.constant 592 : i32
      %add3A_826 = vector.broadcast %add3A_825 : i32 to vector<16xi32>
      %add3A_827 = arith.addi %iota3A_824, %add3A_826 : vector<16xi32>
      %swap3A_828 = arith.index_cast %min3A_820 : i32 to index
      %swap3A_829 = tpu.vector_load %arg9[%swap3A_828] masked %ge3A_823 {strides = array<i32>} : memref<144xi32, #tpu.memory_space<vmem>>, vector<16xi32>, vector<16xi1>
      tpu.vector_store %arg9[%swap3A_828], %add3A_827 masked %ge3A_823 {strides = array<i32>} : memref<144xi32, #tpu.memory_space<vmem>>, vector<16xi32>, vector<16xi1>
      %all_reduce_population_count3A_830 = tpu.all_reduce %ge3A_823 {dim = 0 : i64, kind = #tpu.reduction_kind<sum>} : vector<16xi1> -> vector<16xi32>
      %reduce_max3A_831 = arith.constant true
      %reduce_max3A_832 = vector.broadcast %reduce_max3A_831 : i1 to vector<16xi1>
      %reduce_max3A_833 = arith.constant -2147483648 : i32
      %reduce_max3A_834 = vector.broadcast %reduce_max3A_833 : i32 to vector<16xi32>
      %reduce_max3A_835 = arith.xori %all_reduce_population_count3A_830, %reduce_max3A_834 : vector<16xi32>
      %reduce_max3A_836 = tpu.scan <max>, %reduce_max3A_835 masked %reduce_max3A_832 : vector<16xi32>, vector<16xi1> -> vector<16xi32>
      %reduce_max3A_837 = arith.xori %reduce_max3A_836, %reduce_max3A_834 : vector<16xi32>
      %reduce_max3A_838 = vector.extract %reduce_max3A_837[15] : i32 from vector<16xi32>
      %add3A_839 = arith.addi %min3A_820, %reduce_max3A_838 : i32
      %min3A_840 = arith.constant 128 : i32
      %min3A_841 = arith.minsi %add3A_839, %min3A_840 : i32
      %get3A_842 = arith.constant 608 : index
      %get3A_843 = tpu.vector_load %arg7[%get3A_842] {strides = array<i32>} : memref<784xf32, #tpu.memory_space<vmem>>, vector<16xf32>,
      %ge3A_844 = arith.cmpf oge, %get3A_843, %bitcast3A : vector<16xf32>
      %iota3A_845 = tpu.iota {dimensions = array<i32: 0>} : vector<16xi32>
      %add3A_846 = arith.constant 608 : i32
      %add3A_847 = vector.broadcast %add3A_846 : i32 to vector<16xi32>
      %add3A_848 = arith.addi %iota3A_845, %add3A_847 : vector<16xi32>
      %swap3A_849 = arith.index_cast %min3A_841 : i32 to index
      %swap3A_850 = tpu.vector_load %arg9[%swap3A_849] masked %ge3A_844 {strides = array<i32>} : memref<144xi32, #tpu.memory_space<vmem>>, vector<16xi32>, vector<16xi1>
      tpu.vector_store %arg9[%swap3A_849], %add3A_848 masked %ge3A_844 {strides = array<i32>} : memref<144xi32, #tpu.memory_space<vmem>>, vector<16xi32>, vector<16xi1>
      %all_reduce_population_count3A_851 = tpu.all_reduce %ge3A_844 {dim = 0 : i64, kind = #tpu.reduction_kind<sum>} : vector<16xi1> -> vector<16xi32>
      %reduce_max3A_852 = arith.constant true
      %reduce_max3A_853 = vector.broadcast %reduce_max3A_852 : i1 to vector<16xi1>
      %reduce_max3A_854 = arith.constant -2147483648 : i32
      %reduce_max3A_855 = vector.broadcast %reduce_max3A_854 : i32 to vector<16xi32>
      %reduce_max3A_856 = arith.xori %all_reduce_population_count3A_851, %reduce_max3A_855 : vector<16xi32>
      %reduce_max3A_857 = tpu.scan <max>, %reduce_max3A_856 masked %reduce_max3A_853 : vector<16xi32>, vector<16xi1> -> vector<16xi32>
      %reduce_max3A_858 = arith.xori %reduce_max3A_857, %reduce_max3A_855 : vector<16xi32>
      %reduce_max3A_859 = vector.extract %reduce_max3A_858[15] : i32 from vector<16xi32>
      %add3A_860 = arith.addi %min3A_841, %reduce_max3A_859 : i32
      %min3A_861 = arith.constant 128 : i32
      %min3A_862 = arith.minsi %add3A_860, %min3A_861 : i32
      %get3A_863 = arith.constant 624 : index
      %get3A_864 = tpu.vector_load %arg7[%get3A_863] {strides = array<i32>} : memref<784xf32, #tpu.memory_space<vmem>>, vector<16xf32>,
      %ge3A_865 = arith.cmpf oge, %get3A_864, %bitcast3A : vector<16xf32>
      %iota3A_866 = tpu.iota {dimensions = array<i32: 0>} : vector<16xi32>
      %add3A_867 = arith.constant 624 : i32
      %add3A_868 = vector.broadcast %add3A_867 : i32 to vector<16xi32>
      %add3A_869 = arith.addi %iota3A_866, %add3A_868 : vector<16xi32>
      %swap3A_870 = arith.index_cast %min3A_862 : i32 to index
      %swap3A_871 = tpu.vector_load %arg9[%swap3A_870] masked %ge3A_865 {strides = array<i32>} : memref<144xi32, #tpu.memory_space<vmem>>, vector<16xi32>, vector<16xi1>
      tpu.vector_store %arg9[%swap3A_870], %add3A_869 masked %ge3A_865 {strides = array<i32>} : memref<144xi32, #tpu.memory_space<vmem>>, vector<16xi32>, vector<16xi1>
      %all_reduce_population_count3A_872 = tpu.all_reduce %ge3A_865 {dim = 0 : i64, kind = #tpu.reduction_kind<sum>} : vector<16xi1> -> vector<16xi32>
      %reduce_max3A_873 = arith.constant true
      %reduce_max3A_874 = vector.broadcast %reduce_max3A_873 : i1 to vector<16xi1>
      %reduce_max3A_875 = arith.constant -2147483648 : i32
      %reduce_max3A_876 = vector.broadcast %reduce_max3A_875 : i32 to vector<16xi32>
      %reduce_max3A_877 = arith.xori %all_reduce_population_count3A_872, %reduce_max3A_876 : vector<16xi32>
      %reduce_max3A_878 = tpu.scan <max>, %reduce_max3A_877 masked %reduce_max3A_874 : vector<16xi32>, vector<16xi1> -> vector<16xi32>
      %reduce_max3A_879 = arith.xori %reduce_max3A_878, %reduce_max3A_876 : vector<16xi32>
      %reduce_max3A_880 = vector.extract %reduce_max3A_879[15] : i32 from vector<16xi32>
      %add3A_881 = arith.addi %min3A_862, %reduce_max3A_880 : i32
      %min3A_882 = arith.constant 128 : i32
      %min3A_883 = arith.minsi %add3A_881, %min3A_882 : i32
      %get3A_884 = arith.constant 640 : index
      %get3A_885 = tpu.vector_load %arg7[%get3A_884] {strides = array<i32>} : memref<784xf32, #tpu.memory_space<vmem>>, vector<16xf32>,
      %ge3A_886 = arith.cmpf oge, %get3A_885, %bitcast3A : vector<16xf32>
      %iota3A_887 = tpu.iota {dimensions = array<i32: 0>} : vector<16xi32>
      %add3A_888 = arith.constant 640 : i32
      %add3A_889 = vector.broadcast %add3A_888 : i32 to vector<16xi32>
      %add3A_890 = arith.addi %iota3A_887, %add3A_889 : vector<16xi32>
      %swap3A_891 = arith.index_cast %min3A_883 : i32 to index
      %swap3A_892 = tpu.vector_load %arg9[%swap3A_891] masked %ge3A_886 {strides = array<i32>} : memref<144xi32, #tpu.memory_space<vmem>>, vector<16xi32>, vector<16xi1>
      tpu.vector_store %arg9[%swap3A_891], %add3A_890 masked %ge3A_886 {strides = array<i32>} : memref<144xi32, #tpu.memory_space<vmem>>, vector<16xi32>, vector<16xi1>
      %all_reduce_population_count3A_893 = tpu.all_reduce %ge3A_886 {dim = 0 : i64, kind = #tpu.reduction_kind<sum>} : vector<16xi1> -> vector<16xi32>
      %reduce_max3A_894 = arith.constant true
      %reduce_max3A_895 = vector.broadcast %reduce_max3A_894 : i1 to vector<16xi1>
      %reduce_max3A_896 = arith.constant -2147483648 : i32
      %reduce_max3A_897 = vector.broadcast %reduce_max3A_896 : i32 to vector<16xi32>
      %reduce_max3A_898 = arith.xori %all_reduce_population_count3A_893, %reduce_max3A_897 : vector<16xi32>
      %reduce_max3A_899 = tpu.scan <max>, %reduce_max3A_898 masked %reduce_max3A_895 : vector<16xi32>, vector<16xi1> -> vector<16xi32>
      %reduce_max3A_900 = arith.xori %reduce_max3A_899, %reduce_max3A_897 : vector<16xi32>
      %reduce_max3A_901 = vector.extract %reduce_max3A_900[15] : i32 from vector<16xi32>
      %add3A_902 = arith.addi %min3A_883, %reduce_max3A_901 : i32
      %min3A_903 = arith.constant 128 : i32
      %min3A_904 = arith.minsi %add3A_902, %min3A_903 : i32
      %get3A_905 = arith.constant 656 : index
      %get3A_906 = tpu.vector_load %arg7[%get3A_905] {strides = array<i32>} : memref<784xf32, #tpu.memory_space<vmem>>, vector<16xf32>,
      %ge3A_907 = arith.cmpf oge, %get3A_906, %bitcast3A : vector<16xf32>
      %iota3A_908 = tpu.iota {dimensions = array<i32: 0>} : vector<16xi32>
      %add3A_909 = arith.constant 656 : i32
      %add3A_910 = vector.broadcast %add3A_909 : i32 to vector<16xi32>
      %add3A_911 = arith.addi %iota3A_908, %add3A_910 : vector<16xi32>
      %swap3A_912 = arith.index_cast %min3A_904 : i32 to index
      %swap3A_913 = tpu.vector_load %arg9[%swap3A_912] masked %ge3A_907 {strides = array<i32>} : memref<144xi32, #tpu.memory_space<vmem>>, vector<16xi32>, vector<16xi1>
      tpu.vector_store %arg9[%swap3A_912], %add3A_911 masked %ge3A_907 {strides = array<i32>} : memref<144xi32, #tpu.memory_space<vmem>>, vector<16xi32>, vector<16xi1>
      %all_reduce_population_count3A_914 = tpu.all_reduce %ge3A_907 {dim = 0 : i64, kind = #tpu.reduction_kind<sum>} : vector<16xi1> -> vector<16xi32>
      %reduce_max3A_915 = arith.constant true
      %reduce_max3A_916 = vector.broadcast %reduce_max3A_915 : i1 to vector<16xi1>
      %reduce_max3A_917 = arith.constant -2147483648 : i32
      %reduce_max3A_918 = vector.broadcast %reduce_max3A_917 : i32 to vector<16xi32>
      %reduce_max3A_919 = arith.xori %all_reduce_population_count3A_914, %reduce_max3A_918 : vector<16xi32>
      %reduce_max3A_920 = tpu.scan <max>, %reduce_max3A_919 masked %reduce_max3A_916 : vector<16xi32>, vector<16xi1> -> vector<16xi32>
      %reduce_max3A_921 = arith.xori %reduce_max3A_920, %reduce_max3A_918 : vector<16xi32>
      %reduce_max3A_922 = vector.extract %reduce_max3A_921[15] : i32 from vector<16xi32>
      %add3A_923 = arith.addi %min3A_904, %reduce_max3A_922 : i32
      %min3A_924 = arith.constant 128 : i32
      %min3A_925 = arith.minsi %add3A_923, %min3A_924 : i32
      %get3A_926 = arith.constant 672 : index
      %get3A_927 = tpu.vector_load %arg7[%get3A_926] {strides = array<i32>} : memref<784xf32, #tpu.memory_space<vmem>>, vector<16xf32>,
      %ge3A_928 = arith.cmpf oge, %get3A_927, %bitcast3A : vector<16xf32>
      %iota3A_929 = tpu.iota {dimensions = array<i32: 0>} : vector<16xi32>
      %add3A_930 = arith.constant 672 : i32
      %add3A_931 = vector.broadcast %add3A_930 : i32 to vector<16xi32>
      %add3A_932 = arith.addi %iota3A_929, %add3A_931 : vector<16xi32>
      %swap3A_933 = arith.index_cast %min3A_925 : i32 to index
      %swap3A_934 = tpu.vector_load %arg9[%swap3A_933] masked %ge3A_928 {strides = array<i32>} : memref<144xi32, #tpu.memory_space<vmem>>, vector<16xi32>, vector<16xi1>
      tpu.vector_store %arg9[%swap3A_933], %add3A_932 masked %ge3A_928 {strides = array<i32>} : memref<144xi32, #tpu.memory_space<vmem>>, vector<16xi32>, vector<16xi1>
      %all_reduce_population_count3A_935 = tpu.all_reduce %ge3A_928 {dim = 0 : i64, kind = #tpu.reduction_kind<sum>} : vector<16xi1> -> vector<16xi32>
      %reduce_max3A_936 = arith.constant true
      %reduce_max3A_937 = vector.broadcast %reduce_max3A_936 : i1 to vector<16xi1>
      %reduce_max3A_938 = arith.constant -2147483648 : i32
      %reduce_max3A_939 = vector.broadcast %reduce_max3A_938 : i32 to vector<16xi32>
      %reduce_max3A_940 = arith.xori %all_reduce_population_count3A_935, %reduce_max3A_939 : vector<16xi32>
      %reduce_max3A_941 = tpu.scan <max>, %reduce_max3A_940 masked %reduce_max3A_937 : vector<16xi32>, vector<16xi1> -> vector<16xi32>
      %reduce_max3A_942 = arith.xori %reduce_max3A_941, %reduce_max3A_939 : vector<16xi32>
      %reduce_max3A_943 = vector.extract %reduce_max3A_942[15] : i32 from vector<16xi32>
      %add3A_944 = arith.addi %min3A_925, %reduce_max3A_943 : i32
      %min3A_945 = arith.constant 128 : i32
      %min3A_946 = arith.minsi %add3A_944, %min3A_945 : i32
      %get3A_947 = arith.constant 688 : index
      %get3A_948 = tpu.vector_load %arg7[%get3A_947] {strides = array<i32>} : memref<784xf32, #tpu.memory_space<vmem>>, vector<16xf32>,
      %ge3A_949 = arith.cmpf oge, %get3A_948, %bitcast3A : vector<16xf32>
      %iota3A_950 = tpu.iota {dimensions = array<i32: 0>} : vector<16xi32>
      %add3A_951 = arith.constant 688 : i32
      %add3A_952 = vector.broadcast %add3A_951 : i32 to vector<16xi32>
      %add3A_953 = arith.addi %iota3A_950, %add3A_952 : vector<16xi32>
      %swap3A_954 = arith.index_cast %min3A_946 : i32 to index
      %swap3A_955 = tpu.vector_load %arg9[%swap3A_954] masked %ge3A_949 {strides = array<i32>} : memref<144xi32, #tpu.memory_space<vmem>>, vector<16xi32>, vector<16xi1>
      tpu.vector_store %arg9[%swap3A_954], %add3A_953 masked %ge3A_949 {strides = array<i32>} : memref<144xi32, #tpu.memory_space<vmem>>, vector<16xi32>, vector<16xi1>
      %all_reduce_population_count3A_956 = tpu.all_reduce %ge3A_949 {dim = 0 : i64, kind = #tpu.reduction_kind<sum>} : vector<16xi1> -> vector<16xi32>
      %reduce_max3A_957 = arith.constant true
      %reduce_max3A_958 = vector.broadcast %reduce_max3A_957 : i1 to vector<16xi1>
      %reduce_max3A_959 = arith.constant -2147483648 : i32
      %reduce_max3A_960 = vector.broadcast %reduce_max3A_959 : i32 to vector<16xi32>
      %reduce_max3A_961 = arith.xori %all_reduce_population_count3A_956, %reduce_max3A_960 : vector<16xi32>
      %reduce_max3A_962 = tpu.scan <max>, %reduce_max3A_961 masked %reduce_max3A_958 : vector<16xi32>, vector<16xi1> -> vector<16xi32>
      %reduce_max3A_963 = arith.xori %reduce_max3A_962, %reduce_max3A_960 : vector<16xi32>
      %reduce_max3A_964 = vector.extract %reduce_max3A_963[15] : i32 from vector<16xi32>
      %add3A_965 = arith.addi %min3A_946, %reduce_max3A_964 : i32
      %min3A_966 = arith.constant 128 : i32
      %min3A_967 = arith.minsi %add3A_965, %min3A_966 : i32
      %get3A_968 = arith.constant 704 : index
      %get3A_969 = tpu.vector_load %arg7[%get3A_968] {strides = array<i32>} : memref<784xf32, #tpu.memory_space<vmem>>, vector<16xf32>,
      %ge3A_970 = arith.cmpf oge, %get3A_969, %bitcast3A : vector<16xf32>
      %iota3A_971 = tpu.iota {dimensions = array<i32: 0>} : vector<16xi32>
      %add3A_972 = arith.constant 704 : i32
      %add3A_973 = vector.broadcast %add3A_972 : i32 to vector<16xi32>
      %add3A_974 = arith.addi %iota3A_971, %add3A_973 : vector<16xi32>
      %swap3A_975 = arith.index_cast %min3A_967 : i32 to index
      %swap3A_976 = tpu.vector_load %arg9[%swap3A_975] masked %ge3A_970 {strides = array<i32>} : memref<144xi32, #tpu.memory_space<vmem>>, vector<16xi32>, vector<16xi1>
      tpu.vector_store %arg9[%swap3A_975], %add3A_974 masked %ge3A_970 {strides = array<i32>} : memref<144xi32, #tpu.memory_space<vmem>>, vector<16xi32>, vector<16xi1>
      %all_reduce_population_count3A_977 = tpu.all_reduce %ge3A_970 {dim = 0 : i64, kind = #tpu.reduction_kind<sum>} : vector<16xi1> -> vector<16xi32>
      %reduce_max3A_978 = arith.constant true
      %reduce_max3A_979 = vector.broadcast %reduce_max3A_978 : i1 to vector<16xi1>
      %reduce_max3A_980 = arith.constant -2147483648 : i32
      %reduce_max3A_981 = vector.broadcast %reduce_max3A_980 : i32 to vector<16xi32>
      %reduce_max3A_982 = arith.xori %all_reduce_population_count3A_977, %reduce_max3A_981 : vector<16xi32>
      %reduce_max3A_983 = tpu.scan <max>, %reduce_max3A_982 masked %reduce_max3A_979 : vector<16xi32>, vector<16xi1> -> vector<16xi32>
      %reduce_max3A_984 = arith.xori %reduce_max3A_983, %reduce_max3A_981 : vector<16xi32>
      %reduce_max3A_985 = vector.extract %reduce_max3A_984[15] : i32 from vector<16xi32>
      %add3A_986 = arith.addi %min3A_967, %reduce_max3A_985 : i32
      %min3A_987 = arith.constant 128 : i32
      %min3A_988 = arith.minsi %add3A_986, %min3A_987 : i32
      %get3A_989 = arith.constant 720 : index
      %get3A_990 = tpu.vector_load %arg7[%get3A_989] {strides = array<i32>} : memref<784xf32, #tpu.memory_space<vmem>>, vector<16xf32>,
      %ge3A_991 = arith.cmpf oge, %get3A_990, %bitcast3A : vector<16xf32>
      %iota3A_992 = tpu.iota {dimensions = array<i32: 0>} : vector<16xi32>
      %add3A_993 = arith.constant 720 : i32
      %add3A_994 = vector.broadcast %add3A_993 : i32 to vector<16xi32>
      %add3A_995 = arith.addi %iota3A_992, %add3A_994 : vector<16xi32>
      %swap3A_996 = arith.index_cast %min3A_988 : i32 to index
      %swap3A_997 = tpu.vector_load %arg9[%swap3A_996] masked %ge3A_991 {strides = array<i32>} : memref<144xi32, #tpu.memory_space<vmem>>, vector<16xi32>, vector<16xi1>
      tpu.vector_store %arg9[%swap3A_996], %add3A_995 masked %ge3A_991 {strides = array<i32>} : memref<144xi32, #tpu.memory_space<vmem>>, vector<16xi32>, vector<16xi1>
      %all_reduce_population_count3A_998 = tpu.all_reduce %ge3A_991 {dim = 0 : i64, kind = #tpu.reduction_kind<sum>} : vector<16xi1> -> vector<16xi32>
      %reduce_max3A_999 = arith.constant true
      %reduce_max3A_1000 = vector.broadcast %reduce_max3A_999 : i1 to vector<16xi1>
      %reduce_max3A_1001 = arith.constant -2147483648 : i32
      %reduce_max3A_1002 = vector.broadcast %reduce_max3A_1001 : i32 to vector<16xi32>
      %reduce_max3A_1003 = arith.xori %all_reduce_population_count3A_998, %reduce_max3A_1002 : vector<16xi32>
      %reduce_max3A_1004 = tpu.scan <max>, %reduce_max3A_1003 masked %reduce_max3A_1000 : vector<16xi32>, vector<16xi1> -> vector<16xi32>
      %reduce_max3A_1005 = arith.xori %reduce_max3A_1004, %reduce_max3A_1002 : vector<16xi32>
      %reduce_max3A_1006 = vector.extract %reduce_max3A_1005[15] : i32 from vector<16xi32>
      %add3A_1007 = arith.addi %min3A_988, %reduce_max3A_1006 : i32
      %min3A_1008 = arith.constant 128 : i32
      %min3A_1009 = arith.minsi %add3A_1007, %min3A_1008 : i32
      %get3A_1010 = arith.constant 736 : index
      %get3A_1011 = tpu.vector_load %arg7[%get3A_1010] {strides = array<i32>} : memref<784xf32, #tpu.memory_space<vmem>>, vector<16xf32>,
      %ge3A_1012 = arith.cmpf oge, %get3A_1011, %bitcast3A : vector<16xf32>
      %iota3A_1013 = tpu.iota {dimensions = array<i32: 0>} : vector<16xi32>
      %add3A_1014 = arith.constant 736 : i32
      %add3A_1015 = vector.broadcast %add3A_1014 : i32 to vector<16xi32>
      %add3A_1016 = arith.addi %iota3A_1013, %add3A_1015 : vector<16xi32>
      %swap3A_1017 = arith.index_cast %min3A_1009 : i32 to index
      %swap3A_1018 = tpu.vector_load %arg9[%swap3A_1017] masked %ge3A_1012 {strides = array<i32>} : memref<144xi32, #tpu.memory_space<vmem>>, vector<16xi32>, vector<16xi1>
      tpu.vector_store %arg9[%swap3A_1017], %add3A_1016 masked %ge3A_1012 {strides = array<i32>} : memref<144xi32, #tpu.memory_space<vmem>>, vector<16xi32>, vector<16xi1>
      %all_reduce_population_count3A_1019 = tpu.all_reduce %ge3A_1012 {dim = 0 : i64, kind = #tpu.reduction_kind<sum>} : vector<16xi1> -> vector<16xi32>
      %reduce_max3A_1020 = arith.constant true
      %reduce_max3A_1021 = vector.broadcast %reduce_max3A_1020 : i1 to vector<16xi1>
      %reduce_max3A_1022 = arith.constant -2147483648 : i32
      %reduce_max3A_1023 = vector.broadcast %reduce_max3A_1022 : i32 to vector<16xi32>
      %reduce_max3A_1024 = arith.xori %all_reduce_population_count3A_1019, %reduce_max3A_1023 : vector<16xi32>
      %reduce_max3A_1025 = tpu.scan <max>, %reduce_max3A_1024 masked %reduce_max3A_1021 : vector<16xi32>, vector<16xi1> -> vector<16xi32>
      %reduce_max3A_1026 = arith.xori %reduce_max3A_1025, %reduce_max3A_1023 : vector<16xi32>
      %reduce_max3A_1027 = vector.extract %reduce_max3A_1026[15] : i32 from vector<16xi32>
      %add3A_1028 = arith.addi %min3A_1009, %reduce_max3A_1027 : i32
      %min3A_1029 = arith.constant 128 : i32
      %min3A_1030 = arith.minsi %add3A_1028, %min3A_1029 : i32
      %get3A_1031 = arith.constant 752 : index
      %get3A_1032 = tpu.vector_load %arg7[%get3A_1031] {strides = array<i32>} : memref<784xf32, #tpu.memory_space<vmem>>, vector<16xf32>,
      %ge3A_1033 = arith.cmpf oge, %get3A_1032, %bitcast3A : vector<16xf32>
      %iota3A_1034 = tpu.iota {dimensions = array<i32: 0>} : vector<16xi32>
      %add3A_1035 = arith.constant 752 : i32
      %add3A_1036 = vector.broadcast %add3A_1035 : i32 to vector<16xi32>
      %add3A_1037 = arith.addi %iota3A_1034, %add3A_1036 : vector<16xi32>
      %swap3A_1038 = arith.index_cast %min3A_1030 : i32 to index
      %swap3A_1039 = tpu.vector_load %arg9[%swap3A_1038] masked %ge3A_1033 {strides = array<i32>} : memref<144xi32, #tpu.memory_space<vmem>>, vector<16xi32>, vector<16xi1>
      tpu.vector_store %arg9[%swap3A_1038], %add3A_1037 masked %ge3A_1033 {strides = array<i32>} : memref<144xi32, #tpu.memory_space<vmem>>, vector<16xi32>, vector<16xi1>
      %all_reduce_population_count3A_1040 = tpu.all_reduce %ge3A_1033 {dim = 0 : i64, kind = #tpu.reduction_kind<sum>} : vector<16xi1> -> vector<16xi32>
      %reduce_max3A_1041 = arith.constant true
      %reduce_max3A_1042 = vector.broadcast %reduce_max3A_1041 : i1 to vector<16xi1>
      %reduce_max3A_1043 = arith.constant -2147483648 : i32
      %reduce_max3A_1044 = vector.broadcast %reduce_max3A_1043 : i32 to vector<16xi32>
      %reduce_max3A_1045 = arith.xori %all_reduce_population_count3A_1040, %reduce_max3A_1044 : vector<16xi32>
      %reduce_max3A_1046 = tpu.scan <max>, %reduce_max3A_1045 masked %reduce_max3A_1042 : vector<16xi32>, vector<16xi1> -> vector<16xi32>
      %reduce_max3A_1047 = arith.xori %reduce_max3A_1046, %reduce_max3A_1044 : vector<16xi32>
      %reduce_max3A_1048 = vector.extract %reduce_max3A_1047[15] : i32 from vector<16xi32>
      %add3A_1049 = arith.addi %min3A_1030, %reduce_max3A_1048 : i32
      %min3A_1050 = arith.constant 128 : i32
      %min3A_1051 = arith.minsi %add3A_1049, %min3A_1050 : i32
      %get3A_1052 = arith.constant 768 : index
      %get3A_1053 = tpu.vector_load %arg7[%get3A_1052] {strides = array<i32>} : memref<784xf32, #tpu.memory_space<vmem>>, vector<16xf32>,
      %ge3A_1054 = arith.cmpf oge, %get3A_1053, %bitcast3A : vector<16xf32>
      %iota3A_1055 = tpu.iota {dimensions = array<i32: 0>} : vector<16xi32>
      %add3A_1056 = arith.constant 768 : i32
      %add3A_1057 = vector.broadcast %add3A_1056 : i32 to vector<16xi32>
      %add3A_1058 = arith.addi %iota3A_1055, %add3A_1057 : vector<16xi32>
      %swap3A_1059 = arith.index_cast %min3A_1051 : i32 to index
      %swap3A_1060 = tpu.vector_load %arg9[%swap3A_1059] masked %ge3A_1054 {strides = array<i32>} : memref<144xi32, #tpu.memory_space<vmem>>, vector<16xi32>, vector<16xi1>
      tpu.vector_store %arg9[%swap3A_1059], %add3A_1058 masked %ge3A_1054 {strides = array<i32>} : memref<144xi32, #tpu.memory_space<vmem>>, vector<16xi32>, vector<16xi1>
      %all_reduce_population_count3A_1061 = tpu.all_reduce %ge3A_1054 {dim = 0 : i64, kind = #tpu.reduction_kind<sum>} : vector<16xi1> -> vector<16xi32>
      %reduce_max3A_1062 = arith.constant true
      %reduce_max3A_1063 = vector.broadcast %reduce_max3A_1062 : i1 to vector<16xi1>
      %reduce_max3A_1064 = arith.constant -2147483648 : i32
      %reduce_max3A_1065 = vector.broadcast %reduce_max3A_1064 : i32 to vector<16xi32>
      %reduce_max3A_1066 = arith.xori %all_reduce_population_count3A_1061, %reduce_max3A_1065 : vector<16xi32>
      %reduce_max3A_1067 = tpu.scan <max>, %reduce_max3A_1066 masked %reduce_max3A_1063 : vector<16xi32>, vector<16xi1> -> vector<16xi32>
      %reduce_max3A_1068 = arith.xori %reduce_max3A_1067, %reduce_max3A_1065 : vector<16xi32>
      %reduce_max3A_1069 = vector.extract %reduce_max3A_1068[15] : i32 from vector<16xi32>
      %add3A_1070 = arith.addi %min3A_1051, %reduce_max3A_1069 : i32
      %min3A_1071 = arith.constant 128 : i32
      %min3A_1072 = arith.minsi %add3A_1070, %min3A_1071 : i32
      %get3A_1073 = arith.constant 0 : index
      %get3A_1074 = tpu.vector_load %arg9[%get3A_1073] {strides = array<i32>} : memref<144xi32, #tpu.memory_space<vmem>>, vector<16xi32>,
      %mul3A_1075 = arith.constant 784 : i32
      %mul3A_1076 = arith.muli %add3A_9, %mul3A_1075 : i32
      %add3A_1077 = vector.broadcast %mul3A_1076 : i32 to vector<16xi32>
      %add3A_1078 = arith.addi %get3A_1074, %add3A_1077 : vector<16xi32>
      %swap3A_1079 = arith.constant 0 : index
      %swap3A_1080 = tpu.vector_load %arg11[%swap3A_1079] {strides = array<i32>} : memref<128xi32, #tpu.memory_space<vmem>>, vector<16xi32>,
      tpu.vector_store %arg11[%swap3A_1079], %add3A_1078 {strides = array<i32>} : memref<128xi32, #tpu.memory_space<vmem>>, vector<16xi32>,
      %get3A_1081 = arith.constant 16 : index
      %get3A_1082 = tpu.vector_load %arg9[%get3A_1081] {strides = array<i32>} : memref<144xi32, #tpu.memory_space<vmem>>, vector<16xi32>,
      %mul3A_1083 = arith.constant 784 : i32
      %mul3A_1084 = arith.muli %add3A_9, %mul3A_1083 : i32
      %add3A_1085 = vector.broadcast %mul3A_1084 : i32 to vector<16xi32>
      %add3A_1086 = arith.addi %get3A_1082, %add3A_1085 : vector<16xi32>
      %swap3A_1087 = arith.constant 16 : index
      %swap3A_1088 = tpu.vector_load %arg11[%swap3A_1087] {strides = array<i32>} : memref<128xi32, #tpu.memory_space<vmem>>, vector<16xi32>,
      tpu.vector_store %arg11[%swap3A_1087], %add3A_1086 {strides = array<i32>} : memref<128xi32, #tpu.memory_space<vmem>>, vector<16xi32>,
      %get3A_1089 = arith.constant 32 : index
      %get3A_1090 = tpu.vector_load %arg9[%get3A_1089] {strides = array<i32>} : memref<144xi32, #tpu.memory_space<vmem>>, vector<16xi32>,
      %mul3A_1091 = arith.constant 784 : i32
      %mul3A_1092 = arith.muli %add3A_9, %mul3A_1091 : i32
      %add3A_1093 = vector.broadcast %mul3A_1092 : i32 to vector<16xi32>
      %add3A_1094 = arith.addi %get3A_1090, %add3A_1093 : vector<16xi32>
      %swap3A_1095 = arith.constant 32 : index
      %swap3A_1096 = tpu.vector_load %arg11[%swap3A_1095] {strides = array<i32>} : memref<128xi32, #tpu.memory_space<vmem>>, vector<16xi32>,
      tpu.vector_store %arg11[%swap3A_1095], %add3A_1094 {strides = array<i32>} : memref<128xi32, #tpu.memory_space<vmem>>, vector<16xi32>,
      %get3A_1097 = arith.constant 48 : index
      %get3A_1098 = tpu.vector_load %arg9[%get3A_1097] {strides = array<i32>} : memref<144xi32, #tpu.memory_space<vmem>>, vector<16xi32>,
      %mul3A_1099 = arith.constant 784 : i32
      %mul3A_1100 = arith.muli %add3A_9, %mul3A_1099 : i32
      %add3A_1101 = vector.broadcast %mul3A_1100 : i32 to vector<16xi32>
      %add3A_1102 = arith.addi %get3A_1098, %add3A_1101 : vector<16xi32>
      %swap3A_1103 = arith.constant 48 : index
      %swap3A_1104 = tpu.vector_load %arg11[%swap3A_1103] {strides = array<i32>} : memref<128xi32, #tpu.memory_space<vmem>>, vector<16xi32>,
      tpu.vector_store %arg11[%swap3A_1103], %add3A_1102 {strides = array<i32>} : memref<128xi32, #tpu.memory_space<vmem>>, vector<16xi32>,
      %get3A_1105 = arith.constant 64 : index
      %get3A_1106 = tpu.vector_load %arg9[%get3A_1105] {strides = array<i32>} : memref<144xi32, #tpu.memory_space<vmem>>, vector<16xi32>,
      %mul3A_1107 = arith.constant 784 : i32
      %mul3A_1108 = arith.muli %add3A_9, %mul3A_1107 : i32
      %add3A_1109 = vector.broadcast %mul3A_1108 : i32 to vector<16xi32>
      %add3A_1110 = arith.addi %get3A_1106, %add3A_1109 : vector<16xi32>
      %swap3A_1111 = arith.constant 64 : index
      %swap3A_1112 = tpu.vector_load %arg11[%swap3A_1111] {strides = array<i32>} : memref<128xi32, #tpu.memory_space<vmem>>, vector<16xi32>,
      tpu.vector_store %arg11[%swap3A_1111], %add3A_1110 {strides = array<i32>} : memref<128xi32, #tpu.memory_space<vmem>>, vector<16xi32>,
      %get3A_1113 = arith.constant 80 : index
      %get3A_1114 = tpu.vector_load %arg9[%get3A_1113] {strides = array<i32>} : memref<144xi32, #tpu.memory_space<vmem>>, vector<16xi32>,
      %mul3A_1115 = arith.constant 784 : i32
      %mul3A_1116 = arith.muli %add3A_9, %mul3A_1115 : i32
      %add3A_1117 = vector.broadcast %mul3A_1116 : i32 to vector<16xi32>
      %add3A_1118 = arith.addi %get3A_1114, %add3A_1117 : vector<16xi32>
      %swap3A_1119 = arith.constant 80 : index
      %swap3A_1120 = tpu.vector_load %arg11[%swap3A_1119] {strides = array<i32>} : memref<128xi32, #tpu.memory_space<vmem>>, vector<16xi32>,
      tpu.vector_store %arg11[%swap3A_1119], %add3A_1118 {strides = array<i32>} : memref<128xi32, #tpu.memory_space<vmem>>, vector<16xi32>,
      %get3A_1121 = arith.constant 96 : index
      %get3A_1122 = tpu.vector_load %arg9[%get3A_1121] {strides = array<i32>} : memref<144xi32, #tpu.memory_space<vmem>>, vector<16xi32>,
      %mul3A_1123 = arith.constant 784 : i32
      %mul3A_1124 = arith.muli %add3A_9, %mul3A_1123 : i32
      %add3A_1125 = vector.broadcast %mul3A_1124 : i32 to vector<16xi32>
      %add3A_1126 = arith.addi %get3A_1122, %add3A_1125 : vector<16xi32>
      %swap3A_1127 = arith.constant 96 : index
      %swap3A_1128 = tpu.vector_load %arg11[%swap3A_1127] {strides = array<i32>} : memref<128xi32, #tpu.memory_space<vmem>>, vector<16xi32>,
      tpu.vector_store %arg11[%swap3A_1127], %add3A_1126 {strides = array<i32>} : memref<128xi32, #tpu.memory_space<vmem>>, vector<16xi32>,
      %get3A_1129 = arith.constant 112 : index
      %get3A_1130 = tpu.vector_load %arg9[%get3A_1129] {strides = array<i32>} : memref<144xi32, #tpu.memory_space<vmem>>, vector<16xi32>,
      %mul3A_1131 = arith.constant 784 : i32
      %mul3A_1132 = arith.muli %add3A_9, %mul3A_1131 : i32
      %add3A_1133 = vector.broadcast %mul3A_1132 : i32 to vector<16xi32>
      %add3A_1134 = arith.addi %get3A_1130, %add3A_1133 : vector<16xi32>
      %swap3A_1135 = arith.constant 112 : index
      %swap3A_1136 = tpu.vector_load %arg11[%swap3A_1135] {strides = array<i32>} : memref<128xi32, #tpu.memory_space<vmem>>, vector<16xi32>,
      tpu.vector_store %arg11[%swap3A_1135], %add3A_1134 {strides = array<i32>} : memref<128xi32, #tpu.memory_space<vmem>>, vector<16xi32>,
      %dma_start3A = arith.constant 0 : i32
      %dma_start3A_1137 = arith.constant 0 : i32
      %dma_start3A_1138 = tpu.memref_slice %arg4[%dma_start3A, %dma_start3A_1137] : memref<3211264x128xf32, #tpu.memory_space<hbm>> -> memref<3211264x128xf32, #tpu.memory_space<hbm>>
      tpu.enqueue_indirect_dma source(%dma_start3A_1138 : memref<3211264x128xf32, #tpu.memory_space<hbm>>) target(%arg13 : memref<128x128xf32, #tpu.memory_space<vmem>>) offsets(%arg11 : memref<128xi32, #tpu.memory_space<vmem>>) semaphore(%arg17 : memref<!tpu.dma_semaphore, #tpu.memory_space<semaphore_mem>>)
      %dma_wait3A = arith.constant 0 : i32
      %dma_wait3A_1139 = arith.constant 0 : i32
      %dma_wait3A_1140 = tpu.memref_slice %arg4[%dma_wait3A, %dma_wait3A_1139] : memref<3211264x128xf32, #tpu.memory_space<hbm>> -> memref<3211264x128xf32, #tpu.memory_space<hbm>>
      tpu.wait_indirect_dma semaphore(%arg17 : memref<!tpu.dma_semaphore, #tpu.memory_space<semaphore_mem>>) src(%dma_wait3A_1140 : memref<3211264x128xf32, #tpu.memory_space<hbm>>) dst(%arg13 : memref<128x128xf32, #tpu.memory_space<vmem>>)
      %add3A_1141 = arith.addi %mul3A_2, %scan3A_8 : i32
      %broadcast_in_dim3A_1142 = arith.constant 0 : i32
      %broadcast_in_dim3A_1143 = vector.broadcast %broadcast_in_dim3A_1142 : i32 to vector<16xi32>
      %add3A_1144 = vector.broadcast %scan3A_8 : i32 to vector<16xi32>
      %add3A_1145 = arith.addi %broadcast_in_dim3A_1143, %add3A_1144 : vector<16xi32>
      %gather3A_1146 = tpu.vector_load_idx %arg8[%add3A_1145] : memref<128xi32, #tpu.memory_space<vmem>>[vector<16xi32>], vector<16xi32>,
      %bitcast3A_1147 = vector.bitcast %gather3A_1146 : vector<16xi32> to vector<16xf32>
      %broadcast_in_dim3A_1148 = arith.constant 0xFF800000 : f32
      %broadcast_in_dim3A_1149 = vector.broadcast %broadcast_in_dim3A_1148 : f32 to vector<16xf32>
      %swap3A_1150 = arith.constant 0 : index
      %swap3A_1151 = tpu.vector_load %arg15[%swap3A_1150] {strides = array<i32>} : memref<272xf32, #tpu.memory_space<vmem>>, vector<16xf32>,
      tpu.vector_store %arg15[%swap3A_1150], %broadcast_in_dim3A_1149 {strides = array<i32>} : memref<272xf32, #tpu.memory_space<vmem>>, vector<16xf32>,
      %broadcast_in_dim3A_1152 = arith.constant 0 : i32
      %broadcast_in_dim3A_1153 = vector.broadcast %broadcast_in_dim3A_1152 : i32 to vector<16xi32>
      %swap3A_1154 = arith.constant 0 : index
      %swap3A_1155 = tpu.vector_load %arg16[%swap3A_1154] {strides = array<i32>} : memref<272xi32, #tpu.memory_space<vmem>>, vector<16xi32>,
      tpu.vector_store %arg16[%swap3A_1154], %broadcast_in_dim3A_1153 {strides = array<i32>} : memref<272xi32, #tpu.memory_space<vmem>>, vector<16xi32>,
      %broadcast_in_dim3A_1156 = arith.constant 0xFF800000 : f32
      %broadcast_in_dim3A_1157 = vector.broadcast %broadcast_in_dim3A_1156 : f32 to vector<16xf32>
      %swap3A_1158 = arith.constant 16 : index
      %swap3A_1159 = tpu.vector_load %arg15[%swap3A_1158] {strides = array<i32>} : memref<272xf32, #tpu.memory_space<vmem>>, vector<16xf32>,
      tpu.vector_store %arg15[%swap3A_1158], %broadcast_in_dim3A_1157 {strides = array<i32>} : memref<272xf32, #tpu.memory_space<vmem>>, vector<16xf32>,
      %broadcast_in_dim3A_1160 = arith.constant 0 : i32
      %broadcast_in_dim3A_1161 = vector.broadcast %broadcast_in_dim3A_1160 : i32 to vector<16xi32>
      %swap3A_1162 = arith.constant 16 : index
      %swap3A_1163 = tpu.vector_load %arg16[%swap3A_1162] {strides = array<i32>} : memref<272xi32, #tpu.memory_space<vmem>>, vector<16xi32>,
      tpu.vector_store %arg16[%swap3A_1162], %broadcast_in_dim3A_1161 {strides = array<i32>} : memref<272xi32, #tpu.memory_space<vmem>>, vector<16xi32>,
      %broadcast_in_dim3A_1164 = arith.constant 0xFF800000 : f32
      %broadcast_in_dim3A_1165 = vector.broadcast %broadcast_in_dim3A_1164 : f32 to vector<16xf32>
      %swap3A_1166 = arith.constant 32 : index
      %swap3A_1167 = tpu.vector_load %arg15[%swap3A_1166] {strides = array<i32>} : memref<272xf32, #tpu.memory_space<vmem>>, vector<16xf32>,
      tpu.vector_store %arg15[%swap3A_1166], %broadcast_in_dim3A_1165 {strides = array<i32>} : memref<272xf32, #tpu.memory_space<vmem>>, vector<16xf32>,
      %broadcast_in_dim3A_1168 = arith.constant 0 : i32
      %broadcast_in_dim3A_1169 = vector.broadcast %broadcast_in_dim3A_1168 : i32 to vector<16xi32>
      %swap3A_1170 = arith.constant 32 : index
      %swap3A_1171 = tpu.vector_load %arg16[%swap3A_1170] {strides = array<i32>} : memref<272xi32, #tpu.memory_space<vmem>>, vector<16xi32>,
      tpu.vector_store %arg16[%swap3A_1170], %broadcast_in_dim3A_1169 {strides = array<i32>} : memref<272xi32, #tpu.memory_space<vmem>>, vector<16xi32>,
      %broadcast_in_dim3A_1172 = arith.constant 0xFF800000 : f32
      %broadcast_in_dim3A_1173 = vector.broadcast %broadcast_in_dim3A_1172 : f32 to vector<16xf32>
      %swap3A_1174 = arith.constant 48 : index
      %swap3A_1175 = tpu.vector_load %arg15[%swap3A_1174] {strides = array<i32>} : memref<272xf32, #tpu.memory_space<vmem>>, vector<16xf32>,
      tpu.vector_store %arg15[%swap3A_1174], %broadcast_in_dim3A_1173 {strides = array<i32>} : memref<272xf32, #tpu.memory_space<vmem>>, vector<16xf32>,
      %broadcast_in_dim3A_1176 = arith.constant 0 : i32
      %broadcast_in_dim3A_1177 = vector.broadcast %broadcast_in_dim3A_1176 : i32 to vector<16xi32>
      %swap3A_1178 = arith.constant 48 : index
      %swap3A_1179 = tpu.vector_load %arg16[%swap3A_1178] {strides = array<i32>} : memref<272xi32, #tpu.memory_space<vmem>>, vector<16xi32>,
      tpu.vector_store %arg16[%swap3A_1178], %broadcast_in_dim3A_1177 {strides = array<i32>} : memref<272xi32, #tpu.memory_space<vmem>>, vector<16xi32>,
      %broadcast_in_dim3A_1180 = arith.constant 0xFF800000 : f32
      %broadcast_in_dim3A_1181 = vector.broadcast %broadcast_in_dim3A_1180 : f32 to vector<16xf32>
      %swap3A_1182 = arith.constant 64 : index
      %swap3A_1183 = tpu.vector_load %arg15[%swap3A_1182] {strides = array<i32>} : memref<272xf32, #tpu.memory_space<vmem>>, vector<16xf32>,
      tpu.vector_store %arg15[%swap3A_1182], %broadcast_in_dim3A_1181 {strides = array<i32>} : memref<272xf32, #tpu.memory_space<vmem>>, vector<16xf32>,
      %broadcast_in_dim3A_1184 = arith.constant 0 : i32
      %broadcast_in_dim3A_1185 = vector.broadcast %broadcast_in_dim3A_1184 : i32 to vector<16xi32>
      %swap3A_1186 = arith.constant 64 : index
      %swap3A_1187 = tpu.vector_load %arg16[%swap3A_1186] {strides = array<i32>} : memref<272xi32, #tpu.memory_space<vmem>>, vector<16xi32>,
      tpu.vector_store %arg16[%swap3A_1186], %broadcast_in_dim3A_1185 {strides = array<i32>} : memref<272xi32, #tpu.memory_space<vmem>>, vector<16xi32>,
      %broadcast_in_dim3A_1188 = arith.constant 0xFF800000 : f32
      %broadcast_in_dim3A_1189 = vector.broadcast %broadcast_in_dim3A_1188 : f32 to vector<16xf32>
      %swap3A_1190 = arith.constant 80 : index
      %swap3A_1191 = tpu.vector_load %arg15[%swap3A_1190] {strides = array<i32>} : memref<272xf32, #tpu.memory_space<vmem>>, vector<16xf32>,
      tpu.vector_store %arg15[%swap3A_1190], %broadcast_in_dim3A_1189 {strides = array<i32>} : memref<272xf32, #tpu.memory_space<vmem>>, vector<16xf32>,
      %broadcast_in_dim3A_1192 = arith.constant 0 : i32
      %broadcast_in_dim3A_1193 = vector.broadcast %broadcast_in_dim3A_1192 : i32 to vector<16xi32>
      %swap3A_1194 = arith.constant 80 : index
      %swap3A_1195 = tpu.vector_load %arg16[%swap3A_1194] {strides = array<i32>} : memref<272xi32, #tpu.memory_space<vmem>>, vector<16xi32>,
      tpu.vector_store %arg16[%swap3A_1194], %broadcast_in_dim3A_1193 {strides = array<i32>} : memref<272xi32, #tpu.memory_space<vmem>>, vector<16xi32>,
      %broadcast_in_dim3A_1196 = arith.constant 0xFF800000 : f32
      %broadcast_in_dim3A_1197 = vector.broadcast %broadcast_in_dim3A_1196 : f32 to vector<16xf32>
      %swap3A_1198 = arith.constant 96 : index
      %swap3A_1199 = tpu.vector_load %arg15[%swap3A_1198] {strides = array<i32>} : memref<272xf32, #tpu.memory_space<vmem>>, vector<16xf32>,
      tpu.vector_store %arg15[%swap3A_1198], %broadcast_in_dim3A_1197 {strides = array<i32>} : memref<272xf32, #tpu.memory_space<vmem>>, vector<16xf32>,
      %broadcast_in_dim3A_1200 = arith.constant 0 : i32
      %broadcast_in_dim3A_1201 = vector.broadcast %broadcast_in_dim3A_1200 : i32 to vector<16xi32>
      %swap3A_1202 = arith.constant 96 : index
      %swap3A_1203 = tpu.vector_load %arg16[%swap3A_1202] {strides = array<i32>} : memref<272xi32, #tpu.memory_space<vmem>>, vector<16xi32>,
      tpu.vector_store %arg16[%swap3A_1202], %broadcast_in_dim3A_1201 {strides = array<i32>} : memref<272xi32, #tpu.memory_space<vmem>>, vector<16xi32>,
      %broadcast_in_dim3A_1204 = arith.constant 0xFF800000 : f32
      %broadcast_in_dim3A_1205 = vector.broadcast %broadcast_in_dim3A_1204 : f32 to vector<16xf32>
      %swap3A_1206 = arith.constant 112 : index
      %swap3A_1207 = tpu.vector_load %arg15[%swap3A_1206] {strides = array<i32>} : memref<272xf32, #tpu.memory_space<vmem>>, vector<16xf32>,
      tpu.vector_store %arg15[%swap3A_1206], %broadcast_in_dim3A_1205 {strides = array<i32>} : memref<272xf32, #tpu.memory_space<vmem>>, vector<16xf32>,
      %broadcast_in_dim3A_1208 = arith.constant 0 : i32
      %broadcast_in_dim3A_1209 = vector.broadcast %broadcast_in_dim3A_1208 : i32 to vector<16xi32>
      %swap3A_1210 = arith.constant 112 : index
      %swap3A_1211 = tpu.vector_load %arg16[%swap3A_1210] {strides = array<i32>} : memref<272xi32, #tpu.memory_space<vmem>>, vector<16xi32>,
      tpu.vector_store %arg16[%swap3A_1210], %broadcast_in_dim3A_1209 {strides = array<i32>} : memref<272xi32, #tpu.memory_space<vmem>>, vector<16xi32>,
      %broadcast_in_dim3A_1212 = arith.constant 0xFF800000 : f32
      %broadcast_in_dim3A_1213 = vector.broadcast %broadcast_in_dim3A_1212 : f32 to vector<16xf32>
      %swap3A_1214 = arith.constant 128 : index
      %swap3A_1215 = tpu.vector_load %arg15[%swap3A_1214] {strides = array<i32>} : memref<272xf32, #tpu.memory_space<vmem>>, vector<16xf32>,
      tpu.vector_store %arg15[%swap3A_1214], %broadcast_in_dim3A_1213 {strides = array<i32>} : memref<272xf32, #tpu.memory_space<vmem>>, vector<16xf32>,
      %broadcast_in_dim3A_1216 = arith.constant 0 : i32
      %broadcast_in_dim3A_1217 = vector.broadcast %broadcast_in_dim3A_1216 : i32 to vector<16xi32>
      %swap3A_1218 = arith.constant 128 : index
      %swap3A_1219 = tpu.vector_load %arg16[%swap3A_1218] {strides = array<i32>} : memref<272xi32, #tpu.memory_space<vmem>>, vector<16xi32>,
      tpu.vector_store %arg16[%swap3A_1218], %broadcast_in_dim3A_1217 {strides = array<i32>} : memref<272xi32, #tpu.memory_space<vmem>>, vector<16xi32>,
      %broadcast_in_dim3A_1220 = arith.constant 0xFF800000 : f32
      %broadcast_in_dim3A_1221 = vector.broadcast %broadcast_in_dim3A_1220 : f32 to vector<16xf32>
      %swap3A_1222 = arith.constant 144 : index
      %swap3A_1223 = tpu.vector_load %arg15[%swap3A_1222] {strides = array<i32>} : memref<272xf32, #tpu.memory_space<vmem>>, vector<16xf32>,
      tpu.vector_store %arg15[%swap3A_1222], %broadcast_in_dim3A_1221 {strides = array<i32>} : memref<272xf32, #tpu.memory_space<vmem>>, vector<16xf32>,
      %broadcast_in_dim3A_1224 = arith.constant 0 : i32
      %broadcast_in_dim3A_1225 = vector.broadcast %broadcast_in_dim3A_1224 : i32 to vector<16xi32>
      %swap3A_1226 = arith.constant 144 : index
      %swap3A_1227 = tpu.vector_load %arg16[%swap3A_1226] {strides = array<i32>} : memref<272xi32, #tpu.memory_space<vmem>>, vector<16xi32>,
      tpu.vector_store %arg16[%swap3A_1226], %broadcast_in_dim3A_1225 {strides = array<i32>} : memref<272xi32, #tpu.memory_space<vmem>>, vector<16xi32>,
      %broadcast_in_dim3A_1228 = arith.constant 0xFF800000 : f32
      %broadcast_in_dim3A_1229 = vector.broadcast %broadcast_in_dim3A_1228 : f32 to vector<16xf32>
      %swap3A_1230 = arith.constant 160 : index
      %swap3A_1231 = tpu.vector_load %arg15[%swap3A_1230] {strides = array<i32>} : memref<272xf32, #tpu.memory_space<vmem>>, vector<16xf32>,
      tpu.vector_store %arg15[%swap3A_1230], %broadcast_in_dim3A_1229 {strides = array<i32>} : memref<272xf32, #tpu.memory_space<vmem>>, vector<16xf32>,
      %broadcast_in_dim3A_1232 = arith.constant 0 : i32
      %broadcast_in_dim3A_1233 = vector.broadcast %broadcast_in_dim3A_1232 : i32 to vector<16xi32>
      %swap3A_1234 = arith.constant 160 : index
      %swap3A_1235 = tpu.vector_load %arg16[%swap3A_1234] {strides = array<i32>} : memref<272xi32, #tpu.memory_space<vmem>>, vector<16xi32>,
      tpu.vector_store %arg16[%swap3A_1234], %broadcast_in_dim3A_1233 {strides = array<i32>} : memref<272xi32, #tpu.memory_space<vmem>>, vector<16xi32>,
      %broadcast_in_dim3A_1236 = arith.constant 0xFF800000 : f32
      %broadcast_in_dim3A_1237 = vector.broadcast %broadcast_in_dim3A_1236 : f32 to vector<16xf32>
      %swap3A_1238 = arith.constant 176 : index
      %swap3A_1239 = tpu.vector_load %arg15[%swap3A_1238] {strides = array<i32>} : memref<272xf32, #tpu.memory_space<vmem>>, vector<16xf32>,
      tpu.vector_store %arg15[%swap3A_1238], %broadcast_in_dim3A_1237 {strides = array<i32>} : memref<272xf32, #tpu.memory_space<vmem>>, vector<16xf32>,
      %broadcast_in_dim3A_1240 = arith.constant 0 : i32
      %broadcast_in_dim3A_1241 = vector.broadcast %broadcast_in_dim3A_1240 : i32 to vector<16xi32>
      %swap3A_1242 = arith.constant 176 : index
      %swap3A_1243 = tpu.vector_load %arg16[%swap3A_1242] {strides = array<i32>} : memref<272xi32, #tpu.memory_space<vmem>>, vector<16xi32>,
      tpu.vector_store %arg16[%swap3A_1242], %broadcast_in_dim3A_1241 {strides = array<i32>} : memref<272xi32, #tpu.memory_space<vmem>>, vector<16xi32>,
      %broadcast_in_dim3A_1244 = arith.constant 0xFF800000 : f32
      %broadcast_in_dim3A_1245 = vector.broadcast %broadcast_in_dim3A_1244 : f32 to vector<16xf32>
      %swap3A_1246 = arith.constant 192 : index
      %swap3A_1247 = tpu.vector_load %arg15[%swap3A_1246] {strides = array<i32>} : memref<272xf32, #tpu.memory_space<vmem>>, vector<16xf32>,
      tpu.vector_store %arg15[%swap3A_1246], %broadcast_in_dim3A_1245 {strides = array<i32>} : memref<272xf32, #tpu.memory_space<vmem>>, vector<16xf32>,
      %broadcast_in_dim3A_1248 = arith.constant 0 : i32
      %broadcast_in_dim3A_1249 = vector.broadcast %broadcast_in_dim3A_1248 : i32 to vector<16xi32>
      %swap3A_1250 = arith.constant 192 : index
      %swap3A_1251 = tpu.vector_load %arg16[%swap3A_1250] {strides = array<i32>} : memref<272xi32, #tpu.memory_space<vmem>>, vector<16xi32>,
      tpu.vector_store %arg16[%swap3A_1250], %broadcast_in_dim3A_1249 {strides = array<i32>} : memref<272xi32, #tpu.memory_space<vmem>>, vector<16xi32>,
      %broadcast_in_dim3A_1252 = arith.constant 0xFF800000 : f32
      %broadcast_in_dim3A_1253 = vector.broadcast %broadcast_in_dim3A_1252 : f32 to vector<16xf32>
      %swap3A_1254 = arith.constant 208 : index
      %swap3A_1255 = tpu.vector_load %arg15[%swap3A_1254] {strides = array<i32>} : memref<272xf32, #tpu.memory_space<vmem>>, vector<16xf32>,
      tpu.vector_store %arg15[%swap3A_1254], %broadcast_in_dim3A_1253 {strides = array<i32>} : memref<272xf32, #tpu.memory_space<vmem>>, vector<16xf32>,
      %broadcast_in_dim3A_1256 = arith.constant 0 : i32
      %broadcast_in_dim3A_1257 = vector.broadcast %broadcast_in_dim3A_1256 : i32 to vector<16xi32>
      %swap3A_1258 = arith.constant 208 : index
      %swap3A_1259 = tpu.vector_load %arg16[%swap3A_1258] {strides = array<i32>} : memref<272xi32, #tpu.memory_space<vmem>>, vector<16xi32>,
      tpu.vector_store %arg16[%swap3A_1258], %broadcast_in_dim3A_1257 {strides = array<i32>} : memref<272xi32, #tpu.memory_space<vmem>>, vector<16xi32>,
      %broadcast_in_dim3A_1260 = arith.constant 0xFF800000 : f32
      %broadcast_in_dim3A_1261 = vector.broadcast %broadcast_in_dim3A_1260 : f32 to vector<16xf32>
      %swap3A_1262 = arith.constant 224 : index
      %swap3A_1263 = tpu.vector_load %arg15[%swap3A_1262] {strides = array<i32>} : memref<272xf32, #tpu.memory_space<vmem>>, vector<16xf32>,
      tpu.vector_store %arg15[%swap3A_1262], %broadcast_in_dim3A_1261 {strides = array<i32>} : memref<272xf32, #tpu.memory_space<vmem>>, vector<16xf32>,
      %broadcast_in_dim3A_1264 = arith.constant 0 : i32
      %broadcast_in_dim3A_1265 = vector.broadcast %broadcast_in_dim3A_1264 : i32 to vector<16xi32>
      %swap3A_1266 = arith.constant 224 : index
      %swap3A_1267 = tpu.vector_load %arg16[%swap3A_1266] {strides = array<i32>} : memref<272xi32, #tpu.memory_space<vmem>>, vector<16xi32>,
      tpu.vector_store %arg16[%swap3A_1266], %broadcast_in_dim3A_1265 {strides = array<i32>} : memref<272xi32, #tpu.memory_space<vmem>>, vector<16xi32>,
      %broadcast_in_dim3A_1268 = arith.constant 0xFF800000 : f32
      %broadcast_in_dim3A_1269 = vector.broadcast %broadcast_in_dim3A_1268 : f32 to vector<16xf32>
      %swap3A_1270 = arith.constant 240 : index
      %swap3A_1271 = tpu.vector_load %arg15[%swap3A_1270] {strides = array<i32>} : memref<272xf32, #tpu.memory_space<vmem>>, vector<16xf32>,
      tpu.vector_store %arg15[%swap3A_1270], %broadcast_in_dim3A_1269 {strides = array<i32>} : memref<272xf32, #tpu.memory_space<vmem>>, vector<16xf32>,
      %broadcast_in_dim3A_1272 = arith.constant 0 : i32
      %broadcast_in_dim3A_1273 = vector.broadcast %broadcast_in_dim3A_1272 : i32 to vector<16xi32>
      %swap3A_1274 = arith.constant 240 : index
      %swap3A_1275 = tpu.vector_load %arg16[%swap3A_1274] {strides = array<i32>} : memref<272xi32, #tpu.memory_space<vmem>>, vector<16xi32>,
      tpu.vector_store %arg16[%swap3A_1274], %broadcast_in_dim3A_1273 {strides = array<i32>} : memref<272xi32, #tpu.memory_space<vmem>>, vector<16xi32>,
      %broadcast_in_dim3A_1276 = arith.constant 0xFF800000 : f32
      %broadcast_in_dim3A_1277 = vector.broadcast %broadcast_in_dim3A_1276 : f32 to vector<16xf32>
      %swap3A_1278 = arith.constant 256 : index
      %swap3A_1279 = tpu.vector_load %arg15[%swap3A_1278] {strides = array<i32>} : memref<272xf32, #tpu.memory_space<vmem>>, vector<16xf32>,
      tpu.vector_store %arg15[%swap3A_1278], %broadcast_in_dim3A_1277 {strides = array<i32>} : memref<272xf32, #tpu.memory_space<vmem>>, vector<16xf32>,
      %broadcast_in_dim3A_1280 = arith.constant 0 : i32
      %broadcast_in_dim3A_1281 = vector.broadcast %broadcast_in_dim3A_1280 : i32 to vector<16xi32>
      %swap3A_1282 = arith.constant 256 : index
      %swap3A_1283 = tpu.vector_load %arg16[%swap3A_1282] {strides = array<i32>} : memref<272xi32, #tpu.memory_space<vmem>>, vector<16xi32>,
      tpu.vector_store %arg16[%swap3A_1282], %broadcast_in_dim3A_1281 {strides = array<i32>} : memref<272xi32, #tpu.memory_space<vmem>>, vector<16xi32>,
      %while3A = arith.constant 0 : i32
      %while3A_1284 = arith.constant 0 : i32
      %while3A_1285 = arith.subi %min3A_1072, %while3A : i32
      %while3A_1286 = arith.addi %while3A, %while3A_1285 : i32
      %while3A_1287 = arith.constant 1 : i32
      %while3A_1288 = arith.divsi %while3A_1285, %while3A_1287 : i32
      %while3A_1289 = arith.muli %while3A_1288, %while3A_1287 : i32
      %while3A_1290 = arith.addi %while3A, %while3A_1289 : i32
      %while3A_1291 = arith.constant 1 : i32
      %while3A_1292 = scf.for %while3A_1295 = %while3A to %while3A_1290 step %while3A_1291 iter_args(%while3A_1296 = %while3A_1284) -> (i32)  : i32 {
        %broadcast_in_dim3A_1297 = arith.constant 0 : i32
        %broadcast_in_dim3A_1298 = vector.broadcast %broadcast_in_dim3A_1297 : i32 to vector<16xi32>
        %add3A_1299 = vector.broadcast %while3A_1295 : i32 to vector<16xi32>
        %add3A_1300 = arith.addi %broadcast_in_dim3A_1298, %add3A_1299 : vector<16xi32>
        %gather3A_1301 = tpu.vector_load_idx %arg9[%add3A_1300] : memref<144xi32, #tpu.memory_space<vmem>>[vector<16xi32>], vector<16xi32>,
        %broadcast_in_dim3A_1302 = arith.constant 0 : i32
        %broadcast_in_dim3A_1303 = vector.broadcast %broadcast_in_dim3A_1302 : i32 to vector<16xi32>
        %add3A_1304 = vector.broadcast %while3A_1295 : i32 to vector<16xi32>
        %add3A_1305 = arith.addi %broadcast_in_dim3A_1303, %add3A_1304 : vector<16xi32>
        %iota3A_1306 = tpu.iota {dimensions = array<i32: 0>} : vector<16xi32>
        %add3A_1307 = arith.constant 0 : i32
        %add3A_1308 = vector.broadcast %add3A_1307 : i32 to vector<16xi32>
        %add3A_1309 = arith.addi %iota3A_1306, %add3A_1308 : vector<16xi32>
        %gather3A_1310 = tpu.vector_load_idx %arg13[%add3A_1305, %add3A_1309] : memref<128x128xf32, #tpu.memory_space<vmem>>[vector<16xi32>, vector<16xi32>], vector<16xf32>,
        %ge3A_1311 = arith.cmpf oge, %gather3A_1310, %bitcast3A_1147 : vector<16xf32>
        %mul3A_1312 = arith.constant 128 : i32
        %mul3A_1313 = vector.broadcast %mul3A_1312 : i32 to vector<16xi32>
        %mul3A_1314 = arith.muli %gather3A_1301, %mul3A_1313 : vector<16xi32>
        %add3A_1315 = arith.constant 0 : i32
        %add3A_1316 = vector.broadcast %add3A_1315 : i32 to vector<16xi32>
        %add3A_1317 = arith.addi %mul3A_1314, %add3A_1316 : vector<16xi32>
        %iota3A_1318 = tpu.iota {dimensions = array<i32: 0>} : vector<16xi32>
        %add3A_1319 = arith.addi %add3A_1317, %iota3A_1318 : vector<16xi32>
        %swap3A_1320 = arith.index_cast %while3A_1296 : i32 to index
        %swap3A_1321 = tpu.vector_load %arg15[%swap3A_1320] masked %ge3A_1311 {strides = array<i32>} : memref<272xf32, #tpu.memory_space<vmem>>, vector<16xf32>, vector<16xi1>
        tpu.vector_store %arg15[%swap3A_1320], %gather3A_1310 masked %ge3A_1311 {strides = array<i32>} : memref<272xf32, #tpu.memory_space<vmem>>, vector<16xf32>, vector<16xi1>
        %swap3A_1322 = arith.index_cast %while3A_1296 : i32 to index
        %swap3A_1323 = tpu.vector_load %arg16[%swap3A_1322] masked %ge3A_1311 {strides = array<i32>} : memref<272xi32, #tpu.memory_space<vmem>>, vector<16xi32>, vector<16xi1>
        tpu.vector_store %arg16[%swap3A_1322], %add3A_1319 masked %ge3A_1311 {strides = array<i32>} : memref<272xi32, #tpu.memory_space<vmem>>, vector<16xi32>, vector<16xi1>
        %all_reduce_population_count3A_1324 = tpu.all_reduce %ge3A_1311 {dim = 0 : i64, kind = #tpu.reduction_kind<sum>} : vector<16xi1> -> vector<16xi32>
        %reduce_max3A_1325 = arith.constant true
        %reduce_max3A_1326 = vector.broadcast %reduce_max3A_1325 : i1 to vector<16xi1>
        %reduce_max3A_1327 = arith.constant -2147483648 : i32
        %reduce_max3A_1328 = vector.broadcast %reduce_max3A_1327 : i32 to vector<16xi32>
        %reduce_max3A_1329 = arith.xori %all_reduce_population_count3A_1324, %reduce_max3A_1328 : vector<16xi32>
        %reduce_max3A_1330 = tpu.scan <max>, %reduce_max3A_1329 masked %reduce_max3A_1326 : vector<16xi32>, vector<16xi1> -> vector<16xi32>
        %reduce_max3A_1331 = arith.xori %reduce_max3A_1330, %reduce_max3A_1328 : vector<16xi32>
        %reduce_max3A_1332 = vector.extract %reduce_max3A_1331[15] : i32 from vector<16xi32>
        %add3A_1333 = arith.addi %while3A_1296, %reduce_max3A_1332 : i32
        %min3A_1334 = arith.constant 256 : i32
        %min3A_1335 = arith.minsi %add3A_1333, %min3A_1334 : i32
        %broadcast_in_dim3A_1336 = arith.constant 0 : i32
        %broadcast_in_dim3A_1337 = vector.broadcast %broadcast_in_dim3A_1336 : i32 to vector<16xi32>
        %add3A_1338 = vector.broadcast %while3A_1295 : i32 to vector<16xi32>
        %add3A_1339 = arith.addi %broadcast_in_dim3A_1337, %add3A_1338 : vector<16xi32>
        %iota3A_1340 = tpu.iota {dimensions = array<i32: 0>} : vector<16xi32>
        %add3A_1341 = arith.constant 16 : i32
        %add3A_1342 = vector.broadcast %add3A_1341 : i32 to vector<16xi32>
        %add3A_1343 = arith.addi %iota3A_1340, %add3A_1342 : vector<16xi32>
        %gather3A_1344 = tpu.vector_load_idx %arg13[%add3A_1339, %add3A_1343] : memref<128x128xf32, #tpu.memory_space<vmem>>[vector<16xi32>, vector<16xi32>], vector<16xf32>,
        %ge3A_1345 = arith.cmpf oge, %gather3A_1344, %bitcast3A_1147 : vector<16xf32>
        %mul3A_1346 = arith.constant 128 : i32
        %mul3A_1347 = vector.broadcast %mul3A_1346 : i32 to vector<16xi32>
        %mul3A_1348 = arith.muli %gather3A_1301, %mul3A_1347 : vector<16xi32>
        %add3A_1349 = arith.constant 16 : i32
        %add3A_1350 = vector.broadcast %add3A_1349 : i32 to vector<16xi32>
        %add3A_1351 = arith.addi %mul3A_1348, %add3A_1350 : vector<16xi32>
        %iota3A_1352 = tpu.iota {dimensions = array<i32: 0>} : vector<16xi32>
        %add3A_1353 = arith.addi %add3A_1351, %iota3A_1352 : vector<16xi32>
        %swap3A_1354 = arith.index_cast %min3A_1335 : i32 to index
        %swap3A_1355 = tpu.vector_load %arg15[%swap3A_1354] masked %ge3A_1345 {strides = array<i32>} : memref<272xf32, #tpu.memory_space<vmem>>, vector<16xf32>, vector<16xi1>
        tpu.vector_store %arg15[%swap3A_1354], %gather3A_1344 masked %ge3A_1345 {strides = array<i32>} : memref<272xf32, #tpu.memory_space<vmem>>, vector<16xf32>, vector<16xi1>
        %swap3A_1356 = arith.index_cast %min3A_1335 : i32 to index
        %swap3A_1357 = tpu.vector_load %arg16[%swap3A_1356] masked %ge3A_1345 {strides = array<i32>} : memref<272xi32, #tpu.memory_space<vmem>>, vector<16xi32>, vector<16xi1>
        tpu.vector_store %arg16[%swap3A_1356], %add3A_1353 masked %ge3A_1345 {strides = array<i32>} : memref<272xi32, #tpu.memory_space<vmem>>, vector<16xi32>, vector<16xi1>
        %all_reduce_population_count3A_1358 = tpu.all_reduce %ge3A_1345 {dim = 0 : i64, kind = #tpu.reduction_kind<sum>} : vector<16xi1> -> vector<16xi32>
        %reduce_max3A_1359 = arith.constant true
        %reduce_max3A_1360 = vector.broadcast %reduce_max3A_1359 : i1 to vector<16xi1>
        %reduce_max3A_1361 = arith.constant -2147483648 : i32
        %reduce_max3A_1362 = vector.broadcast %reduce_max3A_1361 : i32 to vector<16xi32>
        %reduce_max3A_1363 = arith.xori %all_reduce_population_count3A_1358, %reduce_max3A_1362 : vector<16xi32>
        %reduce_max3A_1364 = tpu.scan <max>, %reduce_max3A_1363 masked %reduce_max3A_1360 : vector<16xi32>, vector<16xi1> -> vector<16xi32>
        %reduce_max3A_1365 = arith.xori %reduce_max3A_1364, %reduce_max3A_1362 : vector<16xi32>
        %reduce_max3A_1366 = vector.extract %reduce_max3A_1365[15] : i32 from vector<16xi32>
        %add3A_1367 = arith.addi %min3A_1335, %reduce_max3A_1366 : i32
        %min3A_1368 = arith.constant 256 : i32
        %min3A_1369 = arith.minsi %add3A_1367, %min3A_1368 : i32
        %broadcast_in_dim3A_1370 = arith.constant 0 : i32
        %broadcast_in_dim3A_1371 = vector.broadcast %broadcast_in_dim3A_1370 : i32 to vector<16xi32>
        %add3A_1372 = vector.broadcast %while3A_1295 : i32 to vector<16xi32>
        %add3A_1373 = arith.addi %broadcast_in_dim3A_1371, %add3A_1372 : vector<16xi32>
        %iota3A_1374 = tpu.iota {dimensions = array<i32: 0>} : vector<16xi32>
        %add3A_1375 = arith.constant 32 : i32
        %add3A_1376 = vector.broadcast %add3A_1375 : i32 to vector<16xi32>
        %add3A_1377 = arith.addi %iota3A_1374, %add3A_1376 : vector<16xi32>
        %gather3A_1378 = tpu.vector_load_idx %arg13[%add3A_1373, %add3A_1377] : memref<128x128xf32, #tpu.memory_space<vmem>>[vector<16xi32>, vector<16xi32>], vector<16xf32>,
        %ge3A_1379 = arith.cmpf oge, %gather3A_1378, %bitcast3A_1147 : vector<16xf32>
        %mul3A_1380 = arith.constant 128 : i32
        %mul3A_1381 = vector.broadcast %mul3A_1380 : i32 to vector<16xi32>
        %mul3A_1382 = arith.muli %gather3A_1301, %mul3A_1381 : vector<16xi32>
        %add3A_1383 = arith.constant 32 : i32
        %add3A_1384 = vector.broadcast %add3A_1383 : i32 to vector<16xi32>
        %add3A_1385 = arith.addi %mul3A_1382, %add3A_1384 : vector<16xi32>
        %iota3A_1386 = tpu.iota {dimensions = array<i32: 0>} : vector<16xi32>
        %add3A_1387 = arith.addi %add3A_1385, %iota3A_1386 : vector<16xi32>
        %swap3A_1388 = arith.index_cast %min3A_1369 : i32 to index
        %swap3A_1389 = tpu.vector_load %arg15[%swap3A_1388] masked %ge3A_1379 {strides = array<i32>} : memref<272xf32, #tpu.memory_space<vmem>>, vector<16xf32>, vector<16xi1>
        tpu.vector_store %arg15[%swap3A_1388], %gather3A_1378 masked %ge3A_1379 {strides = array<i32>} : memref<272xf32, #tpu.memory_space<vmem>>, vector<16xf32>, vector<16xi1>
        %swap3A_1390 = arith.index_cast %min3A_1369 : i32 to index
        %swap3A_1391 = tpu.vector_load %arg16[%swap3A_1390] masked %ge3A_1379 {strides = array<i32>} : memref<272xi32, #tpu.memory_space<vmem>>, vector<16xi32>, vector<16xi1>
        tpu.vector_store %arg16[%swap3A_1390], %add3A_1387 masked %ge3A_1379 {strides = array<i32>} : memref<272xi32, #tpu.memory_space<vmem>>, vector<16xi32>, vector<16xi1>
        %all_reduce_population_count3A_1392 = tpu.all_reduce %ge3A_1379 {dim = 0 : i64, kind = #tpu.reduction_kind<sum>} : vector<16xi1> -> vector<16xi32>
        %reduce_max3A_1393 = arith.constant true
        %reduce_max3A_1394 = vector.broadcast %reduce_max3A_1393 : i1 to vector<16xi1>
        %reduce_max3A_1395 = arith.constant -2147483648 : i32
        %reduce_max3A_1396 = vector.broadcast %reduce_max3A_1395 : i32 to vector<16xi32>
        %reduce_max3A_1397 = arith.xori %all_reduce_population_count3A_1392, %reduce_max3A_1396 : vector<16xi32>
        %reduce_max3A_1398 = tpu.scan <max>, %reduce_max3A_1397 masked %reduce_max3A_1394 : vector<16xi32>, vector<16xi1> -> vector<16xi32>
        %reduce_max3A_1399 = arith.xori %reduce_max3A_1398, %reduce_max3A_1396 : vector<16xi32>
        %reduce_max3A_1400 = vector.extract %reduce_max3A_1399[15] : i32 from vector<16xi32>
        %add3A_1401 = arith.addi %min3A_1369, %reduce_max3A_1400 : i32
        %min3A_1402 = arith.constant 256 : i32
        %min3A_1403 = arith.minsi %add3A_1401, %min3A_1402 : i32
        %broadcast_in_dim3A_1404 = arith.constant 0 : i32
        %broadcast_in_dim3A_1405 = vector.broadcast %broadcast_in_dim3A_1404 : i32 to vector<16xi32>
        %add3A_1406 = vector.broadcast %while3A_1295 : i32 to vector<16xi32>
        %add3A_1407 = arith.addi %broadcast_in_dim3A_1405, %add3A_1406 : vector<16xi32>
        %iota3A_1408 = tpu.iota {dimensions = array<i32: 0>} : vector<16xi32>
        %add3A_1409 = arith.constant 48 : i32
        %add3A_1410 = vector.broadcast %add3A_1409 : i32 to vector<16xi32>
        %add3A_1411 = arith.addi %iota3A_1408, %add3A_1410 : vector<16xi32>
        %gather3A_1412 = tpu.vector_load_idx %arg13[%add3A_1407, %add3A_1411] : memref<128x128xf32, #tpu.memory_space<vmem>>[vector<16xi32>, vector<16xi32>], vector<16xf32>,
        %ge3A_1413 = arith.cmpf oge, %gather3A_1412, %bitcast3A_1147 : vector<16xf32>
        %mul3A_1414 = arith.constant 128 : i32
        %mul3A_1415 = vector.broadcast %mul3A_1414 : i32 to vector<16xi32>
        %mul3A_1416 = arith.muli %gather3A_1301, %mul3A_1415 : vector<16xi32>
        %add3A_1417 = arith.constant 48 : i32
        %add3A_1418 = vector.broadcast %add3A_1417 : i32 to vector<16xi32>
        %add3A_1419 = arith.addi %mul3A_1416, %add3A_1418 : vector<16xi32>
        %iota3A_1420 = tpu.iota {dimensions = array<i32: 0>} : vector<16xi32>
        %add3A_1421 = arith.addi %add3A_1419, %iota3A_1420 : vector<16xi32>
        %swap3A_1422 = arith.index_cast %min3A_1403 : i32 to index
        %swap3A_1423 = tpu.vector_load %arg15[%swap3A_1422] masked %ge3A_1413 {strides = array<i32>} : memref<272xf32, #tpu.memory_space<vmem>>, vector<16xf32>, vector<16xi1>
        tpu.vector_store %arg15[%swap3A_1422], %gather3A_1412 masked %ge3A_1413 {strides = array<i32>} : memref<272xf32, #tpu.memory_space<vmem>>, vector<16xf32>, vector<16xi1>
        %swap3A_1424 = arith.index_cast %min3A_1403 : i32 to index
        %swap3A_1425 = tpu.vector_load %arg16[%swap3A_1424] masked %ge3A_1413 {strides = array<i32>} : memref<272xi32, #tpu.memory_space<vmem>>, vector<16xi32>, vector<16xi1>
        tpu.vector_store %arg16[%swap3A_1424], %add3A_1421 masked %ge3A_1413 {strides = array<i32>} : memref<272xi32, #tpu.memory_space<vmem>>, vector<16xi32>, vector<16xi1>
        %all_reduce_population_count3A_1426 = tpu.all_reduce %ge3A_1413 {dim = 0 : i64, kind = #tpu.reduction_kind<sum>} : vector<16xi1> -> vector<16xi32>
        %reduce_max3A_1427 = arith.constant true
        %reduce_max3A_1428 = vector.broadcast %reduce_max3A_1427 : i1 to vector<16xi1>
        %reduce_max3A_1429 = arith.constant -2147483648 : i32
        %reduce_max3A_1430 = vector.broadcast %reduce_max3A_1429 : i32 to vector<16xi32>
        %reduce_max3A_1431 = arith.xori %all_reduce_population_count3A_1426, %reduce_max3A_1430 : vector<16xi32>
        %reduce_max3A_1432 = tpu.scan <max>, %reduce_max3A_1431 masked %reduce_max3A_1428 : vector<16xi32>, vector<16xi1> -> vector<16xi32>
        %reduce_max3A_1433 = arith.xori %reduce_max3A_1432, %reduce_max3A_1430 : vector<16xi32>
        %reduce_max3A_1434 = vector.extract %reduce_max3A_1433[15] : i32 from vector<16xi32>
        %add3A_1435 = arith.addi %min3A_1403, %reduce_max3A_1434 : i32
        %min3A_1436 = arith.constant 256 : i32
        %min3A_1437 = arith.minsi %add3A_1435, %min3A_1436 : i32
        %broadcast_in_dim3A_1438 = arith.constant 0 : i32
        %broadcast_in_dim3A_1439 = vector.broadcast %broadcast_in_dim3A_1438 : i32 to vector<16xi32>
        %add3A_1440 = vector.broadcast %while3A_1295 : i32 to vector<16xi32>
        %add3A_1441 = arith.addi %broadcast_in_dim3A_1439, %add3A_1440 : vector<16xi32>
        %iota3A_1442 = tpu.iota {dimensions = array<i32: 0>} : vector<16xi32>
        %add3A_1443 = arith.constant 64 : i32
        %add3A_1444 = vector.broadcast %add3A_1443 : i32 to vector<16xi32>
        %add3A_1445 = arith.addi %iota3A_1442, %add3A_1444 : vector<16xi32>
        %gather3A_1446 = tpu.vector_load_idx %arg13[%add3A_1441, %add3A_1445] : memref<128x128xf32, #tpu.memory_space<vmem>>[vector<16xi32>, vector<16xi32>], vector<16xf32>,
        %ge3A_1447 = arith.cmpf oge, %gather3A_1446, %bitcast3A_1147 : vector<16xf32>
        %mul3A_1448 = arith.constant 128 : i32
        %mul3A_1449 = vector.broadcast %mul3A_1448 : i32 to vector<16xi32>
        %mul3A_1450 = arith.muli %gather3A_1301, %mul3A_1449 : vector<16xi32>
        %add3A_1451 = arith.constant 64 : i32
        %add3A_1452 = vector.broadcast %add3A_1451 : i32 to vector<16xi32>
        %add3A_1453 = arith.addi %mul3A_1450, %add3A_1452 : vector<16xi32>
        %iota3A_1454 = tpu.iota {dimensions = array<i32: 0>} : vector<16xi32>
        %add3A_1455 = arith.addi %add3A_1453, %iota3A_1454 : vector<16xi32>
        %swap3A_1456 = arith.index_cast %min3A_1437 : i32 to index
        %swap3A_1457 = tpu.vector_load %arg15[%swap3A_1456] masked %ge3A_1447 {strides = array<i32>} : memref<272xf32, #tpu.memory_space<vmem>>, vector<16xf32>, vector<16xi1>
        tpu.vector_store %arg15[%swap3A_1456], %gather3A_1446 masked %ge3A_1447 {strides = array<i32>} : memref<272xf32, #tpu.memory_space<vmem>>, vector<16xf32>, vector<16xi1>
        %swap3A_1458 = arith.index_cast %min3A_1437 : i32 to index
        %swap3A_1459 = tpu.vector_load %arg16[%swap3A_1458] masked %ge3A_1447 {strides = array<i32>} : memref<272xi32, #tpu.memory_space<vmem>>, vector<16xi32>, vector<16xi1>
        tpu.vector_store %arg16[%swap3A_1458], %add3A_1455 masked %ge3A_1447 {strides = array<i32>} : memref<272xi32, #tpu.memory_space<vmem>>, vector<16xi32>, vector<16xi1>
        %all_reduce_population_count3A_1460 = tpu.all_reduce %ge3A_1447 {dim = 0 : i64, kind = #tpu.reduction_kind<sum>} : vector<16xi1> -> vector<16xi32>
        %reduce_max3A_1461 = arith.constant true
        %reduce_max3A_1462 = vector.broadcast %reduce_max3A_1461 : i1 to vector<16xi1>
        %reduce_max3A_1463 = arith.constant -2147483648 : i32
        %reduce_max3A_1464 = vector.broadcast %reduce_max3A_1463 : i32 to vector<16xi32>
        %reduce_max3A_1465 = arith.xori %all_reduce_population_count3A_1460, %reduce_max3A_1464 : vector<16xi32>
        %reduce_max3A_1466 = tpu.scan <max>, %reduce_max3A_1465 masked %reduce_max3A_1462 : vector<16xi32>, vector<16xi1> -> vector<16xi32>
        %reduce_max3A_1467 = arith.xori %reduce_max3A_1466, %reduce_max3A_1464 : vector<16xi32>
        %reduce_max3A_1468 = vector.extract %reduce_max3A_1467[15] : i32 from vector<16xi32>
        %add3A_1469 = arith.addi %min3A_1437, %reduce_max3A_1468 : i32
        %min3A_1470 = arith.constant 256 : i32
        %min3A_1471 = arith.minsi %add3A_1469, %min3A_1470 : i32
        %broadcast_in_dim3A_1472 = arith.constant 0 : i32
        %broadcast_in_dim3A_1473 = vector.broadcast %broadcast_in_dim3A_1472 : i32 to vector<16xi32>
        %add3A_1474 = vector.broadcast %while3A_1295 : i32 to vector<16xi32>
        %add3A_1475 = arith.addi %broadcast_in_dim3A_1473, %add3A_1474 : vector<16xi32>
        %iota3A_1476 = tpu.iota {dimensions = array<i32: 0>} : vector<16xi32>
        %add3A_1477 = arith.constant 80 : i32
        %add3A_1478 = vector.broadcast %add3A_1477 : i32 to vector<16xi32>
        %add3A_1479 = arith.addi %iota3A_1476, %add3A_1478 : vector<16xi32>
        %gather3A_1480 = tpu.vector_load_idx %arg13[%add3A_1475, %add3A_1479] : memref<128x128xf32, #tpu.memory_space<vmem>>[vector<16xi32>, vector<16xi32>], vector<16xf32>,
        %ge3A_1481 = arith.cmpf oge, %gather3A_1480, %bitcast3A_1147 : vector<16xf32>
        %mul3A_1482 = arith.constant 128 : i32
        %mul3A_1483 = vector.broadcast %mul3A_1482 : i32 to vector<16xi32>
        %mul3A_1484 = arith.muli %gather3A_1301, %mul3A_1483 : vector<16xi32>
        %add3A_1485 = arith.constant 80 : i32
        %add3A_1486 = vector.broadcast %add3A_1485 : i32 to vector<16xi32>
        %add3A_1487 = arith.addi %mul3A_1484, %add3A_1486 : vector<16xi32>
        %iota3A_1488 = tpu.iota {dimensions = array<i32: 0>} : vector<16xi32>
        %add3A_1489 = arith.addi %add3A_1487, %iota3A_1488 : vector<16xi32>
        %swap3A_1490 = arith.index_cast %min3A_1471 : i32 to index
        %swap3A_1491 = tpu.vector_load %arg15[%swap3A_1490] masked %ge3A_1481 {strides = array<i32>} : memref<272xf32, #tpu.memory_space<vmem>>, vector<16xf32>, vector<16xi1>
        tpu.vector_store %arg15[%swap3A_1490], %gather3A_1480 masked %ge3A_1481 {strides = array<i32>} : memref<272xf32, #tpu.memory_space<vmem>>, vector<16xf32>, vector<16xi1>
        %swap3A_1492 = arith.index_cast %min3A_1471 : i32 to index
        %swap3A_1493 = tpu.vector_load %arg16[%swap3A_1492] masked %ge3A_1481 {strides = array<i32>} : memref<272xi32, #tpu.memory_space<vmem>>, vector<16xi32>, vector<16xi1>
        tpu.vector_store %arg16[%swap3A_1492], %add3A_1489 masked %ge3A_1481 {strides = array<i32>} : memref<272xi32, #tpu.memory_space<vmem>>, vector<16xi32>, vector<16xi1>
        %all_reduce_population_count3A_1494 = tpu.all_reduce %ge3A_1481 {dim = 0 : i64, kind = #tpu.reduction_kind<sum>} : vector<16xi1> -> vector<16xi32>
        %reduce_max3A_1495 = arith.constant true
        %reduce_max3A_1496 = vector.broadcast %reduce_max3A_1495 : i1 to vector<16xi1>
        %reduce_max3A_1497 = arith.constant -2147483648 : i32
        %reduce_max3A_1498 = vector.broadcast %reduce_max3A_1497 : i32 to vector<16xi32>
        %reduce_max3A_1499 = arith.xori %all_reduce_population_count3A_1494, %reduce_max3A_1498 : vector<16xi32>
        %reduce_max3A_1500 = tpu.scan <max>, %reduce_max3A_1499 masked %reduce_max3A_1496 : vector<16xi32>, vector<16xi1> -> vector<16xi32>
        %reduce_max3A_1501 = arith.xori %reduce_max3A_1500, %reduce_max3A_1498 : vector<16xi32>
        %reduce_max3A_1502 = vector.extract %reduce_max3A_1501[15] : i32 from vector<16xi32>
        %add3A_1503 = arith.addi %min3A_1471, %reduce_max3A_1502 : i32
        %min3A_1504 = arith.constant 256 : i32
        %min3A_1505 = arith.minsi %add3A_1503, %min3A_1504 : i32
        %broadcast_in_dim3A_1506 = arith.constant 0 : i32
        %broadcast_in_dim3A_1507 = vector.broadcast %broadcast_in_dim3A_1506 : i32 to vector<16xi32>
        %add3A_1508 = vector.broadcast %while3A_1295 : i32 to vector<16xi32>
        %add3A_1509 = arith.addi %broadcast_in_dim3A_1507, %add3A_1508 : vector<16xi32>
        %iota3A_1510 = tpu.iota {dimensions = array<i32: 0>} : vector<16xi32>
        %add3A_1511 = arith.constant 96 : i32
        %add3A_1512 = vector.broadcast %add3A_1511 : i32 to vector<16xi32>
        %add3A_1513 = arith.addi %iota3A_1510, %add3A_1512 : vector<16xi32>
        %gather3A_1514 = tpu.vector_load_idx %arg13[%add3A_1509, %add3A_1513] : memref<128x128xf32, #tpu.memory_space<vmem>>[vector<16xi32>, vector<16xi32>], vector<16xf32>,
        %ge3A_1515 = arith.cmpf oge, %gather3A_1514, %bitcast3A_1147 : vector<16xf32>
        %mul3A_1516 = arith.constant 128 : i32
        %mul3A_1517 = vector.broadcast %mul3A_1516 : i32 to vector<16xi32>
        %mul3A_1518 = arith.muli %gather3A_1301, %mul3A_1517 : vector<16xi32>
        %add3A_1519 = arith.constant 96 : i32
        %add3A_1520 = vector.broadcast %add3A_1519 : i32 to vector<16xi32>
        %add3A_1521 = arith.addi %mul3A_1518, %add3A_1520 : vector<16xi32>
        %iota3A_1522 = tpu.iota {dimensions = array<i32: 0>} : vector<16xi32>
        %add3A_1523 = arith.addi %add3A_1521, %iota3A_1522 : vector<16xi32>
        %swap3A_1524 = arith.index_cast %min3A_1505 : i32 to index
        %swap3A_1525 = tpu.vector_load %arg15[%swap3A_1524] masked %ge3A_1515 {strides = array<i32>} : memref<272xf32, #tpu.memory_space<vmem>>, vector<16xf32>, vector<16xi1>
        tpu.vector_store %arg15[%swap3A_1524], %gather3A_1514 masked %ge3A_1515 {strides = array<i32>} : memref<272xf32, #tpu.memory_space<vmem>>, vector<16xf32>, vector<16xi1>
        %swap3A_1526 = arith.index_cast %min3A_1505 : i32 to index
        %swap3A_1527 = tpu.vector_load %arg16[%swap3A_1526] masked %ge3A_1515 {strides = array<i32>} : memref<272xi32, #tpu.memory_space<vmem>>, vector<16xi32>, vector<16xi1>
        tpu.vector_store %arg16[%swap3A_1526], %add3A_1523 masked %ge3A_1515 {strides = array<i32>} : memref<272xi32, #tpu.memory_space<vmem>>, vector<16xi32>, vector<16xi1>
        %all_reduce_population_count3A_1528 = tpu.all_reduce %ge3A_1515 {dim = 0 : i64, kind = #tpu.reduction_kind<sum>} : vector<16xi1> -> vector<16xi32>
        %reduce_max3A_1529 = arith.constant true
        %reduce_max3A_1530 = vector.broadcast %reduce_max3A_1529 : i1 to vector<16xi1>
        %reduce_max3A_1531 = arith.constant -2147483648 : i32
        %reduce_max3A_1532 = vector.broadcast %reduce_max3A_1531 : i32 to vector<16xi32>
        %reduce_max3A_1533 = arith.xori %all_reduce_population_count3A_1528, %reduce_max3A_1532 : vector<16xi32>
        %reduce_max3A_1534 = tpu.scan <max>, %reduce_max3A_1533 masked %reduce_max3A_1530 : vector<16xi32>, vector<16xi1> -> vector<16xi32>
        %reduce_max3A_1535 = arith.xori %reduce_max3A_1534, %reduce_max3A_1532 : vector<16xi32>
        %reduce_max3A_1536 = vector.extract %reduce_max3A_1535[15] : i32 from vector<16xi32>
        %add3A_1537 = arith.addi %min3A_1505, %reduce_max3A_1536 : i32
        %min3A_1538 = arith.constant 256 : i32
        %min3A_1539 = arith.minsi %add3A_1537, %min3A_1538 : i32
        %broadcast_in_dim3A_1540 = arith.constant 0 : i32
        %broadcast_in_dim3A_1541 = vector.broadcast %broadcast_in_dim3A_1540 : i32 to vector<16xi32>
        %add3A_1542 = vector.broadcast %while3A_1295 : i32 to vector<16xi32>
        %add3A_1543 = arith.addi %broadcast_in_dim3A_1541, %add3A_1542 : vector<16xi32>
        %iota3A_1544 = tpu.iota {dimensions = array<i32: 0>} : vector<16xi32>
        %add3A_1545 = arith.constant 112 : i32
        %add3A_1546 = vector.broadcast %add3A_1545 : i32 to vector<16xi32>
        %add3A_1547 = arith.addi %iota3A_1544, %add3A_1546 : vector<16xi32>
        %gather3A_1548 = tpu.vector_load_idx %arg13[%add3A_1543, %add3A_1547] : memref<128x128xf32, #tpu.memory_space<vmem>>[vector<16xi32>, vector<16xi32>], vector<16xf32>,
        %ge3A_1549 = arith.cmpf oge, %gather3A_1548, %bitcast3A_1147 : vector<16xf32>
        %mul3A_1550 = arith.constant 128 : i32
        %mul3A_1551 = vector.broadcast %mul3A_1550 : i32 to vector<16xi32>
        %mul3A_1552 = arith.muli %gather3A_1301, %mul3A_1551 : vector<16xi32>
        %add3A_1553 = arith.constant 112 : i32
        %add3A_1554 = vector.broadcast %add3A_1553 : i32 to vector<16xi32>
        %add3A_1555 = arith.addi %mul3A_1552, %add3A_1554 : vector<16xi32>
        %iota3A_1556 = tpu.iota {dimensions = array<i32: 0>} : vector<16xi32>
        %add3A_1557 = arith.addi %add3A_1555, %iota3A_1556 : vector<16xi32>
        %swap3A_1558 = arith.index_cast %min3A_1539 : i32 to index
        %swap3A_1559 = tpu.vector_load %arg15[%swap3A_1558] masked %ge3A_1549 {strides = array<i32>} : memref<272xf32, #tpu.memory_space<vmem>>, vector<16xf32>, vector<16xi1>
        tpu.vector_store %arg15[%swap3A_1558], %gather3A_1548 masked %ge3A_1549 {strides = array<i32>} : memref<272xf32, #tpu.memory_space<vmem>>, vector<16xf32>, vector<16xi1>
        %swap3A_1560 = arith.index_cast %min3A_1539 : i32 to index
        %swap3A_1561 = tpu.vector_load %arg16[%swap3A_1560] masked %ge3A_1549 {strides = array<i32>} : memref<272xi32, #tpu.memory_space<vmem>>, vector<16xi32>, vector<16xi1>
        tpu.vector_store %arg16[%swap3A_1560], %add3A_1557 masked %ge3A_1549 {strides = array<i32>} : memref<272xi32, #tpu.memory_space<vmem>>, vector<16xi32>, vector<16xi1>
        %all_reduce_population_count3A_1562 = tpu.all_reduce %ge3A_1549 {dim = 0 : i64, kind = #tpu.reduction_kind<sum>} : vector<16xi1> -> vector<16xi32>
        %reduce_max3A_1563 = arith.constant true
        %reduce_max3A_1564 = vector.broadcast %reduce_max3A_1563 : i1 to vector<16xi1>
        %reduce_max3A_1565 = arith.constant -2147483648 : i32
        %reduce_max3A_1566 = vector.broadcast %reduce_max3A_1565 : i32 to vector<16xi32>
        %reduce_max3A_1567 = arith.xori %all_reduce_population_count3A_1562, %reduce_max3A_1566 : vector<16xi32>
        %reduce_max3A_1568 = tpu.scan <max>, %reduce_max3A_1567 masked %reduce_max3A_1564 : vector<16xi32>, vector<16xi1> -> vector<16xi32>
        %reduce_max3A_1569 = arith.xori %reduce_max3A_1568, %reduce_max3A_1566 : vector<16xi32>
        %reduce_max3A_1570 = vector.extract %reduce_max3A_1569[15] : i32 from vector<16xi32>
        %add3A_1571 = arith.addi %min3A_1539, %reduce_max3A_1570 : i32
        %min3A_1572 = arith.constant 256 : i32
        %min3A_1573 = arith.minsi %add3A_1571, %min3A_1572 : i32
        scf.yield %min3A_1573 : i32
      }
      %while3A_1293 = arith.constant 1 : i32
      %while3A_1294 = scf.for %while3A_1295 = %while3A_1290 to %while3A_1286 step %while3A_1293 iter_args(%while3A_1296 = %while3A_1292) -> (i32)  : i32 {
        %broadcast_in_dim3A_1297 = arith.constant 0 : i32
        %broadcast_in_dim3A_1298 = vector.broadcast %broadcast_in_dim3A_1297 : i32 to vector<16xi32>
        %add3A_1299 = vector.broadcast %while3A_1295 : i32 to vector<16xi32>
        %add3A_1300 = arith.addi %broadcast_in_dim3A_1298, %add3A_1299 : vector<16xi32>
        %gather3A_1301 = tpu.vector_load_idx %arg9[%add3A_1300] : memref<144xi32, #tpu.memory_space<vmem>>[vector<16xi32>], vector<16xi32>,
        %broadcast_in_dim3A_1302 = arith.constant 0 : i32
        %broadcast_in_dim3A_1303 = vector.broadcast %broadcast_in_dim3A_1302 : i32 to vector<16xi32>
        %add3A_1304 = vector.broadcast %while3A_1295 : i32 to vector<16xi32>
        %add3A_1305 = arith.addi %broadcast_in_dim3A_1303, %add3A_1304 : vector<16xi32>
        %iota3A_1306 = tpu.iota {dimensions = array<i32: 0>} : vector<16xi32>
        %add3A_1307 = arith.constant 0 : i32
        %add3A_1308 = vector.broadcast %add3A_1307 : i32 to vector<16xi32>
        %add3A_1309 = arith.addi %iota3A_1306, %add3A_1308 : vector<16xi32>
        %gather3A_1310 = tpu.vector_load_idx %arg13[%add3A_1305, %add3A_1309] : memref<128x128xf32, #tpu.memory_space<vmem>>[vector<16xi32>, vector<16xi32>], vector<16xf32>,
        %ge3A_1311 = arith.cmpf oge, %gather3A_1310, %bitcast3A_1147 : vector<16xf32>
        %mul3A_1312 = arith.constant 128 : i32
        %mul3A_1313 = vector.broadcast %mul3A_1312 : i32 to vector<16xi32>
        %mul3A_1314 = arith.muli %gather3A_1301, %mul3A_1313 : vector<16xi32>
        %add3A_1315 = arith.constant 0 : i32
        %add3A_1316 = vector.broadcast %add3A_1315 : i32 to vector<16xi32>
        %add3A_1317 = arith.addi %mul3A_1314, %add3A_1316 : vector<16xi32>
        %iota3A_1318 = tpu.iota {dimensions = array<i32: 0>} : vector<16xi32>
        %add3A_1319 = arith.addi %add3A_1317, %iota3A_1318 : vector<16xi32>
        %swap3A_1320 = arith.index_cast %while3A_1296 : i32 to index
        %swap3A_1321 = tpu.vector_load %arg15[%swap3A_1320] masked %ge3A_1311 {strides = array<i32>} : memref<272xf32, #tpu.memory_space<vmem>>, vector<16xf32>, vector<16xi1>
        tpu.vector_store %arg15[%swap3A_1320], %gather3A_1310 masked %ge3A_1311 {strides = array<i32>} : memref<272xf32, #tpu.memory_space<vmem>>, vector<16xf32>, vector<16xi1>
        %swap3A_1322 = arith.index_cast %while3A_1296 : i32 to index
        %swap3A_1323 = tpu.vector_load %arg16[%swap3A_1322] masked %ge3A_1311 {strides = array<i32>} : memref<272xi32, #tpu.memory_space<vmem>>, vector<16xi32>, vector<16xi1>
        tpu.vector_store %arg16[%swap3A_1322], %add3A_1319 masked %ge3A_1311 {strides = array<i32>} : memref<272xi32, #tpu.memory_space<vmem>>, vector<16xi32>, vector<16xi1>
        %all_reduce_population_count3A_1324 = tpu.all_reduce %ge3A_1311 {dim = 0 : i64, kind = #tpu.reduction_kind<sum>} : vector<16xi1> -> vector<16xi32>
        %reduce_max3A_1325 = arith.constant true
        %reduce_max3A_1326 = vector.broadcast %reduce_max3A_1325 : i1 to vector<16xi1>
        %reduce_max3A_1327 = arith.constant -2147483648 : i32
        %reduce_max3A_1328 = vector.broadcast %reduce_max3A_1327 : i32 to vector<16xi32>
        %reduce_max3A_1329 = arith.xori %all_reduce_population_count3A_1324, %reduce_max3A_1328 : vector<16xi32>
        %reduce_max3A_1330 = tpu.scan <max>, %reduce_max3A_1329 masked %reduce_max3A_1326 : vector<16xi32>, vector<16xi1> -> vector<16xi32>
        %reduce_max3A_1331 = arith.xori %reduce_max3A_1330, %reduce_max3A_1328 : vector<16xi32>
        %reduce_max3A_1332 = vector.extract %reduce_max3A_1331[15] : i32 from vector<16xi32>
        %add3A_1333 = arith.addi %while3A_1296, %reduce_max3A_1332 : i32
        %min3A_1334 = arith.constant 256 : i32
        %min3A_1335 = arith.minsi %add3A_1333, %min3A_1334 : i32
        %broadcast_in_dim3A_1336 = arith.constant 0 : i32
        %broadcast_in_dim3A_1337 = vector.broadcast %broadcast_in_dim3A_1336 : i32 to vector<16xi32>
        %add3A_1338 = vector.broadcast %while3A_1295 : i32 to vector<16xi32>
        %add3A_1339 = arith.addi %broadcast_in_dim3A_1337, %add3A_1338 : vector<16xi32>
        %iota3A_1340 = tpu.iota {dimensions = array<i32: 0>} : vector<16xi32>
        %add3A_1341 = arith.constant 16 : i32
        %add3A_1342 = vector.broadcast %add3A_1341 : i32 to vector<16xi32>
        %add3A_1343 = arith.addi %iota3A_1340, %add3A_1342 : vector<16xi32>
        %gather3A_1344 = tpu.vector_load_idx %arg13[%add3A_1339, %add3A_1343] : memref<128x128xf32, #tpu.memory_space<vmem>>[vector<16xi32>, vector<16xi32>], vector<16xf32>,
        %ge3A_1345 = arith.cmpf oge, %gather3A_1344, %bitcast3A_1147 : vector<16xf32>
        %mul3A_1346 = arith.constant 128 : i32
        %mul3A_1347 = vector.broadcast %mul3A_1346 : i32 to vector<16xi32>
        %mul3A_1348 = arith.muli %gather3A_1301, %mul3A_1347 : vector<16xi32>
        %add3A_1349 = arith.constant 16 : i32
        %add3A_1350 = vector.broadcast %add3A_1349 : i32 to vector<16xi32>
        %add3A_1351 = arith.addi %mul3A_1348, %add3A_1350 : vector<16xi32>
        %iota3A_1352 = tpu.iota {dimensions = array<i32: 0>} : vector<16xi32>
        %add3A_1353 = arith.addi %add3A_1351, %iota3A_1352 : vector<16xi32>
        %swap3A_1354 = arith.index_cast %min3A_1335 : i32 to index
        %swap3A_1355 = tpu.vector_load %arg15[%swap3A_1354] masked %ge3A_1345 {strides = array<i32>} : memref<272xf32, #tpu.memory_space<vmem>>, vector<16xf32>, vector<16xi1>
        tpu.vector_store %arg15[%swap3A_1354], %gather3A_1344 masked %ge3A_1345 {strides = array<i32>} : memref<272xf32, #tpu.memory_space<vmem>>, vector<16xf32>, vector<16xi1>
        %swap3A_1356 = arith.index_cast %min3A_1335 : i32 to index
        %swap3A_1357 = tpu.vector_load %arg16[%swap3A_1356] masked %ge3A_1345 {strides = array<i32>} : memref<272xi32, #tpu.memory_space<vmem>>, vector<16xi32>, vector<16xi1>
        tpu.vector_store %arg16[%swap3A_1356], %add3A_1353 masked %ge3A_1345 {strides = array<i32>} : memref<272xi32, #tpu.memory_space<vmem>>, vector<16xi32>, vector<16xi1>
        %all_reduce_population_count3A_1358 = tpu.all_reduce %ge3A_1345 {dim = 0 : i64, kind = #tpu.reduction_kind<sum>} : vector<16xi1> -> vector<16xi32>
        %reduce_max3A_1359 = arith.constant true
        %reduce_max3A_1360 = vector.broadcast %reduce_max3A_1359 : i1 to vector<16xi1>
        %reduce_max3A_1361 = arith.constant -2147483648 : i32
        %reduce_max3A_1362 = vector.broadcast %reduce_max3A_1361 : i32 to vector<16xi32>
        %reduce_max3A_1363 = arith.xori %all_reduce_population_count3A_1358, %reduce_max3A_1362 : vector<16xi32>
        %reduce_max3A_1364 = tpu.scan <max>, %reduce_max3A_1363 masked %reduce_max3A_1360 : vector<16xi32>, vector<16xi1> -> vector<16xi32>
        %reduce_max3A_1365 = arith.xori %reduce_max3A_1364, %reduce_max3A_1362 : vector<16xi32>
        %reduce_max3A_1366 = vector.extract %reduce_max3A_1365[15] : i32 from vector<16xi32>
        %add3A_1367 = arith.addi %min3A_1335, %reduce_max3A_1366 : i32
        %min3A_1368 = arith.constant 256 : i32
        %min3A_1369 = arith.minsi %add3A_1367, %min3A_1368 : i32
        %broadcast_in_dim3A_1370 = arith.constant 0 : i32
        %broadcast_in_dim3A_1371 = vector.broadcast %broadcast_in_dim3A_1370 : i32 to vector<16xi32>
        %add3A_1372 = vector.broadcast %while3A_1295 : i32 to vector<16xi32>
        %add3A_1373 = arith.addi %broadcast_in_dim3A_1371, %add3A_1372 : vector<16xi32>
        %iota3A_1374 = tpu.iota {dimensions = array<i32: 0>} : vector<16xi32>
        %add3A_1375 = arith.constant 32 : i32
        %add3A_1376 = vector.broadcast %add3A_1375 : i32 to vector<16xi32>
        %add3A_1377 = arith.addi %iota3A_1374, %add3A_1376 : vector<16xi32>
        %gather3A_1378 = tpu.vector_load_idx %arg13[%add3A_1373, %add3A_1377] : memref<128x128xf32, #tpu.memory_space<vmem>>[vector<16xi32>, vector<16xi32>], vector<16xf32>,
        %ge3A_1379 = arith.cmpf oge, %gather3A_1378, %bitcast3A_1147 : vector<16xf32>
        %mul3A_1380 = arith.constant 128 : i32
        %mul3A_1381 = vector.broadcast %mul3A_1380 : i32 to vector<16xi32>
        %mul3A_1382 = arith.muli %gather3A_1301, %mul3A_1381 : vector<16xi32>
        %add3A_1383 = arith.constant 32 : i32
        %add3A_1384 = vector.broadcast %add3A_1383 : i32 to vector<16xi32>
        %add3A_1385 = arith.addi %mul3A_1382, %add3A_1384 : vector<16xi32>
        %iota3A_1386 = tpu.iota {dimensions = array<i32: 0>} : vector<16xi32>
        %add3A_1387 = arith.addi %add3A_1385, %iota3A_1386 : vector<16xi32>
        %swap3A_1388 = arith.index_cast %min3A_1369 : i32 to index
        %swap3A_1389 = tpu.vector_load %arg15[%swap3A_1388] masked %ge3A_1379 {strides = array<i32>} : memref<272xf32, #tpu.memory_space<vmem>>, vector<16xf32>, vector<16xi1>
        tpu.vector_store %arg15[%swap3A_1388], %gather3A_1378 masked %ge3A_1379 {strides = array<i32>} : memref<272xf32, #tpu.memory_space<vmem>>, vector<16xf32>, vector<16xi1>
        %swap3A_1390 = arith.index_cast %min3A_1369 : i32 to index
        %swap3A_1391 = tpu.vector_load %arg16[%swap3A_1390] masked %ge3A_1379 {strides = array<i32>} : memref<272xi32, #tpu.memory_space<vmem>>, vector<16xi32>, vector<16xi1>
        tpu.vector_store %arg16[%swap3A_1390], %add3A_1387 masked %ge3A_1379 {strides = array<i32>} : memref<272xi32, #tpu.memory_space<vmem>>, vector<16xi32>, vector<16xi1>
        %all_reduce_population_count3A_1392 = tpu.all_reduce %ge3A_1379 {dim = 0 : i64, kind = #tpu.reduction_kind<sum>} : vector<16xi1> -> vector<16xi32>
        %reduce_max3A_1393 = arith.constant true
        %reduce_max3A_1394 = vector.broadcast %reduce_max3A_1393 : i1 to vector<16xi1>
        %reduce_max3A_1395 = arith.constant -2147483648 : i32
        %reduce_max3A_1396 = vector.broadcast %reduce_max3A_1395 : i32 to vector<16xi32>
        %reduce_max3A_1397 = arith.xori %all_reduce_population_count3A_1392, %reduce_max3A_1396 : vector<16xi32>
        %reduce_max3A_1398 = tpu.scan <max>, %reduce_max3A_1397 masked %reduce_max3A_1394 : vector<16xi32>, vector<16xi1> -> vector<16xi32>
        %reduce_max3A_1399 = arith.xori %reduce_max3A_1398, %reduce_max3A_1396 : vector<16xi32>
        %reduce_max3A_1400 = vector.extract %reduce_max3A_1399[15] : i32 from vector<16xi32>
        %add3A_1401 = arith.addi %min3A_1369, %reduce_max3A_1400 : i32
        %min3A_1402 = arith.constant 256 : i32
        %min3A_1403 = arith.minsi %add3A_1401, %min3A_1402 : i32
        %broadcast_in_dim3A_1404 = arith.constant 0 : i32
        %broadcast_in_dim3A_1405 = vector.broadcast %broadcast_in_dim3A_1404 : i32 to vector<16xi32>
        %add3A_1406 = vector.broadcast %while3A_1295 : i32 to vector<16xi32>
        %add3A_1407 = arith.addi %broadcast_in_dim3A_1405, %add3A_1406 : vector<16xi32>
        %iota3A_1408 = tpu.iota {dimensions = array<i32: 0>} : vector<16xi32>
        %add3A_1409 = arith.constant 48 : i32
        %add3A_1410 = vector.broadcast %add3A_1409 : i32 to vector<16xi32>
        %add3A_1411 = arith.addi %iota3A_1408, %add3A_1410 : vector<16xi32>
        %gather3A_1412 = tpu.vector_load_idx %arg13[%add3A_1407, %add3A_1411] : memref<128x128xf32, #tpu.memory_space<vmem>>[vector<16xi32>, vector<16xi32>], vector<16xf32>,
        %ge3A_1413 = arith.cmpf oge, %gather3A_1412, %bitcast3A_1147 : vector<16xf32>
        %mul3A_1414 = arith.constant 128 : i32
        %mul3A_1415 = vector.broadcast %mul3A_1414 : i32 to vector<16xi32>
        %mul3A_1416 = arith.muli %gather3A_1301, %mul3A_1415 : vector<16xi32>
        %add3A_1417 = arith.constant 48 : i32
        %add3A_1418 = vector.broadcast %add3A_1417 : i32 to vector<16xi32>
        %add3A_1419 = arith.addi %mul3A_1416, %add3A_1418 : vector<16xi32>
        %iota3A_1420 = tpu.iota {dimensions = array<i32: 0>} : vector<16xi32>
        %add3A_1421 = arith.addi %add3A_1419, %iota3A_1420 : vector<16xi32>
        %swap3A_1422 = arith.index_cast %min3A_1403 : i32 to index
        %swap3A_1423 = tpu.vector_load %arg15[%swap3A_1422] masked %ge3A_1413 {strides = array<i32>} : memref<272xf32, #tpu.memory_space<vmem>>, vector<16xf32>, vector<16xi1>
        tpu.vector_store %arg15[%swap3A_1422], %gather3A_1412 masked %ge3A_1413 {strides = array<i32>} : memref<272xf32, #tpu.memory_space<vmem>>, vector<16xf32>, vector<16xi1>
        %swap3A_1424 = arith.index_cast %min3A_1403 : i32 to index
        %swap3A_1425 = tpu.vector_load %arg16[%swap3A_1424] masked %ge3A_1413 {strides = array<i32>} : memref<272xi32, #tpu.memory_space<vmem>>, vector<16xi32>, vector<16xi1>
        tpu.vector_store %arg16[%swap3A_1424], %add3A_1421 masked %ge3A_1413 {strides = array<i32>} : memref<272xi32, #tpu.memory_space<vmem>>, vector<16xi32>, vector<16xi1>
        %all_reduce_population_count3A_1426 = tpu.all_reduce %ge3A_1413 {dim = 0 : i64, kind = #tpu.reduction_kind<sum>} : vector<16xi1> -> vector<16xi32>
        %reduce_max3A_1427 = arith.constant true
        %reduce_max3A_1428 = vector.broadcast %reduce_max3A_1427 : i1 to vector<16xi1>
        %reduce_max3A_1429 = arith.constant -2147483648 : i32
        %reduce_max3A_1430 = vector.broadcast %reduce_max3A_1429 : i32 to vector<16xi32>
        %reduce_max3A_1431 = arith.xori %all_reduce_population_count3A_1426, %reduce_max3A_1430 : vector<16xi32>
        %reduce_max3A_1432 = tpu.scan <max>, %reduce_max3A_1431 masked %reduce_max3A_1428 : vector<16xi32>, vector<16xi1> -> vector<16xi32>
        %reduce_max3A_1433 = arith.xori %reduce_max3A_1432, %reduce_max3A_1430 : vector<16xi32>
        %reduce_max3A_1434 = vector.extract %reduce_max3A_1433[15] : i32 from vector<16xi32>
        %add3A_1435 = arith.addi %min3A_1403, %reduce_max3A_1434 : i32
        %min3A_1436 = arith.constant 256 : i32
        %min3A_1437 = arith.minsi %add3A_1435, %min3A_1436 : i32
        %broadcast_in_dim3A_1438 = arith.constant 0 : i32
        %broadcast_in_dim3A_1439 = vector.broadcast %broadcast_in_dim3A_1438 : i32 to vector<16xi32>
        %add3A_1440 = vector.broadcast %while3A_1295 : i32 to vector<16xi32>
        %add3A_1441 = arith.addi %broadcast_in_dim3A_1439, %add3A_1440 : vector<16xi32>
        %iota3A_1442 = tpu.iota {dimensions = array<i32: 0>} : vector<16xi32>
        %add3A_1443 = arith.constant 64 : i32
        %add3A_1444 = vector.broadcast %add3A_1443 : i32 to vector<16xi32>
        %add3A_1445 = arith.addi %iota3A_1442, %add3A_1444 : vector<16xi32>
        %gather3A_1446 = tpu.vector_load_idx %arg13[%add3A_1441, %add3A_1445] : memref<128x128xf32, #tpu.memory_space<vmem>>[vector<16xi32>, vector<16xi32>], vector<16xf32>,
        %ge3A_1447 = arith.cmpf oge, %gather3A_1446, %bitcast3A_1147 : vector<16xf32>
        %mul3A_1448 = arith.constant 128 : i32
        %mul3A_1449 = vector.broadcast %mul3A_1448 : i32 to vector<16xi32>
        %mul3A_1450 = arith.muli %gather3A_1301, %mul3A_1449 : vector<16xi32>
        %add3A_1451 = arith.constant 64 : i32
        %add3A_1452 = vector.broadcast %add3A_1451 : i32 to vector<16xi32>
        %add3A_1453 = arith.addi %mul3A_1450, %add3A_1452 : vector<16xi32>
        %iota3A_1454 = tpu.iota {dimensions = array<i32: 0>} : vector<16xi32>
        %add3A_1455 = arith.addi %add3A_1453, %iota3A_1454 : vector<16xi32>
        %swap3A_1456 = arith.index_cast %min3A_1437 : i32 to index
        %swap3A_1457 = tpu.vector_load %arg15[%swap3A_1456] masked %ge3A_1447 {strides = array<i32>} : memref<272xf32, #tpu.memory_space<vmem>>, vector<16xf32>, vector<16xi1>
        tpu.vector_store %arg15[%swap3A_1456], %gather3A_1446 masked %ge3A_1447 {strides = array<i32>} : memref<272xf32, #tpu.memory_space<vmem>>, vector<16xf32>, vector<16xi1>
        %swap3A_1458 = arith.index_cast %min3A_1437 : i32 to index
        %swap3A_1459 = tpu.vector_load %arg16[%swap3A_1458] masked %ge3A_1447 {strides = array<i32>} : memref<272xi32, #tpu.memory_space<vmem>>, vector<16xi32>, vector<16xi1>
        tpu.vector_store %arg16[%swap3A_1458], %add3A_1455 masked %ge3A_1447 {strides = array<i32>} : memref<272xi32, #tpu.memory_space<vmem>>, vector<16xi32>, vector<16xi1>
        %all_reduce_population_count3A_1460 = tpu.all_reduce %ge3A_1447 {dim = 0 : i64, kind = #tpu.reduction_kind<sum>} : vector<16xi1> -> vector<16xi32>
        %reduce_max3A_1461 = arith.constant true
        %reduce_max3A_1462 = vector.broadcast %reduce_max3A_1461 : i1 to vector<16xi1>
        %reduce_max3A_1463 = arith.constant -2147483648 : i32
        %reduce_max3A_1464 = vector.broadcast %reduce_max3A_1463 : i32 to vector<16xi32>
        %reduce_max3A_1465 = arith.xori %all_reduce_population_count3A_1460, %reduce_max3A_1464 : vector<16xi32>
        %reduce_max3A_1466 = tpu.scan <max>, %reduce_max3A_1465 masked %reduce_max3A_1462 : vector<16xi32>, vector<16xi1> -> vector<16xi32>
        %reduce_max3A_1467 = arith.xori %reduce_max3A_1466, %reduce_max3A_1464 : vector<16xi32>
        %reduce_max3A_1468 = vector.extract %reduce_max3A_1467[15] : i32 from vector<16xi32>
        %add3A_1469 = arith.addi %min3A_1437, %reduce_max3A_1468 : i32
        %min3A_1470 = arith.constant 256 : i32
        %min3A_1471 = arith.minsi %add3A_1469, %min3A_1470 : i32
        %broadcast_in_dim3A_1472 = arith.constant 0 : i32
        %broadcast_in_dim3A_1473 = vector.broadcast %broadcast_in_dim3A_1472 : i32 to vector<16xi32>
        %add3A_1474 = vector.broadcast %while3A_1295 : i32 to vector<16xi32>
        %add3A_1475 = arith.addi %broadcast_in_dim3A_1473, %add3A_1474 : vector<16xi32>
        %iota3A_1476 = tpu.iota {dimensions = array<i32: 0>} : vector<16xi32>
        %add3A_1477 = arith.constant 80 : i32
        %add3A_1478 = vector.broadcast %add3A_1477 : i32 to vector<16xi32>
        %add3A_1479 = arith.addi %iota3A_1476, %add3A_1478 : vector<16xi32>
        %gather3A_1480 = tpu.vector_load_idx %arg13[%add3A_1475, %add3A_1479] : memref<128x128xf32, #tpu.memory_space<vmem>>[vector<16xi32>, vector<16xi32>], vector<16xf32>,
        %ge3A_1481 = arith.cmpf oge, %gather3A_1480, %bitcast3A_1147 : vector<16xf32>
        %mul3A_1482 = arith.constant 128 : i32
        %mul3A_1483 = vector.broadcast %mul3A_1482 : i32 to vector<16xi32>
        %mul3A_1484 = arith.muli %gather3A_1301, %mul3A_1483 : vector<16xi32>
        %add3A_1485 = arith.constant 80 : i32
        %add3A_1486 = vector.broadcast %add3A_1485 : i32 to vector<16xi32>
        %add3A_1487 = arith.addi %mul3A_1484, %add3A_1486 : vector<16xi32>
        %iota3A_1488 = tpu.iota {dimensions = array<i32: 0>} : vector<16xi32>
        %add3A_1489 = arith.addi %add3A_1487, %iota3A_1488 : vector<16xi32>
        %swap3A_1490 = arith.index_cast %min3A_1471 : i32 to index
        %swap3A_1491 = tpu.vector_load %arg15[%swap3A_1490] masked %ge3A_1481 {strides = array<i32>} : memref<272xf32, #tpu.memory_space<vmem>>, vector<16xf32>, vector<16xi1>
        tpu.vector_store %arg15[%swap3A_1490], %gather3A_1480 masked %ge3A_1481 {strides = array<i32>} : memref<272xf32, #tpu.memory_space<vmem>>, vector<16xf32>, vector<16xi1>
        %swap3A_1492 = arith.index_cast %min3A_1471 : i32 to index
        %swap3A_1493 = tpu.vector_load %arg16[%swap3A_1492] masked %ge3A_1481 {strides = array<i32>} : memref<272xi32, #tpu.memory_space<vmem>>, vector<16xi32>, vector<16xi1>
        tpu.vector_store %arg16[%swap3A_1492], %add3A_1489 masked %ge3A_1481 {strides = array<i32>} : memref<272xi32, #tpu.memory_space<vmem>>, vector<16xi32>, vector<16xi1>
        %all_reduce_population_count3A_1494 = tpu.all_reduce %ge3A_1481 {dim = 0 : i64, kind = #tpu.reduction_kind<sum>} : vector<16xi1> -> vector<16xi32>
        %reduce_max3A_1495 = arith.constant true
        %reduce_max3A_1496 = vector.broadcast %reduce_max3A_1495 : i1 to vector<16xi1>
        %reduce_max3A_1497 = arith.constant -2147483648 : i32
        %reduce_max3A_1498 = vector.broadcast %reduce_max3A_1497 : i32 to vector<16xi32>
        %reduce_max3A_1499 = arith.xori %all_reduce_population_count3A_1494, %reduce_max3A_1498 : vector<16xi32>
        %reduce_max3A_1500 = tpu.scan <max>, %reduce_max3A_1499 masked %reduce_max3A_1496 : vector<16xi32>, vector<16xi1> -> vector<16xi32>
        %reduce_max3A_1501 = arith.xori %reduce_max3A_1500, %reduce_max3A_1498 : vector<16xi32>
        %reduce_max3A_1502 = vector.extract %reduce_max3A_1501[15] : i32 from vector<16xi32>
        %add3A_1503 = arith.addi %min3A_1471, %reduce_max3A_1502 : i32
        %min3A_1504 = arith.constant 256 : i32
        %min3A_1505 = arith.minsi %add3A_1503, %min3A_1504 : i32
        %broadcast_in_dim3A_1506 = arith.constant 0 : i32
        %broadcast_in_dim3A_1507 = vector.broadcast %broadcast_in_dim3A_1506 : i32 to vector<16xi32>
        %add3A_1508 = vector.broadcast %while3A_1295 : i32 to vector<16xi32>
        %add3A_1509 = arith.addi %broadcast_in_dim3A_1507, %add3A_1508 : vector<16xi32>
        %iota3A_1510 = tpu.iota {dimensions = array<i32: 0>} : vector<16xi32>
        %add3A_1511 = arith.constant 96 : i32
        %add3A_1512 = vector.broadcast %add3A_1511 : i32 to vector<16xi32>
        %add3A_1513 = arith.addi %iota3A_1510, %add3A_1512 : vector<16xi32>
        %gather3A_1514 = tpu.vector_load_idx %arg13[%add3A_1509, %add3A_1513] : memref<128x128xf32, #tpu.memory_space<vmem>>[vector<16xi32>, vector<16xi32>], vector<16xf32>,
        %ge3A_1515 = arith.cmpf oge, %gather3A_1514, %bitcast3A_1147 : vector<16xf32>
        %mul3A_1516 = arith.constant 128 : i32
        %mul3A_1517 = vector.broadcast %mul3A_1516 : i32 to vector<16xi32>
        %mul3A_1518 = arith.muli %gather3A_1301, %mul3A_1517 : vector<16xi32>
        %add3A_1519 = arith.constant 96 : i32
        %add3A_1520 = vector.broadcast %add3A_1519 : i32 to vector<16xi32>
        %add3A_1521 = arith.addi %mul3A_1518, %add3A_1520 : vector<16xi32>
        %iota3A_1522 = tpu.iota {dimensions = array<i32: 0>} : vector<16xi32>
        %add3A_1523 = arith.addi %add3A_1521, %iota3A_1522 : vector<16xi32>
        %swap3A_1524 = arith.index_cast %min3A_1505 : i32 to index
        %swap3A_1525 = tpu.vector_load %arg15[%swap3A_1524] masked %ge3A_1515 {strides = array<i32>} : memref<272xf32, #tpu.memory_space<vmem>>, vector<16xf32>, vector<16xi1>
        tpu.vector_store %arg15[%swap3A_1524], %gather3A_1514 masked %ge3A_1515 {strides = array<i32>} : memref<272xf32, #tpu.memory_space<vmem>>, vector<16xf32>, vector<16xi1>
        %swap3A_1526 = arith.index_cast %min3A_1505 : i32 to index
        %swap3A_1527 = tpu.vector_load %arg16[%swap3A_1526] masked %ge3A_1515 {strides = array<i32>} : memref<272xi32, #tpu.memory_space<vmem>>, vector<16xi32>, vector<16xi1>
        tpu.vector_store %arg16[%swap3A_1526], %add3A_1523 masked %ge3A_1515 {strides = array<i32>} : memref<272xi32, #tpu.memory_space<vmem>>, vector<16xi32>, vector<16xi1>
        %all_reduce_population_count3A_1528 = tpu.all_reduce %ge3A_1515 {dim = 0 : i64, kind = #tpu.reduction_kind<sum>} : vector<16xi1> -> vector<16xi32>
        %reduce_max3A_1529 = arith.constant true
        %reduce_max3A_1530 = vector.broadcast %reduce_max3A_1529 : i1 to vector<16xi1>
        %reduce_max3A_1531 = arith.constant -2147483648 : i32
        %reduce_max3A_1532 = vector.broadcast %reduce_max3A_1531 : i32 to vector<16xi32>
        %reduce_max3A_1533 = arith.xori %all_reduce_population_count3A_1528, %reduce_max3A_1532 : vector<16xi32>
        %reduce_max3A_1534 = tpu.scan <max>, %reduce_max3A_1533 masked %reduce_max3A_1530 : vector<16xi32>, vector<16xi1> -> vector<16xi32>
        %reduce_max3A_1535 = arith.xori %reduce_max3A_1534, %reduce_max3A_1532 : vector<16xi32>
        %reduce_max3A_1536 = vector.extract %reduce_max3A_1535[15] : i32 from vector<16xi32>
        %add3A_1537 = arith.addi %min3A_1505, %reduce_max3A_1536 : i32
        %min3A_1538 = arith.constant 256 : i32
        %min3A_1539 = arith.minsi %add3A_1537, %min3A_1538 : i32
        %broadcast_in_dim3A_1540 = arith.constant 0 : i32
        %broadcast_in_dim3A_1541 = vector.broadcast %broadcast_in_dim3A_1540 : i32 to vector<16xi32>
        %add3A_1542 = vector.broadcast %while3A_1295 : i32 to vector<16xi32>
        %add3A_1543 = arith.addi %broadcast_in_dim3A_1541, %add3A_1542 : vector<16xi32>
        %iota3A_1544 = tpu.iota {dimensions = array<i32: 0>} : vector<16xi32>
        %add3A_1545 = arith.constant 112 : i32
        %add3A_1546 = vector.broadcast %add3A_1545 : i32 to vector<16xi32>
        %add3A_1547 = arith.addi %iota3A_1544, %add3A_1546 : vector<16xi32>
        %gather3A_1548 = tpu.vector_load_idx %arg13[%add3A_1543, %add3A_1547] : memref<128x128xf32, #tpu.memory_space<vmem>>[vector<16xi32>, vector<16xi32>], vector<16xf32>,
        %ge3A_1549 = arith.cmpf oge, %gather3A_1548, %bitcast3A_1147 : vector<16xf32>
        %mul3A_1550 = arith.constant 128 : i32
        %mul3A_1551 = vector.broadcast %mul3A_1550 : i32 to vector<16xi32>
        %mul3A_1552 = arith.muli %gather3A_1301, %mul3A_1551 : vector<16xi32>
        %add3A_1553 = arith.constant 112 : i32
        %add3A_1554 = vector.broadcast %add3A_1553 : i32 to vector<16xi32>
        %add3A_1555 = arith.addi %mul3A_1552, %add3A_1554 : vector<16xi32>
        %iota3A_1556 = tpu.iota {dimensions = array<i32: 0>} : vector<16xi32>
        %add3A_1557 = arith.addi %add3A_1555, %iota3A_1556 : vector<16xi32>
        %swap3A_1558 = arith.index_cast %min3A_1539 : i32 to index
        %swap3A_1559 = tpu.vector_load %arg15[%swap3A_1558] masked %ge3A_1549 {strides = array<i32>} : memref<272xf32, #tpu.memory_space<vmem>>, vector<16xf32>, vector<16xi1>
        tpu.vector_store %arg15[%swap3A_1558], %gather3A_1548 masked %ge3A_1549 {strides = array<i32>} : memref<272xf32, #tpu.memory_space<vmem>>, vector<16xf32>, vector<16xi1>
        %swap3A_1560 = arith.index_cast %min3A_1539 : i32 to index
        %swap3A_1561 = tpu.vector_load %arg16[%swap3A_1560] masked %ge3A_1549 {strides = array<i32>} : memref<272xi32, #tpu.memory_space<vmem>>, vector<16xi32>, vector<16xi1>
        tpu.vector_store %arg16[%swap3A_1560], %add3A_1557 masked %ge3A_1549 {strides = array<i32>} : memref<272xi32, #tpu.memory_space<vmem>>, vector<16xi32>, vector<16xi1>
        %all_reduce_population_count3A_1562 = tpu.all_reduce %ge3A_1549 {dim = 0 : i64, kind = #tpu.reduction_kind<sum>} : vector<16xi1> -> vector<16xi32>
        %reduce_max3A_1563 = arith.constant true
        %reduce_max3A_1564 = vector.broadcast %reduce_max3A_1563 : i1 to vector<16xi1>
        %reduce_max3A_1565 = arith.constant -2147483648 : i32
        %reduce_max3A_1566 = vector.broadcast %reduce_max3A_1565 : i32 to vector<16xi32>
        %reduce_max3A_1567 = arith.xori %all_reduce_population_count3A_1562, %reduce_max3A_1566 : vector<16xi32>
        %reduce_max3A_1568 = tpu.scan <max>, %reduce_max3A_1567 masked %reduce_max3A_1564 : vector<16xi32>, vector<16xi1> -> vector<16xi32>
        %reduce_max3A_1569 = arith.xori %reduce_max3A_1568, %reduce_max3A_1566 : vector<16xi32>
        %reduce_max3A_1570 = vector.extract %reduce_max3A_1569[15] : i32 from vector<16xi32>
        %add3A_1571 = arith.addi %min3A_1539, %reduce_max3A_1570 : i32
        %min3A_1572 = arith.constant 256 : i32
        %min3A_1573 = arith.minsi %add3A_1571, %min3A_1572 : i32
        scf.yield %min3A_1573 : i32
      }
      "tpu.region"() ({
        %run_scoped3A = tpu.sem_alloc : memref<!tpu.dma_semaphore, #tpu.memory_space<semaphore_mem>>
        %dma_start3A_1295 = arith.constant 0 : i32
        %dma_start3A_1296 = tpu.memref_slice %arg15[%dma_start3A_1295] : memref<272xf32, #tpu.memory_space<vmem>> -> memref<256xf32, #tpu.memory_space<vmem>>
        %dma_start3A_1297 = arith.constant 0 : i32
        %dma_start3A_1298 = tpu.memref_slice %arg5[%add3A_1141, %dma_start3A_1297] : memref<4096x256xf32, #tpu.memory_space<hbm>> -> memref<1x256xf32, #tpu.memory_space<hbm>>
        %dma_start3A_1299 = tpu.memref_squeeze %dma_start3A_1298 : memref<1x256xf32, #tpu.memory_space<hbm>> -> memref<256xf32, #tpu.memory_space<hbm>>
        %dma_start3A_1300 = arith.constant 0 : i32
        %dma_start3A_1301 = tpu.memref_slice %arg5[%add3A_1141, %dma_start3A_1300] : memref<4096x256xf32, #tpu.memory_space<hbm>> -> memref<1x256xf32, #tpu.memory_space<hbm>>
        %dma_start3A_1302 = tpu.memref_squeeze %dma_start3A_1301 : memref<1x256xf32, #tpu.memory_space<hbm>> -> memref<256xf32, #tpu.memory_space<hbm>>
        %dma_start3A_1303 = arith.constant 0 : i32
        %dma_start3A_1304 = tpu.memref_slice %arg15[%dma_start3A_1303] : memref<272xf32, #tpu.memory_space<vmem>> -> memref<256xf32, #tpu.memory_space<vmem>>
        tpu.enqueue_dma source(%dma_start3A_1304 : memref<256xf32, #tpu.memory_space<vmem>>) target(%dma_start3A_1302 : memref<256xf32, #tpu.memory_space<hbm>>) target_semaphore(%run_scoped3A : memref<!tpu.dma_semaphore, #tpu.memory_space<semaphore_mem>>)
        %dma_wait3A_1305 = arith.constant 0 : i32
        %dma_wait3A_1306 = tpu.memref_slice %arg15[%dma_wait3A_1305] : memref<272xf32, #tpu.memory_space<vmem>> -> memref<256xf32, #tpu.memory_space<vmem>>
        %dma_wait3A_1307 = arith.constant 0 : i32
        %dma_wait3A_1308 = tpu.memref_slice %arg5[%add3A_1141, %dma_wait3A_1307] : memref<4096x256xf32, #tpu.memory_space<hbm>> -> memref<1x256xf32, #tpu.memory_space<hbm>>
        %dma_wait3A_1309 = tpu.memref_squeeze %dma_wait3A_1308 : memref<1x256xf32, #tpu.memory_space<hbm>> -> memref<256xf32, #tpu.memory_space<hbm>>
        %dma_wait3A_1310 = arith.constant 0 : i32
        %dma_wait3A_1311 = tpu.memref_slice %arg5[%add3A_1141, %dma_wait3A_1310] : memref<4096x256xf32, #tpu.memory_space<hbm>> -> memref<1x256xf32, #tpu.memory_space<hbm>>
        %dma_wait3A_1312 = tpu.memref_squeeze %dma_wait3A_1311 : memref<1x256xf32, #tpu.memory_space<hbm>> -> memref<256xf32, #tpu.memory_space<hbm>>
        %dma_wait3A_1313 = arith.constant 0 : i32
        %dma_wait3A_1314 = tpu.memref_slice %arg15[%dma_wait3A_1313] : memref<272xf32, #tpu.memory_space<vmem>> -> memref<256xf32, #tpu.memory_space<vmem>>
        tpu.wait_dma2 semaphore(%run_scoped3A : memref<!tpu.dma_semaphore, #tpu.memory_space<semaphore_mem>>) src(%dma_wait3A_1314 : memref<256xf32, #tpu.memory_space<vmem>>) dst(%dma_wait3A_1312 : memref<256xf32, #tpu.memory_space<hbm>>)
        tpu.yield
      }) : () -> ()
      "tpu.region"() ({
        %run_scoped3A = tpu.sem_alloc : memref<!tpu.dma_semaphore, #tpu.memory_space<semaphore_mem>>
        %dma_start3A_1295 = arith.constant 0 : i32
        %dma_start3A_1296 = tpu.memref_slice %arg16[%dma_start3A_1295] : memref<272xi32, #tpu.memory_space<vmem>> -> memref<256xi32, #tpu.memory_space<vmem>>
        %dma_start3A_1297 = arith.constant 0 : i32
        %dma_start3A_1298 = tpu.memref_slice %arg6[%add3A_1141, %dma_start3A_1297] : memref<4096x256xi32, #tpu.memory_space<hbm>> -> memref<1x256xi32, #tpu.memory_space<hbm>>
        %dma_start3A_1299 = tpu.memref_squeeze %dma_start3A_1298 : memref<1x256xi32, #tpu.memory_space<hbm>> -> memref<256xi32, #tpu.memory_space<hbm>>
        %dma_start3A_1300 = arith.constant 0 : i32
        %dma_start3A_1301 = tpu.memref_slice %arg6[%add3A_1141, %dma_start3A_1300] : memref<4096x256xi32, #tpu.memory_space<hbm>> -> memref<1x256xi32, #tpu.memory_space<hbm>>
        %dma_start3A_1302 = tpu.memref_squeeze %dma_start3A_1301 : memref<1x256xi32, #tpu.memory_space<hbm>> -> memref<256xi32, #tpu.memory_space<hbm>>
        %dma_start3A_1303 = arith.constant 0 : i32
        %dma_start3A_1304 = tpu.memref_slice %arg16[%dma_start3A_1303] : memref<272xi32, #tpu.memory_space<vmem>> -> memref<256xi32, #tpu.memory_space<vmem>>
        tpu.enqueue_dma source(%dma_start3A_1304 : memref<256xi32, #tpu.memory_space<vmem>>) target(%dma_start3A_1302 : memref<256xi32, #tpu.memory_space<hbm>>) target_semaphore(%run_scoped3A : memref<!tpu.dma_semaphore, #tpu.memory_space<semaphore_mem>>)
        %dma_wait3A_1305 = arith.constant 0 : i32
        %dma_wait3A_1306 = tpu.memref_slice %arg16[%dma_wait3A_1305] : memref<272xi32, #tpu.memory_space<vmem>> -> memref<256xi32, #tpu.memory_space<vmem>>
        %dma_wait3A_1307 = arith.constant 0 : i32
        %dma_wait3A_1308 = tpu.memref_slice %arg6[%add3A_1141, %dma_wait3A_1307] : memref<4096x256xi32, #tpu.memory_space<hbm>> -> memref<1x256xi32, #tpu.memory_space<hbm>>
        %dma_wait3A_1309 = tpu.memref_squeeze %dma_wait3A_1308 : memref<1x256xi32, #tpu.memory_space<hbm>> -> memref<256xi32, #tpu.memory_space<hbm>>
        %dma_wait3A_1310 = arith.constant 0 : i32
        %dma_wait3A_1311 = tpu.memref_slice %arg6[%add3A_1141, %dma_wait3A_1310] : memref<4096x256xi32, #tpu.memory_space<hbm>> -> memref<1x256xi32, #tpu.memory_space<hbm>>
        %dma_wait3A_1312 = tpu.memref_squeeze %dma_wait3A_1311 : memref<1x256xi32, #tpu.memory_space<hbm>> -> memref<256xi32, #tpu.memory_space<hbm>>
        %dma_wait3A_1313 = arith.constant 0 : i32
        %dma_wait3A_1314 = tpu.memref_slice %arg16[%dma_wait3A_1313] : memref<272xi32, #tpu.memory_space<vmem>> -> memref<256xi32, #tpu.memory_space<vmem>>
        tpu.wait_dma2 semaphore(%run_scoped3A : memref<!tpu.dma_semaphore, #tpu.memory_space<semaphore_mem>>) src(%dma_wait3A_1314 : memref<256xi32, #tpu.memory_space<vmem>>) dst(%dma_wait3A_1312 : memref<256xi32, #tpu.memory_space<hbm>>)
        tpu.yield
      }) : () -> ()
    }
    %scan3A_7 = arith.constant 128 : i32
    return
  }
}

module attributes {stable_mosaic.version = 14 : i64} {
  func.func @_thr_body(%arg0: i32, %arg1: memref<256x784xf32, #tpu.memory_space<vmem>>, %arg2: memref<256x1xf32, #tpu.memory_space<vmem>>) attributes {dimension_semantics = [#tpu.dimension_semantics<arbitrary>], iteration_bounds = array<i64: 16>, scalar_prefetch = 0 : i64, scratch_operands = 0 : i64, tpu.core_type = #tpu.core_type<tc>, window_params = [{transform_indices = @transform_0, window_bounds = array<i64: 256, 784>}, {transform_indices = @transform_1, window_bounds = array<i64: 256, 1>}]} {
    %get3A = arith.constant 0 : index
    %get3A_0 = arith.constant 0 : index
    %get3A_1 = vector.load %arg1[%get3A, %get3A_0] : memref<256x784xf32, #tpu.memory_space<vmem>>, vector<256x784xf32>
    %bitcast_convert_type3A = tpu.bitcast %get3A_1 : vector<256x784xf32> -> vector<256x784xi32>
    %shift_right_arithmetic3A = arith.constant 31 : i32
    %shift_right_arithmetic3A_2 = vector.broadcast %shift_right_arithmetic3A : i32 to vector<256x784xi32>
    %shift_right_arithmetic3A_3 = arith.shrsi %bitcast_convert_type3A, %shift_right_arithmetic3A_2 : vector<256x784xi32>
    %and3A = arith.constant 2147483647 : i32
    %and3A_4 = vector.broadcast %and3A : i32 to vector<256x784xi32>
    %and3A_5 = arith.andi %shift_right_arithmetic3A_3, %and3A_4 : vector<256x784xi32>
    %xor3A = arith.xori %bitcast_convert_type3A, %and3A_5 : vector<256x784xi32>
    %broadcast_in_dim3A = arith.constant 0 : i32
    %broadcast_in_dim3A_6 = vector.broadcast %broadcast_in_dim3A : i32 to vector<256x1xi32>
    %ge3A = vector.broadcast %broadcast_in_dim3A_6 : vector<256x1xi32> to vector<256x784xi32>
    %ge3A_7 = arith.cmpi sge, %xor3A, %ge3A : vector<256x784xi32>
    %convert_element_type3A = arith.extui %ge3A_7 : vector<256x784xi1> to vector<256x784xi32>
    %reduce_sum3A = arith.constant dense<0> : vector<256xi32>
    %reduce_sum3A_8 = vector.multi_reduction <add>, %convert_element_type3A, %reduce_sum3A [1] : vector<256x784xi32> to vector<256xi32>
    %broadcast_in_dim3A_9 = vector.shape_cast %reduce_sum3A_8 : vector<256xi32> to vector<256x1xi32>
    %ge3A_10 = arith.constant 100 : i32
    %ge3A_11 = vector.broadcast %ge3A_10 : i32 to vector<256x1xi32>
    %ge3A_12 = arith.cmpi sge, %broadcast_in_dim3A_9, %ge3A_11 : vector<256x1xi32>
    %jit3A = arith.constant 0 : i32
    %jit3A_13 = arith.constant -2147483648 : i32
    %broadcast_in_dim3A_14 = vector.broadcast %jit3A : i32 to vector<256x1xi32>
    %broadcast_in_dim3A_15 = vector.broadcast %jit3A_13 : i32 to vector<256x1xi32>
    %select_n3A = arith.select %ge3A_12, %broadcast_in_dim3A_14, %broadcast_in_dim3A_15 : vector<256x1xi1>, vector<256x1xi32>
    %scan3A = arith.constant 0 : i32
    %scan3A_16 = arith.constant 31 : i32
    %scan3A_17 = arith.addi %scan3A, %scan3A_16 : i32
    %scan3A_18 = arith.constant 1 : i32
    %scan3A_19 = scf.for %scan3A_31 = %scan3A to %scan3A_17 step %scan3A_18 iter_args(%scan3A_32 = %select_n3A) -> (vector<256x1xi32>)  : i32 {
      %sub3A = arith.constant 30 : i32
      %sub3A_33 = arith.subi %sub3A, %scan3A_31 : i32
      %shift_left3A = arith.constant 1 : i32
      %shift_left3A_34 = arith.shli %shift_left3A, %sub3A_33 : i32
      %add3A = vector.broadcast %shift_left3A_34 : i32 to vector<256x1xi32>
      %add3A_35 = arith.addi %scan3A_32, %add3A : vector<256x1xi32>
      %ge3A_36 = vector.broadcast %add3A_35 : vector<256x1xi32> to vector<256x784xi32>
      %ge3A_37 = arith.cmpi sge, %xor3A, %ge3A_36 : vector<256x784xi32>
      %convert_element_type3A_38 = arith.extui %ge3A_37 : vector<256x784xi1> to vector<256x784xi32>
      %reduce_sum3A_39 = arith.constant dense<0> : vector<256xi32>
      %reduce_sum3A_40 = vector.multi_reduction <add>, %convert_element_type3A_38, %reduce_sum3A_39 [1] : vector<256x784xi32> to vector<256xi32>
      %broadcast_in_dim3A_41 = vector.shape_cast %reduce_sum3A_40 : vector<256xi32> to vector<256x1xi32>
      %ge3A_42 = arith.constant 100 : i32
      %ge3A_43 = vector.broadcast %ge3A_42 : i32 to vector<256x1xi32>
      %ge3A_44 = arith.cmpi sge, %broadcast_in_dim3A_41, %ge3A_43 : vector<256x1xi32>
      %select_n3A_45 = arith.select %ge3A_44, %add3A_35, %scan3A_32 : vector<256x1xi1>, vector<256x1xi32>
      scf.yield %select_n3A_45 : vector<256x1xi32>
    }
    %scan3A_20 = arith.constant 31 : i32
    %shift_right_arithmetic3A_21 = arith.constant 31 : i32
    %shift_right_arithmetic3A_22 = vector.broadcast %shift_right_arithmetic3A_21 : i32 to vector<256x1xi32>
    %shift_right_arithmetic3A_23 = arith.shrsi %scan3A_19, %shift_right_arithmetic3A_22 : vector<256x1xi32>
    %and3A_24 = arith.constant 2147483647 : i32
    %and3A_25 = vector.broadcast %and3A_24 : i32 to vector<256x1xi32>
    %and3A_26 = arith.andi %shift_right_arithmetic3A_23, %and3A_25 : vector<256x1xi32>
    %xor3A_27 = arith.xori %scan3A_19, %and3A_26 : vector<256x1xi32>
    %bitcast_convert_type3A_28 = tpu.bitcast %xor3A_27 : vector<256x1xi32> -> vector<256x1xf32>
    %swap3A = arith.constant 0 : index
    %swap3A_29 = arith.constant 0 : index
    %swap3A_30 = vector.load %arg2[%swap3A, %swap3A_29] : memref<256x1xf32, #tpu.memory_space<vmem>>, vector<256x1xf32>
    tpu.vector_store %arg2[%swap3A, %swap3A_29], %bitcast_convert_type3A_28 {strides = array<i32>} : memref<256x1xf32, #tpu.memory_space<vmem>>, vector<256x1xf32>,
    return
  }
  func.func @transform_0(%arg0: i32) -> (i32, i32) {
    %c0_i32 = arith.constant 0 : i32
    %c0_i32_0 = arith.constant 0 : i32
    return %arg0, %c0_i32 : i32, i32
  }
  func.func @transform_1(%arg0: i32) -> (i32, i32) {
    %c0_i32 = arith.constant 0 : i32
    %c0_i32_0 = arith.constant 0 : i32
    return %arg0, %c0_i32 : i32, i32
  }
}

module attributes {stable_mosaic.version = 14 : i64} {
  func.func @_matmul_body(%arg0: i32, %arg1: i32, %arg2: memref<256x128xf32, #tpu.memory_space<vmem>>, %arg3: memref<2048x128xf32, #tpu.memory_space<vmem>>, %arg4: memref<256x16x128xf32, #tpu.memory_space<vmem>>, %arg5: memref<256x784xf32, #tpu.memory_space<vmem>>) attributes {dimension_semantics = [#tpu.dimension_semantics<arbitrary>, #tpu.dimension_semantics<arbitrary>], iteration_bounds = array<i64: 16, 49>, scalar_prefetch = 0 : i64, scratch_operands = 0 : i64, tpu.core_type = #tpu.core_type<tc>, window_params = [{transform_indices = @transform_0, window_bounds = array<i64: 256, 128>}, {transform_indices = @transform_1, window_bounds = array<i64: 2048, 128>}, {transform_indices = @transform_2, window_bounds = array<i64: 256, 16, 128>}, {transform_indices = @transform_3, window_bounds = array<i64: 256, 784>}]} {
    %get3A = arith.constant 0 : index
    %get3A_0 = arith.constant 0 : index
    %get3A_1 = vector.load %arg2[%get3A, %get3A_0] : memref<256x128xf32, #tpu.memory_space<vmem>>, vector<256x128xf32>
    %get3A_2 = arith.constant 0 : index
    %get3A_3 = arith.constant 0 : index
    %get3A_4 = vector.load %arg3[%get3A_2, %get3A_3] : memref<2048x128xf32, #tpu.memory_space<vmem>>, vector<2048x128xf32>
    %dot_general3A = arith.constant dense<0.000000e+00> : vector<256x2048xf32>
    %dot_general3A_5 = tpu.matmul %get3A_1, %get3A_4, %dot_general3A {dimension_numbers = #tpu.dot_dimension_numbers<[1], [1], [0], [0], [0, 0, 1, 0], [], []>, transpose_lhs_hint = false} : vector<256x128xf32>, vector<2048x128xf32>, vector<256x2048xf32> -> vector<256x2048xf32>
    %mul3A = arith.constant 2048 : i32
    %mul3A_6 = arith.muli %arg1, %mul3A : i32
    %iota3A = tpu.iota {dimensions = array<i32: 1>} : vector<256x2048xi32>
    %add3A = vector.broadcast %mul3A_6 : i32 to vector<256x2048xi32>
    %add3A_7 = arith.addi %add3A, %iota3A : vector<256x2048xi32>
    %lt3A = arith.constant 100000 : i32
    %lt3A_8 = vector.broadcast %lt3A : i32 to vector<256x2048xi32>
    %lt3A_9 = arith.cmpi slt, %add3A_7, %lt3A_8 : vector<256x2048xi32>
    %jit3A = arith.constant 0xFF800000 : f32
    %broadcast_in_dim3A = vector.broadcast %jit3A : f32 to vector<256x2048xf32>
    %select_n3A = arith.select %lt3A_9, %dot_general3A_5, %broadcast_in_dim3A : vector<256x2048xi1>, vector<256x2048xf32>
    %reshape3A = vector.shape_cast %select_n3A : vector<256x2048xf32> to vector<256x16x128xf32>
    %swap3A = arith.constant 0 : index
    %swap3A_10 = arith.constant 0 : index
    %swap3A_11 = arith.constant 0 : index
    %swap3A_12 = vector.load %arg4[%swap3A, %swap3A_10, %swap3A_11] : memref<256x16x128xf32, #tpu.memory_space<vmem>>, vector<256x16x128xf32>
    tpu.vector_store %arg4[%swap3A, %swap3A_10, %swap3A_11], %reshape3A {strides = array<i32>} : memref<256x16x128xf32, #tpu.memory_space<vmem>>, vector<256x16x128xf32>,
    %slice3A = vector.extract_strided_slice %select_n3A {offsets = [0, 0], sizes = [256, 128], strides = [1, 1]} : vector<256x2048xf32> to vector<256x128xf32>
    %reduce_max3A = arith.constant dense<0xFF800000> : vector<256xf32>
    %reduce_max3A_13 = vector.multi_reduction <maximumf>, %slice3A, %reduce_max3A [1] : vector<256x128xf32> to vector<256xf32>
    %broadcast_in_dim3A_14 = vector.shape_cast %reduce_max3A_13 : vector<256xf32> to vector<256x1xf32>
    %slice3A_15 = vector.extract_strided_slice %select_n3A {offsets = [0, 128], sizes = [256, 128], strides = [1, 1]} : vector<256x2048xf32> to vector<256x128xf32>
    %reduce_max3A_16 = arith.constant dense<0xFF800000> : vector<256xf32>
    %reduce_max3A_17 = vector.multi_reduction <maximumf>, %slice3A_15, %reduce_max3A_16 [1] : vector<256x128xf32> to vector<256xf32>
    %broadcast_in_dim3A_18 = vector.shape_cast %reduce_max3A_17 : vector<256xf32> to vector<256x1xf32>
    %slice3A_19 = vector.extract_strided_slice %select_n3A {offsets = [0, 256], sizes = [256, 128], strides = [1, 1]} : vector<256x2048xf32> to vector<256x128xf32>
    %reduce_max3A_20 = arith.constant dense<0xFF800000> : vector<256xf32>
    %reduce_max3A_21 = vector.multi_reduction <maximumf>, %slice3A_19, %reduce_max3A_20 [1] : vector<256x128xf32> to vector<256xf32>
    %broadcast_in_dim3A_22 = vector.shape_cast %reduce_max3A_21 : vector<256xf32> to vector<256x1xf32>
    %slice3A_23 = vector.extract_strided_slice %select_n3A {offsets = [0, 384], sizes = [256, 128], strides = [1, 1]} : vector<256x2048xf32> to vector<256x128xf32>
    %reduce_max3A_24 = arith.constant dense<0xFF800000> : vector<256xf32>
    %reduce_max3A_25 = vector.multi_reduction <maximumf>, %slice3A_23, %reduce_max3A_24 [1] : vector<256x128xf32> to vector<256xf32>
    %broadcast_in_dim3A_26 = vector.shape_cast %reduce_max3A_25 : vector<256xf32> to vector<256x1xf32>
    %slice3A_27 = vector.extract_strided_slice %select_n3A {offsets = [0, 512], sizes = [256, 128], strides = [1, 1]} : vector<256x2048xf32> to vector<256x128xf32>
    %reduce_max3A_28 = arith.constant dense<0xFF800000> : vector<256xf32>
    %reduce_max3A_29 = vector.multi_reduction <maximumf>, %slice3A_27, %reduce_max3A_28 [1] : vector<256x128xf32> to vector<256xf32>
    %broadcast_in_dim3A_30 = vector.shape_cast %reduce_max3A_29 : vector<256xf32> to vector<256x1xf32>
    %slice3A_31 = vector.extract_strided_slice %select_n3A {offsets = [0, 640], sizes = [256, 128], strides = [1, 1]} : vector<256x2048xf32> to vector<256x128xf32>
    %reduce_max3A_32 = arith.constant dense<0xFF800000> : vector<256xf32>
    %reduce_max3A_33 = vector.multi_reduction <maximumf>, %slice3A_31, %reduce_max3A_32 [1] : vector<256x128xf32> to vector<256xf32>
    %broadcast_in_dim3A_34 = vector.shape_cast %reduce_max3A_33 : vector<256xf32> to vector<256x1xf32>
    %slice3A_35 = vector.extract_strided_slice %select_n3A {offsets = [0, 768], sizes = [256, 128], strides = [1, 1]} : vector<256x2048xf32> to vector<256x128xf32>
    %reduce_max3A_36 = arith.constant dense<0xFF800000> : vector<256xf32>
    %reduce_max3A_37 = vector.multi_reduction <maximumf>, %slice3A_35, %reduce_max3A_36 [1] : vector<256x128xf32> to vector<256xf32>
    %broadcast_in_dim3A_38 = vector.shape_cast %reduce_max3A_37 : vector<256xf32> to vector<256x1xf32>
    %slice3A_39 = vector.extract_strided_slice %select_n3A {offsets = [0, 896], sizes = [256, 128], strides = [1, 1]} : vector<256x2048xf32> to vector<256x128xf32>
    %reduce_max3A_40 = arith.constant dense<0xFF800000> : vector<256xf32>
    %reduce_max3A_41 = vector.multi_reduction <maximumf>, %slice3A_39, %reduce_max3A_40 [1] : vector<256x128xf32> to vector<256xf32>
    %broadcast_in_dim3A_42 = vector.shape_cast %reduce_max3A_41 : vector<256xf32> to vector<256x1xf32>
    %slice3A_43 = vector.extract_strided_slice %select_n3A {offsets = [0, 1024], sizes = [256, 128], strides = [1, 1]} : vector<256x2048xf32> to vector<256x128xf32>
    %reduce_max3A_44 = arith.constant dense<0xFF800000> : vector<256xf32>
    %reduce_max3A_45 = vector.multi_reduction <maximumf>, %slice3A_43, %reduce_max3A_44 [1] : vector<256x128xf32> to vector<256xf32>
    %broadcast_in_dim3A_46 = vector.shape_cast %reduce_max3A_45 : vector<256xf32> to vector<256x1xf32>
    %slice3A_47 = vector.extract_strided_slice %select_n3A {offsets = [0, 1152], sizes = [256, 128], strides = [1, 1]} : vector<256x2048xf32> to vector<256x128xf32>
    %reduce_max3A_48 = arith.constant dense<0xFF800000> : vector<256xf32>
    %reduce_max3A_49 = vector.multi_reduction <maximumf>, %slice3A_47, %reduce_max3A_48 [1] : vector<256x128xf32> to vector<256xf32>
    %broadcast_in_dim3A_50 = vector.shape_cast %reduce_max3A_49 : vector<256xf32> to vector<256x1xf32>
    %slice3A_51 = vector.extract_strided_slice %select_n3A {offsets = [0, 1280], sizes = [256, 128], strides = [1, 1]} : vector<256x2048xf32> to vector<256x128xf32>
    %reduce_max3A_52 = arith.constant dense<0xFF800000> : vector<256xf32>
    %reduce_max3A_53 = vector.multi_reduction <maximumf>, %slice3A_51, %reduce_max3A_52 [1] : vector<256x128xf32> to vector<256xf32>
    %broadcast_in_dim3A_54 = vector.shape_cast %reduce_max3A_53 : vector<256xf32> to vector<256x1xf32>
    %slice3A_55 = vector.extract_strided_slice %select_n3A {offsets = [0, 1408], sizes = [256, 128], strides = [1, 1]} : vector<256x2048xf32> to vector<256x128xf32>
    %reduce_max3A_56 = arith.constant dense<0xFF800000> : vector<256xf32>
    %reduce_max3A_57 = vector.multi_reduction <maximumf>, %slice3A_55, %reduce_max3A_56 [1] : vector<256x128xf32> to vector<256xf32>
    %broadcast_in_dim3A_58 = vector.shape_cast %reduce_max3A_57 : vector<256xf32> to vector<256x1xf32>
    %slice3A_59 = vector.extract_strided_slice %select_n3A {offsets = [0, 1536], sizes = [256, 128], strides = [1, 1]} : vector<256x2048xf32> to vector<256x128xf32>
    %reduce_max3A_60 = arith.constant dense<0xFF800000> : vector<256xf32>
    %reduce_max3A_61 = vector.multi_reduction <maximumf>, %slice3A_59, %reduce_max3A_60 [1] : vector<256x128xf32> to vector<256xf32>
    %broadcast_in_dim3A_62 = vector.shape_cast %reduce_max3A_61 : vector<256xf32> to vector<256x1xf32>
    %slice3A_63 = vector.extract_strided_slice %select_n3A {offsets = [0, 1664], sizes = [256, 128], strides = [1, 1]} : vector<256x2048xf32> to vector<256x128xf32>
    %reduce_max3A_64 = arith.constant dense<0xFF800000> : vector<256xf32>
    %reduce_max3A_65 = vector.multi_reduction <maximumf>, %slice3A_63, %reduce_max3A_64 [1] : vector<256x128xf32> to vector<256xf32>
    %broadcast_in_dim3A_66 = vector.shape_cast %reduce_max3A_65 : vector<256xf32> to vector<256x1xf32>
    %slice3A_67 = vector.extract_strided_slice %select_n3A {offsets = [0, 1792], sizes = [256, 128], strides = [1, 1]} : vector<256x2048xf32> to vector<256x128xf32>
    %reduce_max3A_68 = arith.constant dense<0xFF800000> : vector<256xf32>
    %reduce_max3A_69 = vector.multi_reduction <maximumf>, %slice3A_67, %reduce_max3A_68 [1] : vector<256x128xf32> to vector<256xf32>
    %broadcast_in_dim3A_70 = vector.shape_cast %reduce_max3A_69 : vector<256xf32> to vector<256x1xf32>
    %slice3A_71 = vector.extract_strided_slice %select_n3A {offsets = [0, 1920], sizes = [256, 128], strides = [1, 1]} : vector<256x2048xf32> to vector<256x128xf32>
    %reduce_max3A_72 = arith.constant dense<0xFF800000> : vector<256xf32>
    %reduce_max3A_73 = vector.multi_reduction <maximumf>, %slice3A_71, %reduce_max3A_72 [1] : vector<256x128xf32> to vector<256xf32>
    %broadcast_in_dim3A_74 = vector.shape_cast %reduce_max3A_73 : vector<256xf32> to vector<256x1xf32>
    %concatenate3A = tpu.concatenate %broadcast_in_dim3A_14, %broadcast_in_dim3A_18, %broadcast_in_dim3A_22, %broadcast_in_dim3A_26, %broadcast_in_dim3A_30, %broadcast_in_dim3A_34, %broadcast_in_dim3A_38, %broadcast_in_dim3A_42, %broadcast_in_dim3A_46, %broadcast_in_dim3A_50, %broadcast_in_dim3A_54, %broadcast_in_dim3A_58, %broadcast_in_dim3A_62, %broadcast_in_dim3A_66, %broadcast_in_dim3A_70, %broadcast_in_dim3A_74 in 1 : vector<256x1xf32>, vector<256x1xf32>, vector<256x1xf32>, vector<256x1xf32>, vector<256x1xf32>, vector<256x1xf32>, vector<256x1xf32>, vector<256x1xf32>, vector<256x1xf32>, vector<256x1xf32>, vector<256x1xf32>, vector<256x1xf32>, vector<256x1xf32>, vector<256x1xf32>, vector<256x1xf32>, vector<256x1xf32> -> vector<256x16xf32>
    %iota3A_75 = tpu.iota {dimensions = array<i32: 1>} : vector<256x784xi32>
    %jit3A_76 = arith.constant 16 : i32
    %div3A = vector.broadcast %jit3A_76 : i32 to vector<256x784xi32>
    %div3A_77 = arith.divsi %iota3A_75, %div3A : vector<256x784xi32>
    %sign3A = arith.constant 0 : i32
    %sign3A_78 = vector.broadcast %sign3A : i32 to vector<256x784xi32>
    %sign3A_79 = arith.cmpi sgt, %iota3A_75, %sign3A_78 : vector<256x784xi32>
    %sign3A_80 = arith.extui %sign3A_79 : vector<256x784xi1> to vector<256x784xi32>
    %sign3A_81 = arith.constant 0 : i32
    %sign3A_82 = vector.broadcast %sign3A_81 : i32 to vector<256x784xi32>
    %sign3A_83 = arith.cmpi slt, %iota3A_75, %sign3A_82 : vector<256x784xi32>
    %sign3A_84 = arith.extui %sign3A_83 : vector<256x784xi1> to vector<256x784xi32>
    %sign3A_85 = arith.subi %sign3A_80, %sign3A_84 : vector<256x784xi32>
    %sign3A_86 = arith.constant 0 : i32
    %sign3A_87 = arith.cmpi sgt, %jit3A_76, %sign3A_86 : i32
    %sign3A_88 = arith.extui %sign3A_87 : i1 to i32
    %sign3A_89 = arith.constant 0 : i32
    %sign3A_90 = arith.cmpi slt, %jit3A_76, %sign3A_89 : i32
    %sign3A_91 = arith.extui %sign3A_90 : i1 to i32
    %sign3A_92 = arith.subi %sign3A_88, %sign3A_91 : i32
    %ne3A = vector.broadcast %sign3A_92 : i32 to vector<256x784xi32>
    %ne3A_93 = arith.cmpi ne, %sign3A_85, %ne3A : vector<256x784xi32>
    %rem3A = vector.broadcast %jit3A_76 : i32 to vector<256x784xi32>
    %rem3A_94 = arith.remsi %iota3A_75, %rem3A : vector<256x784xi32>
    %ne3A_95 = arith.constant 0 : i32
    %ne3A_96 = vector.broadcast %ne3A_95 : i32 to vector<256x784xi32>
    %ne3A_97 = arith.cmpi ne, %rem3A_94, %ne3A_96 : vector<256x784xi32>
    %and3A = arith.andi %ne3A_93, %ne3A_97 : vector<256x784xi1>
    %sub3A = arith.constant 1 : i32
    %sub3A_98 = vector.broadcast %sub3A : i32 to vector<256x784xi32>
    %sub3A_99 = arith.subi %div3A_77, %sub3A_98 : vector<256x784xi32>
    %select_n3A_100 = arith.select %and3A, %sub3A_99, %div3A_77 : vector<256x784xi1>, vector<256x784xi32>
    %eq3A = arith.constant 0 : i32
    %eq3A_101 = arith.cmpi eq, %arg1, %eq3A : i32
    %broadcast_in_dim3A_102 = arith.constant 0xFF800000 : f32
    %broadcast_in_dim3A_103 = vector.broadcast %broadcast_in_dim3A_102 : f32 to vector<256x784xf32>
    %get3A_104 = arith.constant 0 : index
    %get3A_105 = arith.constant 0 : index
    %get3A_106 = vector.load %arg5[%get3A_104, %get3A_105] : memref<256x784xf32, #tpu.memory_space<vmem>>, vector<256x784xf32>
    %select_n3A_107 = arith.select %eq3A_101, %broadcast_in_dim3A_103, %get3A_106 : vector<256x784xf32>
    %eq3A_108 = vector.broadcast %arg1 : i32 to vector<256x784xi32>
    %eq3A_109 = arith.cmpi eq, %select_n3A_100, %eq3A_108 : vector<256x784xi32>
    %concatenate3A_110 = tpu.concatenate %concatenate3A, %concatenate3A, %concatenate3A, %concatenate3A, %concatenate3A, %concatenate3A, %concatenate3A, %concatenate3A, %concatenate3A, %concatenate3A, %concatenate3A, %concatenate3A, %concatenate3A, %concatenate3A, %concatenate3A, %concatenate3A, %concatenate3A, %concatenate3A, %concatenate3A, %concatenate3A, %concatenate3A, %concatenate3A, %concatenate3A, %concatenate3A, %concatenate3A, %concatenate3A, %concatenate3A, %concatenate3A, %concatenate3A, %concatenate3A, %concatenate3A, %concatenate3A, %concatenate3A, %concatenate3A, %concatenate3A, %concatenate3A, %concatenate3A, %concatenate3A, %concatenate3A, %concatenate3A, %concatenate3A, %concatenate3A, %concatenate3A, %concatenate3A, %concatenate3A, %concatenate3A, %concatenate3A, %concatenate3A, %concatenate3A in 1 : vector<256x16xf32>, vector<256x16xf32>, vector<256x16xf32>, vector<256x16xf32>, vector<256x16xf32>, vector<256x16xf32>, vector<256x16xf32>, vector<256x16xf32>, vector<256x16xf32>, vector<256x16xf32>, vector<256x16xf32>, vector<256x16xf32>, vector<256x16xf32>, vector<256x16xf32>, vector<256x16xf32>, vector<256x16xf32>, vector<256x16xf32>, vector<256x16xf32>, vector<256x16xf32>, vector<256x16xf32>, vector<256x16xf32>, vector<256x16xf32>, vector<256x16xf32>, vector<256x16xf32>, vector<256x16xf32>, vector<256x16xf32>, vector<256x16xf32>, vector<256x16xf32>, vector<256x16xf32>, vector<256x16xf32>, vector<256x16xf32>, vector<256x16xf32>, vector<256x16xf32>, vector<256x16xf32>, vector<256x16xf32>, vector<256x16xf32>, vector<256x16xf32>, vector<256x16xf32>, vector<256x16xf32>, vector<256x16xf32>, vector<256x16xf32>, vector<256x16xf32>, vector<256x16xf32>, vector<256x16xf32>, vector<256x16xf32>, vector<256x16xf32>, vector<256x16xf32>, vector<256x16xf32>, vector<256x16xf32> -> vector<256x784xf32>
    %select_n3A_111 = arith.select %eq3A_109, %concatenate3A_110, %select_n3A_107 : vector<256x784xi1>, vector<256x784xf32>
    %swap3A_112 = arith.constant 0 : index
    %swap3A_113 = arith.constant 0 : index
    %swap3A_114 = vector.load %arg5[%swap3A_112, %swap3A_113] : memref<256x784xf32, #tpu.memory_space<vmem>>, vector<256x784xf32>
    tpu.vector_store %arg5[%swap3A_112, %swap3A_113], %select_n3A_111 {strides = array<i32>} : memref<256x784xf32, #tpu.memory_space<vmem>>, vector<256x784xf32>,
    return
  }
  func.func @transform_0(%arg0: i32, %arg1: i32) -> (i32, i32) {
    %c0_i32 = arith.constant 0 : i32
    %c0_i32_0 = arith.constant 0 : i32
    return %arg0, %c0_i32 : i32, i32
  }
  func.func @transform_1(%arg0: i32, %arg1: i32) -> (i32, i32) {
    %c0_i32 = arith.constant 0 : i32
    %c0_i32_0 = arith.constant 0 : i32
    return %arg1, %c0_i32 : i32, i32
  }
  func.func @transform_2(%arg0: i32, %arg1: i32) -> (i32, i32, i32) {
    %c0_i32 = arith.constant 0 : i32
    %c0_i32_0 = arith.constant 0 : i32
    return %arg0, %arg1, %c0_i32 : i32, i32, i32
  }
  func.func @transform_3(%arg0: i32, %arg1: i32) -> (i32, i32) {
    %c0_i32 = arith.constant 0 : i32
    %c0_i32_0 = arith.constant 0 : i32
    return %arg0, %c0_i32 : i32, i32
  }
}

module attributes {stable_mosaic.version = 14 : i64} {
  func.func @_topk_body(%arg0: i32, %arg1: memref<128x256xf32, #tpu.memory_space<vmem>>, %arg2: memref<128x256xi32, #tpu.memory_space<vmem>>, %arg3: memref<128x128xf32, #tpu.memory_space<vmem>>, %arg4: memref<128x128xi32, #tpu.memory_space<vmem>>) attributes {dimension_semantics = [#tpu.dimension_semantics<arbitrary>], iteration_bounds = array<i64: 32>, scalar_prefetch = 0 : i64, scratch_operands = 0 : i64, tpu.core_type = #tpu.core_type<tc>, window_params = [{transform_indices = @transform_0, window_bounds = array<i64: 128, 256>}, {transform_indices = @transform_1, window_bounds = array<i64: 128, 256>}, {transform_indices = @transform_2, window_bounds = array<i64: 128, 128>}, {transform_indices = @transform_3, window_bounds = array<i64: 128, 128>}]} {
    %get3A = arith.constant 0 : index
    %get3A_0 = arith.constant 0 : index
    %get3A_1 = vector.load %arg1[%get3A, %get3A_0] : memref<128x256xf32, #tpu.memory_space<vmem>>, vector<128x256xf32>
    %get3A_2 = arith.constant 0 : index
    %get3A_3 = arith.constant 0 : index
    %get3A_4 = vector.load %arg2[%get3A_2, %get3A_3] : memref<128x256xi32, #tpu.memory_space<vmem>>, vector<128x256xi32>
    %iota3A = tpu.iota {dimensions = array<i32: 1>} : vector<128x128xi32>
    %broadcast_in_dim3A = arith.constant 0xFF800000 : f32
    %broadcast_in_dim3A_5 = vector.broadcast %broadcast_in_dim3A : f32 to vector<128x128xf32>
    %broadcast_in_dim3A_6 = arith.constant 0 : i32
    %broadcast_in_dim3A_7 = vector.broadcast %broadcast_in_dim3A_6 : i32 to vector<128x128xi32>
    %scan3A = arith.constant 0 : i32
    %scan3A_8 = arith.constant 100 : i32
    %scan3A_9 = arith.addi %scan3A, %scan3A_8 : i32
    %scan3A_10 = arith.constant 1 : i32
    %scan3A_11:3 = scf.for %scan3A_18 = %scan3A to %scan3A_9 step %scan3A_10 iter_args(%scan3A_19 = %get3A_1, %scan3A_20 = %broadcast_in_dim3A_5, %scan3A_21 = %broadcast_in_dim3A_7) -> (vector<128x256xf32>, vector<128x128xf32>, vector<128x128xi32>)  : i32 {
      %reduce_max3A = arith.constant dense<0xFF800000> : vector<128xf32>
      %reduce_max3A_22 = vector.multi_reduction <maximumf>, %scan3A_19, %reduce_max3A [1] : vector<128x256xf32> to vector<128xf32>
      %broadcast_in_dim3A_23 = vector.shape_cast %reduce_max3A_22 : vector<128xf32> to vector<128x1xf32>
      %eq3A = vector.broadcast %broadcast_in_dim3A_23 : vector<128x1xf32> to vector<128x256xf32>
      %eq3A_24 = arith.cmpf oeq, %scan3A_19, %eq3A : vector<128x256xf32>
      %jit3A = arith.constant 2147483647 : i32
      %broadcast_in_dim3A_25 = vector.broadcast %jit3A : i32 to vector<128x256xi32>
      %select_n3A = arith.select %eq3A_24, %get3A_4, %broadcast_in_dim3A_25 : vector<128x256xi1>, vector<128x256xi32>
      %reduce_min3A = arith.constant dense<2147483647> : vector<128xi32>
      %reduce_min3A_26 = vector.multi_reduction <minsi>, %select_n3A, %reduce_min3A [1] : vector<128x256xi32> to vector<128xi32>
      %broadcast_in_dim3A_27 = vector.shape_cast %reduce_min3A_26 : vector<128xi32> to vector<128x1xi32>
      %eq3A_28 = vector.broadcast %broadcast_in_dim3A_27 : vector<128x1xi32> to vector<128x256xi32>
      %eq3A_29 = arith.cmpi eq, %get3A_4, %eq3A_28 : vector<128x256xi32>
      %and3A = arith.andi %eq3A_24, %eq3A_29 : vector<128x256xi1>
      %jit3A_30 = arith.constant 0xFF800000 : f32
      %broadcast_in_dim3A_31 = vector.broadcast %jit3A_30 : f32 to vector<128x256xf32>
      %select_n3A_32 = arith.select %and3A, %broadcast_in_dim3A_31, %scan3A_19 : vector<128x256xi1>, vector<128x256xf32>
      %eq3A_33 = vector.broadcast %scan3A_18 : i32 to vector<128x128xi32>
      %eq3A_34 = arith.cmpi eq, %iota3A, %eq3A_33 : vector<128x128xi32>
      %broadcast_in_dim3A_35 = vector.shape_cast %broadcast_in_dim3A_23 : vector<128x1xf32> to vector<128x1xf32>
      %broadcast_in_dim3A_36 = vector.broadcast %broadcast_in_dim3A_35 : vector<128x1xf32> to vector<128x128xf32>
      %select_n3A_37 = arith.select %eq3A_34, %broadcast_in_dim3A_36, %scan3A_20 : vector<128x128xi1>, vector<128x128xf32>
      %eq3A_38 = vector.broadcast %scan3A_18 : i32 to vector<128x128xi32>
      %eq3A_39 = arith.cmpi eq, %iota3A, %eq3A_38 : vector<128x128xi32>
      %broadcast_in_dim3A_40 = vector.shape_cast %broadcast_in_dim3A_27 : vector<128x1xi32> to vector<128x1xi32>
      %broadcast_in_dim3A_41 = vector.broadcast %broadcast_in_dim3A_40 : vector<128x1xi32> to vector<128x128xi32>
      %select_n3A_42 = arith.select %eq3A_39, %broadcast_in_dim3A_41, %scan3A_21 : vector<128x128xi1>, vector<128x128xi32>
      scf.yield %select_n3A_32, %select_n3A_37, %select_n3A_42 : vector<128x256xf32>, vector<128x128xf32>, vector<128x128xi32>
    }
    %scan3A_12 = arith.constant 100 : i32
    %swap3A = arith.constant 0 : index
    %swap3A_13 = arith.constant 0 : index
    %swap3A_14 = vector.load %arg3[%swap3A, %swap3A_13] : memref<128x128xf32, #tpu.memory_space<vmem>>, vector<128x128xf32>
    tpu.vector_store %arg3[%swap3A, %swap3A_13], %scan3A_11#1 {strides = array<i32>} : memref<128x128xf32, #tpu.memory_space<vmem>>, vector<128x128xf32>,
    %swap3A_15 = arith.constant 0 : index
    %swap3A_16 = arith.constant 0 : index
    %swap3A_17 = vector.load %arg4[%swap3A_15, %swap3A_16] : memref<128x128xi32, #tpu.memory_space<vmem>>, vector<128x128xi32>
    tpu.vector_store %arg4[%swap3A_15, %swap3A_16], %scan3A_11#2 {strides = array<i32>} : memref<128x128xi32, #tpu.memory_space<vmem>>, vector<128x128xi32>,
    return
  }
  func.func @transform_0(%arg0: i32) -> (i32, i32) {
    %c0_i32 = arith.constant 0 : i32
    %c0_i32_0 = arith.constant 0 : i32
    return %arg0, %c0_i32 : i32, i32
  }
  func.func @transform_1(%arg0: i32) -> (i32, i32) {
    %c0_i32 = arith.constant 0 : i32
    %c0_i32_0 = arith.constant 0 : i32
    return %arg0, %c0_i32 : i32, i32
  }
  func.func @transform_2(%arg0: i32) -> (i32, i32) {
    %c0_i32 = arith.constant 0 : i32
    %c0_i32_0 = arith.constant 0 : i32
    return %arg0, %c0_i32 : i32, i32
  }
  func.func @transform_3(%arg0: i32) -> (i32, i32) {
    %c0_i32 = arith.constant 0 : i32
    %c0_i32_0 = arith.constant 0 : i32
    return %arg0, %c0_i32 : i32, i32
  }
}

</mosaic_0001>

<sc_bundles>
// kernel: kernel.10.cloned.1.call-start
scs
__scs_entry_jumppad:
0x0: {  	(pc) =	sbr.rel $0x88, $3  }
0x1: {  	(tag) =	ssettag $0x0;
	lr =	simm.s32 $0x1  }
0x2: {  	[smem:$0x3F9E] =	sst lr;
	_ =	strace $0xD0000000  }
0x3: {  	_ = 	snop  }
0x4: {  	_ = 	snop  }
0x5: {  	_ = 	snop  }
0x6: {  	_ = 	snop  }
0x7: {  	_ = 	snop  }
__scs_overlays_trampoline_lowered:
0x8: {  	[smem:$0x3FAD] =	sst s0  }
0x9: {  	[smem:$0x3FAE] =	sst s1  }
0xa: {  	[smem:$0x3FAF] =	sst s2  }
0xb: {  	[smem:$0x3FB0] =	sst s3  }
0xc: {  	[smem:$0x3FB1] =	sst s4  }
0xd: {  	[smem:$0x3FB2] =	sst s5  }
0xe: {  	[smem:$0x3FB3] =	sst s6  }
0xf: {  	[smem:$0x3FB4] =	sst s7  }
0x10: {  	[smem:$0x3FB5] =	sst s8  }
0x11: {  	[smem:$0x3FB6] =	sst s9;
	s0 =	simm.s32 @!p0 $0x0  }
0x12: {  	s1 =	sld [smem:$0x3F9C];
	s0 =	simm.s32 @p0 $0x1  }
0x13: {  	[smem:$0x3FB7] =	sst s0;
	s0 =	simm.s32 @!p1 $0x0  }
0x14: {  	s2 =	sld [smem:$0x3F9B];
	s0 =	simm.s32 @p1 $0x1  }
0x15: {  	[smem:$0x3FB8] =	sst s0;
	s0 =	simm.s32 @!p2 $0x0  }
0x16: {  	s3 =	sld [smem:$0x3FDB];
	s0 =	simm.s32 @p2 $0x1  }
0x17: {  	s4 =	simm.s32 $0x1BF5;
	[smem:$0x3FBA] =	sst s0  }
0x18: {  	s0 =	sld [smem:$0x3F9D];
	_ =	swait.ge [sflag:s4], $0x0  }
0x19: {  	s7 =	sld [smem:$0x3F9E]  }
0x1a: {  	s8 =	sadd.s32 $0xFFFFE003, lr  }
0x1b: {  	s9 =	sadd.s32 $0xFFFFFEF7, lr;
	s5 =	simm.s32 $0xFFFFFFFF;
	p2 =	slt.u32 s8, $0xFFFFF086  }
0x1c: {  	p1 =	slt.u32 s9, $0xF7A;
	s5 =	simm.s32 @!p2 $0x0  }
0x1d: {  	s5 =	simm.s32 @p1 $0x1;
	p0 =	seq.s32 s7, s2  }
0x1e: {  	s7 =	smul.u32 @!p0 $0xF7A, s2;
	p2 =	seq.s32 @!p0 s5, $0x0  }
0x1f: {  	s9 =	smul.u32 $0xF7A, s1;
	s8 =	simm.s32 @!p0 $0x1BF5;
	p2 =	por !p2, p0  }
0x20: {  	[sflag:s8] =	ssyncset.s32 @!p0 $0xFFFFF086;
	s6 =	sadd.s32 @!p0 s3, s7;
	s7 =	simm.s32 @!p0 $0x108  }
0x21: {  	s3 =	sadd.s32 s3, s9;
	s6 =	sadd.s32 @!p0 $0x88, s6;
	s7 =	simm.s32 @p2 $0x1082  }
0x22: {  	[simem:s7], [sflag:s8] =	dma.local @!p0 [hbm:s6], $0xF7A  }
0x23: {  	s9 =	sor.u32 $0xD0000000, s2;
	s6 =	simm.s32 $0x108;
	_ =	swait.ge @!p0 [sflag:s8], $0x0  }
0x24: {  	s3 =	sadd.s32 $0x88, s3;
	s6 =	simm.s32 @!p1 $0x1082;
	[sflag:s4] =	ssyncset.s32 $0xFFFFF086  }
0x25: {  	[simem:s6], [sflag:s4] =	dma.local [hbm:s3], $0xF7A  }
0x26: {  	[smem:$0x3F9E] =	sst s1;
	(tag) =	ssettag s2;
	_ =	strace s9  }
0x27: {  	s1 =	sld [smem:$0x3FAE]  }
0x28: {  	s2 =	sld [smem:$0x3FAF]  }
0x29: {  	s4 =	sld [smem:$0x3FB1]  }
0x2a: {  	p0 =	seq.s32 s5, $0x0;
	s5 =	sld [smem:$0x3FB2]  }
0x2b: {  	s6 =	sld [smem:$0x3FB3]  }
0x2c: {  	s7 =	sld [smem:$0x3FB4]  }
0x2d: {  	s3 =	simm.s32 $0x108;
	s8 =	sld [smem:$0x3FB5]  }
0x2e: {  	s3 =	simm.s32 @!p0 $0x1082;
	s9 =	sld [smem:$0x3FB6]  }
0x2f: {  	lr =	sadd.s32 s0, s3;
	s0 =	sld [smem:$0x3FAD]  }
0x30: {  	s3 =	sld [smem:$0x3FB0]  }
0x31: {  	[smem:$0x3FB9] =	sst s10  }
0x32: {  	s10 =	sld [smem:$0x3FB7];
	_ =	sdelay $0x3  }
0x33: {  	p0 =	seq.s32 s10, $0x1;
	s10 =	sld [smem:$0x3FB9];
	_ =	sdelay $0x3  }
0x34: {  	[smem:$0x3FB9] =	sst s10  }
0x35: {  	s10 =	sld [smem:$0x3FB8];
	_ =	sdelay $0x3  }
0x36: {  	p1 =	seq.s32 s10, $0x1;
	s10 =	sld [smem:$0x3FB9];
	_ =	sdelay $0x3  }
0x37: {  	[smem:$0x3FB9] =	sst s10  }
0x38: {  	s10 =	sld [smem:$0x3FBA]  }
0x39: {  	_ = 	snop;
	(pc) =	sbr.ind lr, $3  }
0x3a: {  	_ = 	snop  }
0x3b: {  	_ = 	snop  }
0x3c: {  	p2 =	seq.s32 s10, $0x1;
	s10 =	sld [smem:$0x3FB9]  }
0x3d: {  	_ =	shalt  }
0x3e: {  	_ =	shalt  }
0x3f: {  	_ =	shalt  }
0x40: {  	_ =	shalt  }
0x41: {  	_ =	shalt  }
0x42: {  	_ =	shalt  }
0x43: {  	_ =	shalt  }
0x44: {  	_ =	shalt  }
0x45: {  	_ =	shalt  }
0x46: {  	_ =	shalt  }
0x47: {  	_ =	shalt  }
0x48: {  	_ =	shalt  }
0x49: {  	_ =	shalt  }
0x4a: {  	_ =	shalt  }
0x4b: {  	_ =	shalt  }
0x4c: {  	_ =	shalt  }
0x4d: {  	_ =	shalt  }
0x4e: {  	_ =	shalt  }
0x4f: {  	_ =	shalt  }
0x50: {  	_ =	shalt  }
0x51: {  	_ =	shalt  }
0x52: {  	_ =	shalt  }
0x53: {  	_ =	shalt  }
0x54: {  	_ =	shalt  }
0x55: {  	_ =	shalt  }
0x56: {  	_ =	shalt  }
0x57: {  	_ =	shalt  }
0x58: {  	_ =	shalt  }
0x59: {  	_ =	shalt  }
0x5a: {  	_ =	shalt  }
0x5b: {  	_ =	shalt  }
0x5c: {  	_ =	shalt  }
0x5d: {  	_ =	shalt  }
0x5e: {  	_ =	shalt  }
0x5f: {  	_ =	shalt  }
0x60: {  	_ =	shalt  }
0x61: {  	_ =	shalt  }
0x62: {  	_ =	shalt  }
0x63: {  	_ =	shalt  }
0x64: {  	_ =	shalt  }
0x65: {  	_ =	shalt  }
0x66: {  	_ =	shalt  }
0x67: {  	_ =	shalt  }
0x68: {  	_ =	shalt  }
0x69: {  	_ =	shalt  }
0x6a: {  	_ =	shalt  }
0x6b: {  	_ =	shalt  }
0x6c: {  	_ =	shalt  }
0x6d: {  	_ =	shalt  }
0x6e: {  	_ =	shalt  }
0x6f: {  	_ =	shalt  }
0x70: {  	_ =	shalt  }
0x71: {  	_ =	shalt  }
0x72: {  	_ =	shalt  }
0x73: {  	_ =	shalt  }
0x74: {  	_ =	shalt  }
0x75: {  	_ =	shalt  }
0x76: {  	_ =	shalt  }
0x77: {  	_ =	shalt  }
0x78: {  	_ =	shalt  }
0x79: {  	_ =	shalt  }
0x7a: {  	_ =	shalt  }
0x7b: {  	_ =	shalt  }
0x7c: {  	_ =	shalt  }
0x7d: {  	_ =	shalt  }
0x7e: {  	_ =	shalt  }
0x7f: {  	_ =	shalt  }
0x80: {  	_ =	shalt  }
0x81: {  	_ =	shalt  }
0x82: {  	_ =	shalt  }
0x83: {  	_ =	shalt  }
0x84: {  	_ =	shalt  }
0x85: {  	_ =	shalt  }
0x86: {  	_ =	shalt  }
0x87: {  	_ =	shalt  }
.Lfunc_end0:
.L_simem_size_0:
called_computation.1_lowered:
.L_overlay_start_0:
0x88: {  	s2 =	sld [smem:$0x3FD9]  }
0x89: {  	s3 =	sld [smem:$0x3FFE];
	_ =	sdelay $0x1  }
0x8a: {  	s1 =	srdreg.scid  }
0x8b: {  	s0 =	sand.u32 $0x1, s1  }
0x8c: {  	s17 =	sshll.u32 s0, $0xA;
	s2 =	sadd.s32 s3, s2  }
0x8d: {  	s2 =	sadd.s32 s2, s17  }
0x8e: {  	[smem:$0x3FC5] =	sst s2  }
0x8f: {  	_ = 	snop  }
0x90: {  	s2 =	sld [smem:$0x3FC8];
	(tm) =	ssettm $0x1  }
0x91: {  	s18 =	sld [smem:$0x3FFB];
	_ =	sdelay $0x3  }
0x92: {  	_ =	strace s18  }
0x93: {  	s3 =	sld [smem:$0x3FFC];
	_ =	sdelay $0x3  }
0x94: {  	_ =	strace s3  }
0x95: {  	s3 =	sld [smem:$0x3FFD];
	_ =	sdelay $0x3  }
0x96: {  	_ =	strace s3  }
0x97: {  	_ =	strace $0x8FFFFFFF  }
0x98: {  	s19 =	sld [smem:$0x3FDB];
	_ =	sdelay $0x1  }
0x99: {  	s4 =	simm.s32 $_scs_section_size  }
0x9a: {  	s5 =	simm.s32 $_size__tile_overlayer_lowered;
	s6 =	simm.s32 $_tile_overlayer_lowered  }
0x9b: {  	s22 =	simm.s32 $0x1BFF;
	s21 =	sshll.u32 s6, $0x1;
	s3 =	sadd.s32 s4, s19  }
0x9c: {  	s7 =	simm.s32 $0x0;
	s20 =	sshll.u32 s5, $0x1;
	s5 =	sadd.s32 s21, s3  }
0x9d: {  	[timem:s7], [sflag:s22] =	dma.local [hbm:s5], s20  }
0x9e: {  	_ =	swait.ge [sflag:s22], s20  }
0x9f: {  	s4 =	ssub.s32 $0x0, s20;
	[sflag:s22] =	ssyncset.done $0x0  }
0xa0: {  	[sflag:s22] =	ssyncadd.s32 s4;
	_ =	sdelay $0x1  }
0xa1: {  	s23 =	simm.s32 $0x1B8B  }
0xa2: {  	_ =	swait.ge [sflag:s23], $0x1  }
0xa3: {  	[sflag:s23] =	ssyncset.done $0x0  }
0xa4: {  	s25 =	simm.s32 $0x1B8E;
	s24 =	sld [smem:$0x3FFE];
	[sflag:s23] =	ssyncadd.s32 $0xFFFFFFFF  }
0xa5: {  	s26 =	simm.s32 $execute0_lowered;
	[smem:$0x3FD2] =	sst s25  }
0xa6: {  	s5 =	sshll.u32 s26, $0x1;
	_ =	strace $0x80000049;
	[dreg:$0x1] =	wrdreg $0xFFFFFFFF  }
0xa7: {  	s28 =	simm.s32 $_size_execute0_lowered;
	s3 =	sadd.s32 s3, s5;
	[dreg:$0x0] =	wrdreg $0x0  }
0xa8: {  	s5 =	sshll.u32 s28, $0x1;
	[dreg:$0x2] =	wrdreg s3  }
0xa9: {  	[dreg:$0x3] =	wrdreg s5  }
0xaa: {  	[dreg:$0x4] =	wrdreg $0xC0  }
0xab: {  	_ =	task [dreg:s7], $0x5FFFF  }
0xac: {  	[dreg:$0x1] =	wrdreg $0xFFFFFFFF  }
0xad: {  	[dreg:$0x0] =	wrdreg $0x60  }
0xae: {  	[dreg:$0x2] =	wrdreg s24  }
0xaf: {  	[dreg:$0x3] =	wrdreg s2  }
0xb0: {  	[dreg:$0x4] =	wrdreg $0x9  }
0xb1: {  	_ =	task.clear_ibuf [dreg:s7], $0x5FFFF;
	_ =	strace $0x90000049  }
0xb2: {  	s29 =	simm.s32 $0x9;
	_ =	strace $0x8000004B  }
0xb3: {  	_ =	swait.ge [sflag:s29], $0x1  }
0xb4: {  	[sflag:s29] =	ssyncadd.s32 $0xFFFFFFFF  }
0xb5: {  	_ =	strace $0x9000004B  }
0xb6: {  	_ =	sfence  }
0xb7: {  	s30 =	sld [smem:$0x0];
	_ =	sdelay $0x2  }
0xb8: {  	s31 =	sshll.u32 s1, $0xD;
	s1 =	sshrl.u32 s1, $0x2  }
0xb9: {  	s3 =	sand.u32 $0x4000, s31;
	s1 =	sadd.s32 s1, s30  }
0xba: {  	s0 =	sor.u32 s3, s0;
	s1 =	sshll.u32 s1, $0x11  }
0xbb: {  	s0 =	sor.u32 s1, s0  }
0xbc: {  	s0 =	sadd.s32 $0x8F2B, s0  }
0xbd: {  	[sflag:s0] =	ssyncadd.remote.s32 $0x1  }
0xbe: {  	_ =	sfence.sel $0xFFFF  }
0xbf: {  	[dreg:$0x0] =	wrdreg $0xFFFFFFFF;
	(pc) =	sbr.abs _section_cstart, $3  }
0xc0: {  	[dreg:$0x1] =	wrdreg $0xFFFFFFFF  }
0xc1: {  	_ =	task.clear_ibuf [dreg:s7], $0x2FFFF;
	_ =	strace $0x9FFFFFFF  }
0xc2: {  	(tm) =	ssettm $0x7FFFFFFF  }
0xc3: {  	_ =	shalt  }
tec
execute0_lowered:
.L_overlay_start_1:
0x0: {  	(tag) =	ssettag $0x1  }
0x1: {  	s5 =	rddreg [dreg:$0x0]  }
0x2: {  	s2 =	rddreg [dreg:$0x1]  }
0x3: {  	s0 =	rddreg [dreg:$0x2]  }
0x4: {  	s3 =	simm.s32 $0x0;
	s1 =	stileid.u32;
	s4 =	srdreg.scid  }
0x5: {  	s11 =	simm.s32 $0x1;
	s12 =	simm.s32 $0x0;
	[smem:$0x7FF] =	sst s3  }
0x6: {  	s6 =	smul.u32 $0x68000, s1;
	s7 =	sand.u32 $0x1, s4;
	s4 =	sadd.s32 $0x11C00, s5  }
0x7: {  	s30 =	sshll.u32 s1, $0xC;
	_ =	strace $0x8000004A;
	s8 =	ssub.s32 $0x2, s7  }
0x8: {  	s10 =	smul.u32 $0x34000, s7;
	s7 =	sshll.u32 s7, $0xB;
	s29 =	sshrl.u32 s8, $0x1  }
0x9: {  	s9 =	sadd.s32 s6, s5;
	s6 =	sor.u32 s7, s30;
	s5 =	ssub.s32 s8, s29  }
0xa: {  	s31 =	sadd.s32 s10, s9;
	s8 =	simm.s32 $0x2;
	s9 =	simm.s32 $0x70  }
0xb: {  	s10 =	simm.s32 $0x80;
	s5 =	smax.u32 s5, $0x1;
	s7 =	sadd.s32 $0x21C00, s31  }
.LBB2_1:
0xc: {  	s13 =	sadd.s32 $0x0, s6;
	s14 =	sand.u32 $0x70, s3  }
0xd: {  	s13 =	sand.u32 $0xFF80, s13;
	s14 =	sadd.s32 s4, s14  }
0xe: {  	s13 =	sadd.s32 s13, s14  }
0xf: {  	[tilespmem:s3], [sflag:$0x2] =	stream.linear.gather [hbm4b:s13+s3], $0x80, $0x38;
	[tilespmem:$0x3880] =	vst v63  }
0x10: {  	_ =	swait.ge [sflag:s8], $0x80  }
0x11: {  	[sflag:s8] =	ssyncset.done $0x0  }
0x12: {  	[sflag:s8] =	ssyncadd.s32 $0xFFFFFF80  }
0x13: {  	[tilespmem:s10], [sflag:$0x1] =	stream.indirect.gather [hbm4b:s2+s9], $0x80, s3, s9, $0xb8;
	[tilespmem:$0x3880] =	vst v63  }
0x14: {  	_ =	swait.ge [sflag:s11], $0x3800  }
0x15: {  	s15 =	simm.s32 $0x10;
	[sflag:s11] =	ssyncset.done $0x0  }
0x16: {  	s16 =	sadd.s32 $0x10, s6;
	s17 =	sand.u32 $0x70, s15;
	[sflag:s11] =	ssyncadd.s32 $0xFFFFC800  }
0x17: {  	[hbm4b:s7+s3] =	stream.linear.scatter [tilespmem:s10], [sflag:$0x2], $0x3200, $0x38;
	[tilespmem:$0x3880] =	vst v63  }
0x18: {  	s15 =	sand.u32 $0xFF80, s16;
	s14 =	simm.s32 $0x20;
	_ =	swait.ge [sflag:s8], $0x3200  }
0x19: {  	s16 =	sadd.s32 s4, s17;
	s13 =	sadd.s32 $0x680, s7;
	[sflag:s8] =	ssyncset.done $0x0  }
.LBB2_2:
0x1a: {  	s15 =	sadd.s32 s15, s16;
	[sflag:s8] =	ssyncadd.s32 $0xFFFFCE00  }
0x1b: {  	s16 =	smov.u32 s14;
	s17 =	sadd.s32 $0x10, s14;
	s18 =	smov.u32 s13  }
0x1c: {  	[tilespmem:s3], [sflag:$0x2] =	stream.linear.gather [hbm4b:s15+s3], $0x80, $0x38;
	[tilespmem:$0x3880] =	vst v63  }
0x1d: {  	p0 =	sne.s32 s14, $0x7F0;
	_ =	swait.ge [sflag:s8], $0x80  }
0x1e: {  	[sflag:s8] =	ssyncset.done $0x0  }
0x1f: {  	[sflag:s8] =	ssyncadd.s32 $0xFFFFFF80  }
0x20: {  	[tilespmem:s10], [sflag:$0x1] =	stream.indirect.gather [hbm4b:s2+s9], $0x80, s3, s9, $0xb8;
	[tilespmem:$0x3880] =	vst v63  }
0x21: {  	_ =	swait.ge [sflag:s11], $0x3800  }
.Ltmp0:
0x22: {  	[sflag:s11] =	ssyncset.done $0x0;
	(pc) =	sbr.rel @p0 .LBB2_2-.Ltmp0, $4  }
0x23: {  	s13 =	sadd.s32 $0x680, s13;
	s14 =	sadd.s32 s16, s6;
	[sflag:s11] =	ssyncadd.s32 $0xFFFFC800  }
0x24: {  	[hbm4b:s18+s3] =	stream.linear.scatter [tilespmem:s10], [sflag:$0x2], $0x3200, $0x38;
	[tilespmem:$0x3880] =	vst v63  }
0x25: {  	s16 =	sand.u32 $0x70, s16;
	s15 =	sand.u32 $0xFF80, s14;
	_ =	swait.ge [sflag:s8], $0x3200  }
0x26: {  	s16 =	sadd.s32 s4, s16;
	s14 =	smov.u32 s17;
	[sflag:s8] =	ssyncset.done $0x0  }
0x27: {  	s14 =	sadd.s32 s15, s16;
	[sflag:s8] =	ssyncadd.s32 $0xFFFFCE00  }
0x28: {  	[tilespmem:s3], [sflag:$0x2] =	stream.linear.gather [hbm4b:s14+s3], $0x80, $0x38;
	[tilespmem:$0x3880] =	vst v63  }
0x29: {  	_ =	swait.ge [sflag:s8], $0x80  }
0x2a: {  	[sflag:s8] =	ssyncset.done $0x0  }
0x2b: {  	[sflag:s8] =	ssyncadd.s32 $0xFFFFFF80  }
0x2c: {  	[tilespmem:s10], [sflag:$0x1] =	stream.indirect.gather [hbm4b:s2+s9], $0x80, s3, s9, $0xb8;
	[tilespmem:$0x3880] =	vst v63  }
0x2d: {  	s12 =	sadd.s32 $0x1, s12;
	_ =	swait.ge [sflag:s11], $0x3800  }
0x2e: {  	p0 =	sne.s32 s12, s5;
	[sflag:s11] =	ssyncset.done $0x0  }
.Ltmp1:
0x2f: {  	[sflag:s11] =	ssyncadd.s32 $0xFFFFC800;
	(pc) =	sbr.rel @p0 .LBB2_1-.Ltmp1, $4  }
0x30: {  	[hbm4b:s13+s3] =	stream.linear.scatter [tilespmem:s10], [sflag:$0x2], $0x3200, $0x38;
	[tilespmem:$0x3880] =	vst v63  }
0x31: {  	_ =	swait.ge [sflag:s8], $0x3200  }
0x32: {  	[sflag:s8] =	ssyncset.done $0x0  }
0x33: {  	[sflag:s8] =	ssyncadd.s32 $0xFFFFCE00  }
0x34: {  	_ =	sfence.sel $0x180000  }
0x35: {  	[bflag:$0x0] =	sbarrier.arrive $0xFFFF  }
0x36: {  	p0 =	sne.s32 s1, $0x0;
	_ =	strace $0x9000004A  }
0x37: {  	s0 =	sadd.s32 @!p0 $0x100000, s0;
	[bflag:$0x2] =	sbarrier.arrive $0xFFFF  }
0x38: {  	[sflag:s0] =	ssyncadd.tile.s32 @!p0 $0x1;
	_ =	shalt  }
.Lfunc_end2:
_tile_overlayer_lowered:
.L_overlay_start_2:
0x39: {  	(tag) =	ssettag $0x2  }
0x3a: {  	s0 =	rddreg [dreg:$0x0];
	s2 =	stileid.u32  }
0x3b: {  	s1 =	rddreg [dreg:$0x1];
	p0 =	sne.s32 s2, $0x0  }
0x3c: {  	s3 =	rddreg [dreg:$0x2];
	[bflag:$0x3] =	sbarrier.arrive $0xFFFF;
	s2 =	simm.s32 @!p0 $0x1C02  }
0x3d: {  	[timem:s3], [sflag:s2] =	dma.local @!p0 [hbm:s0], s1  }
0x3e: {  	s0 =	simm.s32 @!p0 $0x2  }
0x3f: {  	_ =	swait.ge @!p0 [sflag:s0], s1  }
0x40: {  	s1 =	ssub.s32 @!p0 $0x0, s1;
	[sflag:s0] =	ssyncset.done @!p0 $0x0  }
0x41: {  	[sflag:s0] =	ssyncadd.s32 @!p0 s1  }
0x42: {  	[bflag:$0x3] =	sbarrier.arrive $0xFFFF  }
0x43: {  	_ =	shalt  }

// kernel: kernel.7.cloned.1.call-start
scs
__scs_entry_jumppad:
0x0: {  	(pc) =	sbr.rel $0x88, $3  }
0x1: {  	(tag) =	ssettag $0x0;
	lr =	simm.s32 $0x1  }
0x2: {  	[smem:$0x3F9E] =	sst lr;
	_ =	strace $0xD0000000  }
0x3: {  	_ = 	snop  }
0x4: {  	_ = 	snop  }
0x5: {  	_ = 	snop  }
0x6: {  	_ = 	snop  }
0x7: {  	_ = 	snop  }
__scs_overlays_trampoline_lowered:
0x8: {  	[smem:$0x3FAD] =	sst s0  }
0x9: {  	[smem:$0x3FAE] =	sst s1  }
0xa: {  	[smem:$0x3FAF] =	sst s2  }
0xb: {  	[smem:$0x3FB0] =	sst s3  }
0xc: {  	[smem:$0x3FB1] =	sst s4  }
0xd: {  	[smem:$0x3FB2] =	sst s5  }
0xe: {  	[smem:$0x3FB3] =	sst s6  }
0xf: {  	[smem:$0x3FB4] =	sst s7  }
0x10: {  	[smem:$0x3FB5] =	sst s8  }
0x11: {  	[smem:$0x3FB6] =	sst s9;
	s0 =	simm.s32 @!p0 $0x0  }
0x12: {  	s1 =	sld [smem:$0x3F9C];
	s0 =	simm.s32 @p0 $0x1  }
0x13: {  	[smem:$0x3FB7] =	sst s0;
	s0 =	simm.s32 @!p1 $0x0  }
0x14: {  	s2 =	sld [smem:$0x3F9B];
	s0 =	simm.s32 @p1 $0x1  }
0x15: {  	[smem:$0x3FB8] =	sst s0;
	s0 =	simm.s32 @!p2 $0x0  }
0x16: {  	s3 =	sld [smem:$0x3FDB];
	s0 =	simm.s32 @p2 $0x1  }
0x17: {  	s4 =	simm.s32 $0x1BF5;
	[smem:$0x3FBA] =	sst s0  }
0x18: {  	s0 =	sld [smem:$0x3F9D];
	_ =	swait.ge [sflag:s4], $0x0  }
0x19: {  	s7 =	sld [smem:$0x3F9E]  }
0x1a: {  	s8 =	sadd.s32 $0xFFFFE003, lr  }
0x1b: {  	s9 =	sadd.s32 $0xFFFFFEF7, lr;
	s5 =	simm.s32 $0xFFFFFFFF;
	p2 =	slt.u32 s8, $0xFFFFF086  }
0x1c: {  	p1 =	slt.u32 s9, $0xF7A;
	s5 =	simm.s32 @!p2 $0x0  }
0x1d: {  	s5 =	simm.s32 @p1 $0x1;
	p0 =	seq.s32 s7, s2  }
0x1e: {  	s7 =	smul.u32 @!p0 $0xF7A, s2;
	p2 =	seq.s32 @!p0 s5, $0x0  }
0x1f: {  	s9 =	smul.u32 $0xF7A, s1;
	s8 =	simm.s32 @!p0 $0x1BF5;
	p2 =	por !p2, p0  }
0x20: {  	[sflag:s8] =	ssyncset.s32 @!p0 $0xFFFFF086;
	s6 =	sadd.s32 @!p0 s3, s7;
	s7 =	simm.s32 @!p0 $0x108  }
0x21: {  	s3 =	sadd.s32 s3, s9;
	s6 =	sadd.s32 @!p0 $0x88, s6;
	s7 =	simm.s32 @p2 $0x1082  }
0x22: {  	[simem:s7], [sflag:s8] =	dma.local @!p0 [hbm:s6], $0xF7A  }
0x23: {  	s9 =	sor.u32 $0xD0000000, s2;
	s6 =	simm.s32 $0x108;
	_ =	swait.ge @!p0 [sflag:s8], $0x0  }
0x24: {  	s3 =	sadd.s32 $0x88, s3;
	s6 =	simm.s32 @!p1 $0x1082;
	[sflag:s4] =	ssyncset.s32 $0xFFFFF086  }
0x25: {  	[simem:s6], [sflag:s4] =	dma.local [hbm:s3], $0xF7A  }
0x26: {  	[smem:$0x3F9E] =	sst s1;
	(tag) =	ssettag s2;
	_ =	strace s9  }
0x27: {  	s1 =	sld [smem:$0x3FAE]  }
0x28: {  	s2 =	sld [smem:$0x3FAF]  }
0x29: {  	s4 =	sld [smem:$0x3FB1]  }
0x2a: {  	p0 =	seq.s32 s5, $0x0;
	s5 =	sld [smem:$0x3FB2]  }
0x2b: {  	s6 =	sld [smem:$0x3FB3]  }
0x2c: {  	s7 =	sld [smem:$0x3FB4]  }
0x2d: {  	s3 =	simm.s32 $0x108;
	s8 =	sld [smem:$0x3FB5]  }
0x2e: {  	s3 =	simm.s32 @!p0 $0x1082;
	s9 =	sld [smem:$0x3FB6]  }
0x2f: {  	lr =	sadd.s32 s0, s3;
	s0 =	sld [smem:$0x3FAD]  }
0x30: {  	s3 =	sld [smem:$0x3FB0]  }
0x31: {  	[smem:$0x3FB9] =	sst s10  }
0x32: {  	s10 =	sld [smem:$0x3FB7];
	_ =	sdelay $0x3  }
0x33: {  	p0 =	seq.s32 s10, $0x1;
	s10 =	sld [smem:$0x3FB9];
	_ =	sdelay $0x3  }
0x34: {  	[smem:$0x3FB9] =	sst s10  }
0x35: {  	s10 =	sld [smem:$0x3FB8];
	_ =	sdelay $0x3  }
0x36: {  	p1 =	seq.s32 s10, $0x1;
	s10 =	sld [smem:$0x3FB9];
	_ =	sdelay $0x3  }
0x37: {  	[smem:$0x3FB9] =	sst s10  }
0x38: {  	s10 =	sld [smem:$0x3FBA]  }
0x39: {  	_ = 	snop;
	(pc) =	sbr.ind lr, $3  }
0x3a: {  	_ = 	snop  }
0x3b: {  	_ = 	snop  }
0x3c: {  	p2 =	seq.s32 s10, $0x1;
	s10 =	sld [smem:$0x3FB9]  }
0x3d: {  	_ =	shalt  }
0x3e: {  	_ =	shalt  }
0x3f: {  	_ =	shalt  }
0x40: {  	_ =	shalt  }
0x41: {  	_ =	shalt  }
0x42: {  	_ =	shalt  }
0x43: {  	_ =	shalt  }
0x44: {  	_ =	shalt  }
0x45: {  	_ =	shalt  }
0x46: {  	_ =	shalt  }
0x47: {  	_ =	shalt  }
0x48: {  	_ =	shalt  }
0x49: {  	_ =	shalt  }
0x4a: {  	_ =	shalt  }
0x4b: {  	_ =	shalt  }
0x4c: {  	_ =	shalt  }
0x4d: {  	_ =	shalt  }
0x4e: {  	_ =	shalt  }
0x4f: {  	_ =	shalt  }
0x50: {  	_ =	shalt  }
0x51: {  	_ =	shalt  }
0x52: {  	_ =	shalt  }
0x53: {  	_ =	shalt  }
0x54: {  	_ =	shalt  }
0x55: {  	_ =	shalt  }
0x56: {  	_ =	shalt  }
0x57: {  	_ =	shalt  }
0x58: {  	_ =	shalt  }
0x59: {  	_ =	shalt  }
0x5a: {  	_ =	shalt  }
0x5b: {  	_ =	shalt  }
0x5c: {  	_ =	shalt  }
0x5d: {  	_ =	shalt  }
0x5e: {  	_ =	shalt  }
0x5f: {  	_ =	shalt  }
0x60: {  	_ =	shalt  }
0x61: {  	_ =	shalt  }
0x62: {  	_ =	shalt  }
0x63: {  	_ =	shalt  }
0x64: {  	_ =	shalt  }
0x65: {  	_ =	shalt  }
0x66: {  	_ =	shalt  }
0x67: {  	_ =	shalt  }
0x68: {  	_ =	shalt  }
0x69: {  	_ =	shalt  }
0x6a: {  	_ =	shalt  }
0x6b: {  	_ =	shalt  }
0x6c: {  	_ =	shalt  }
0x6d: {  	_ =	shalt  }
0x6e: {  	_ =	shalt  }
0x6f: {  	_ =	shalt  }
0x70: {  	_ =	shalt  }
0x71: {  	_ =	shalt  }
0x72: {  	_ =	shalt  }
0x73: {  	_ =	shalt  }
0x74: {  	_ =	shalt  }
0x75: {  	_ =	shalt  }
0x76: {  	_ =	shalt  }
0x77: {  	_ =	shalt  }
0x78: {  	_ =	shalt  }
0x79: {  	_ =	shalt  }
0x7a: {  	_ =	shalt  }
0x7b: {  	_ =	shalt  }
0x7c: {  	_ =	shalt  }
0x7d: {  	_ =	shalt  }
0x7e: {  	_ =	shalt  }
0x7f: {  	_ =	shalt  }
0x80: {  	_ =	shalt  }
0x81: {  	_ =	shalt  }
0x82: {  	_ =	shalt  }
0x83: {  	_ =	shalt  }
0x84: {  	_ =	shalt  }
0x85: {  	_ =	shalt  }
0x86: {  	_ =	shalt  }
0x87: {  	_ =	shalt  }
.Lfunc_end0:
.L_simem_size_0:
called_computation_lowered:
.L_overlay_start_0:
0x88: {  	s2 =	sld [smem:$0x3FD9]  }
0x89: {  	s3 =	sld [smem:$0x3FFE];
	_ =	sdelay $0x1  }
0x8a: {  	s1 =	srdreg.scid  }
0x8b: {  	s0 =	sand.u32 $0x1, s1  }
0x8c: {  	s14 =	sshll.u32 s0, $0xA;
	s2 =	sadd.s32 s3, s2  }
0x8d: {  	s2 =	sadd.s32 s2, s14  }
0x8e: {  	[smem:$0x3FC5] =	sst s2  }
0x8f: {  	_ = 	snop  }
0x90: {  	s2 =	sld [smem:$0x3FD0];
	_ =	sdelay $0x2  }
0x91: {  	s15 =	simm.s32 $0xA;
	s4 =	simm.s32 $0x10  }
0x92: {  	[smem:s4], [sflag:s15] =	dma.local [hbm:s2], $0x1  }
0x93: {  	_ =	swait.eq [sflag:s15], $0x1  }
0x94: {  	[sflag:s15] =	ssyncset.done $0x0  }
0x95: {  	s16 =	sld [smem:$0x11];
	[sflag:s15] =	ssyncadd.s32 $0xFFFFFFFF  }
0x96: {  	s17 =	sld [smem:$0x12];
	(tm) =	ssettm $0x1  }
0x97: {  	s18 =	sld [smem:$0x3FFB];
	_ =	sdelay $0x3  }
0x98: {  	_ =	strace s18  }
0x99: {  	s4 =	sld [smem:$0x3FFC];
	_ =	sdelay $0x3  }
0x9a: {  	_ =	strace s4  }
0x9b: {  	s4 =	sld [smem:$0x3FFD];
	_ =	sdelay $0x3  }
0x9c: {  	_ =	strace s4  }
0x9d: {  	_ =	strace $0x8FFFFFFF  }
0x9e: {  	s19 =	sld [smem:$0x3FDB];
	_ =	sdelay $0x1  }
0x9f: {  	s5 =	simm.s32 $_scs_section_size  }
0xa0: {  	s6 =	simm.s32 $_size__tile_overlayer_lowered;
	s7 =	simm.s32 $_tile_overlayer_lowered  }
0xa1: {  	s22 =	simm.s32 $0x1BFF;
	s21 =	sshll.u32 s7, $0x1;
	s4 =	sadd.s32 s5, s19  }
0xa2: {  	s8 =	simm.s32 $0x0;
	s20 =	sshll.u32 s6, $0x1;
	s6 =	sadd.s32 s21, s4  }
0xa3: {  	[timem:s8], [sflag:s22] =	dma.local [hbm:s6], s20  }
0xa4: {  	_ =	swait.ge [sflag:s22], s20  }
0xa5: {  	s5 =	ssub.s32 $0x0, s20;
	[sflag:s22] =	ssyncset.done $0x0  }
0xa6: {  	[sflag:s22] =	ssyncadd.s32 s5;
	_ =	sdelay $0x1  }
0xa7: {  	s23 =	simm.s32 $0x1B8B  }
0xa8: {  	_ =	swait.ge [sflag:s23], $0x1  }
0xa9: {  	[sflag:s23] =	ssyncset.done $0x0  }
0xaa: {  	s25 =	simm.s32 $0x1B8E;
	s24 =	sld [smem:$0x3FFE];
	[sflag:s23] =	ssyncadd.s32 $0xFFFFFFFF  }
0xab: {  	s26 =	simm.s32 $execute0_lowered;
	[smem:$0x3FD2] =	sst s25  }
0xac: {  	s6 =	sshll.u32 s26, $0x1;
	_ =	strace $0x80000046;
	[dreg:$0x1] =	wrdreg $0xFFFFFFFF  }
0xad: {  	s28 =	simm.s32 $_size_execute0_lowered;
	s4 =	sadd.s32 s4, s6;
	[dreg:$0x0] =	wrdreg $0x0  }
0xae: {  	s6 =	sshll.u32 s28, $0x1;
	[dreg:$0x2] =	wrdreg s4  }
0xaf: {  	[dreg:$0x3] =	wrdreg s6  }
0xb0: {  	[dreg:$0x4] =	wrdreg $0xC0  }
0xb1: {  	_ =	task [dreg:s8], $0x5FFFF  }
0xb2: {  	[dreg:$0x1] =	wrdreg $0xFFFFFFFF  }
0xb3: {  	[dreg:$0x0] =	wrdreg $0x60  }
0xb4: {  	[dreg:$0x2] =	wrdreg s17  }
0xb5: {  	[dreg:$0x3] =	wrdreg s16  }
0xb6: {  	[dreg:$0x4] =	wrdreg s24  }
0xb7: {  	[dreg:$0x5] =	wrdreg $0x9  }
0xb8: {  	_ =	task.clear_ibuf [dreg:s8], $0x6FFFF;
	_ =	strace $0x90000046  }
0xb9: {  	s29 =	simm.s32 $0x9;
	_ =	strace $0x80000048  }
0xba: {  	_ =	swait.ge [sflag:s29], $0x1  }
0xbb: {  	[sflag:s29] =	ssyncadd.s32 $0xFFFFFFFF  }
0xbc: {  	_ =	strace $0x90000048  }
0xbd: {  	_ =	sfence  }
0xbe: {  	s30 =	sld [smem:$0x0];
	_ =	sdelay $0x2  }
0xbf: {  	s31 =	sshll.u32 s1, $0xD;
	s1 =	sshrl.u32 s1, $0x2  }
0xc0: {  	s3 =	sand.u32 $0x4000, s31;
	s1 =	sadd.s32 s1, s30  }
0xc1: {  	s0 =	sor.u32 s3, s0;
	s1 =	sshll.u32 s1, $0x11  }
0xc2: {  	s0 =	sor.u32 s1, s0  }
0xc3: {  	s0 =	sadd.s32 $0x8F2B, s0  }
0xc4: {  	[sflag:s0] =	ssyncadd.remote.s32 $0x1  }
0xc5: {  	_ =	sfence.sel $0xFFFF  }
0xc6: {  	[dreg:$0x0] =	wrdreg $0xFFFFFFFF;
	(pc) =	sbr.abs _section_cstart, $3  }
0xc7: {  	[dreg:$0x1] =	wrdreg $0xFFFFFFFF  }
0xc8: {  	_ =	task.clear_ibuf [dreg:s8], $0x2FFFF;
	_ =	strace $0x9FFFFFFF  }
0xc9: {  	(tm) =	ssettm $0x7FFFFFFF  }
tec
execute0_lowered:
.L_overlay_start_1:
0x0: {  	(tag) =	ssettag $0x1  }
0x1: {  	v0 =	vlaneseq.u32  }
0x2: {  	v50 =	vimm.f32 $-Inf;
	v2 =	vor.u32 $0x10, v0  }
0x3: {  	v3 =	vor.u32 $0x20, v0;
	v4 =	vor.u32 $0x30, v0;
	v5 =	vor.u32 $0x40, v0  }
0x4: {  	v6 =	vor.u32 $0x50, v0;
	v7 =	vor.u32 $0x60, v0;
	v8 =	vor.u32 $0x70, v0  }
0x5: {  	v9 =	vor.u32 $0x80, v0;
	v10 =	vor.u32 $0x90, v0;
	v11 =	vor.u32 $0xA0, v0  }
0x6: {  	v12 =	vor.u32 $0xB0, v0;
	v13 =	vor.u32 $0xC0, v0;
	v14 =	vor.u32 $0xD0, v0  }
0x7: {  	s0 =	rddreg [dreg:$0x1];
	v15 =	vor.u32 $0xE0, v0;
	v16 =	vor.u32 $0xF0, v0;
	v17 =	vor.u32 $0x100, v0  }
0x8: {  	s1 =	rddreg [dreg:$0x2];
	v18 =	vor.u32 $0x110, v0;
	v19 =	vor.u32 $0x120, v0;
	v20 =	vor.u32 $0x130, v0  }
0x9: {  	s2 =	simm.s32 $0x0;
	s26 =	srdreg.scid;
	s4 =	stileid.u32;
	v21 =	vor.u32 $0x140, v0;
	v22 =	vor.u32 $0x150, v0;
	v23 =	vor.u32 $0x160, v0  }
0xa: {  	s13 =	simm.s32 $0x400;
	s15 =	simm.s32 $0x580;
	[smem:$0x7FF] =	sst s2;
	v24 =	vor.u32 $0x170, v0;
	v25 =	vor.u32 $0x180, v0;
	v26 =	vor.u32 $0x190, v0  }
0xb: {  	s3 =	sadd.s32 $0x1C00, s1;
	s2 =	sand.u32 $0x1, s26;
	v27 =	vor.u32 $0x1A0, v0;
	v28 =	vor.u32 $0x1B0, v0;
	v29 =	vor.u32 $0x1C0, v0;
	s5 =	sadd.s32 $0x3101C00, s1  }
0xc: {  	v1 =	vimm.s32 $0x0;
	s4 =	sshll.u32 s4, $0x8;
	v30 =	vor.u32 $0x1D0, v0;
	v31 =	vor.u32 $0x1E0, v0;
	s1 =	sadd.s32 $0x3121C00, s1;
	_ =	strace $0x80000047  }
0xd: {  	v32 =	vor.u32 $0x1F0, v0;
	v33 =	vor.u32 $0x200, v0;
	v34 =	vor.u32 $0x210, v0;
	[dreg:$0x5] =	wrdreg s3;
	s28 =	ssub.s32 $0x2, s2;
	s2 =	sshll.u32 s2, $0x7  }
.Ltmp0:
0xe: {  	v35 =	vor.u32 $0x220, v0;
	v36 =	vor.u32 $0x230, v0;
	v37 =	vor.u32 $0x240, v0;
	[dreg:$0x6] =	wrdreg s5;
	s2 =	sor.u32 s2, s4;
	(pc) =	sbr.rel .LBB2_1-.Ltmp0, $4  }
0xf: {  	v38 =	vor.u32 $0x250, v0;
	v39 =	vor.u32 $0x260, v0;
	v40 =	vor.u32 $0x270, v0;
	s29 =	sshrl.u32 s28, $0x1;
	[dreg:$0x7] =	wrdreg s2;
	s2 =	sshrl.u32 s2, $0x3  }
0x10: {  	v41 =	vor.u32 $0x280, v0;
	v42 =	vor.u32 $0x290, v0;
	v43 =	vor.u32 $0x2A0, v0;
	[dreg:$0x8] =	wrdreg s1;
	s30 =	ssub.s32 s28, s29;
	s0 =	sadd.s32 s0, s2  }
0x11: {  	v44 =	vor.u32 $0x2B0, v0;
	v45 =	vor.u32 $0x2C0, v0;
	v46 =	vor.u32 $0x2D0, v0;
	s3 =	simm.s32 $0x2;
	s31 =	smax.u32 s30, $0x1;
	[dreg:$0x9] =	wrdreg s0  }
0x12: {  	v47 =	vor.u32 $0x2E0, v0;
	v48 =	vor.u32 $0x2F0, v0;
	v49 =	vor.u32 $0x300, v0;
	s1 =	simm.s32 $0x0;
	s4 =	simm.s32 $0x80;
	[dreg:$0xa] =	wrdreg s31  }
.LBB2_6:
0x13: {  	s1 =	rddreg [dreg:$0xb]  }
0x14: {  	s0 =	rddreg [dreg:$0xa];
	s1 =	sadd.s32 $0x1, s1  }
0x15: {  	p0 =	sne.s32 s1, s0  }
.Ltmp1:
0x16: {  	_ = 	snop;
	(pc) =	sbr.rel @!p0 .LBB2_7-.Ltmp1, $1  }
0x17: {  	_ =	sdelay $0x3  }
.LBB2_1:
0x18: {  	[dreg:$0xb] =	wrdreg s1;
	s0 =	simm.s32 $0x0  }
.Ltmp2:
0x19: {  	s31 =	rddreg [dreg:$0x9];
	s2 =	simm.s32 $0x380;
	(pc) =	sbr.rel .LBB2_2-.Ltmp2, $4  }
0x1a: {  	[tilespmem:s2], [sflag:$0x2] =	stream.linear.gather [hbm4b:s31+s0], $0x80, $0x38;
	[tilespmem:$0x4880] =	vst v63  }
0x1b: {  	_ =	swait.ge [sflag:s3], $0x80  }
0x1c: {  	[sflag:s3] =	ssyncset.done $0x0  }
0x1d: {  	s20 =	simm.s32 $0x0;
	[sflag:s3] =	ssyncadd.s32 $0xFFFFFF80  }
.LBB2_5:
0x1e: {  	s0 =	rddreg [dreg:$0xc]  }
0x1f: {  	s1 =	rddreg [dreg:$0xd];
	s0 =	sshll.u32 s0, $0xB  }
0x20: {  	s0 =	sor.u32 s1, s0  }
0x21: {  	s29 =	rddreg [dreg:$0x6];
	s4 =	simm.s32 $0x80;
	s0 =	sshrl.u32 s0, $0x3  }
0x22: {  	s2 =	simm.s32 $0x4580;
	s3 =	simm.s32 $0x2;
	s1 =	sadd.s32 s29, s0  }
0x23: {  	[hbm4b:s1+s4] =	stream.strided.scatter [tilespmem:s2], [sflag:$0x2], $0x100, s13, s4, $0x38;
	[tilespmem:$0x4880] =	vst v63  }
0x24: {  	s31 =	simm.s32 $0x4700;
	s20 =	sadd.s32 $0x1, s20;
	_ =	swait.ge [sflag:s3], $0x100  }
0x25: {  	p0 =	sne.s32 s20, $0x80;
	[sflag:s3] =	ssyncset.done $0x0;
	s30 =	rddreg [dreg:$0x8]  }
.Ltmp3:
0x26: {  	[sflag:s3] =	ssyncadd.s32 $0xFFFFFF00;
	s0 =	sadd.s32 s30, s0;
	(pc) =	sbr.rel @!p0 .LBB2_6-.Ltmp3, $4  }
0x27: {  	[hbm4b:s0+s4] =	stream.strided.scatter [tilespmem:s31], [sflag:$0x2], $0x100, s13, s4, $0x38;
	[tilespmem:$0x4880] =	vst v63  }
0x28: {  	_ =	swait.ge [sflag:s3], $0x100  }
0x29: {  	[sflag:s3] =	ssyncset.done $0x0  }
0x2a: {  	[sflag:s3] =	ssyncadd.s32 $0xFFFFFF00  }
.LBB2_2:
0x2b: {  	s0 =	rddreg [dreg:$0x7]  }
0x2c: {  	s16 =	sor.u32 s0, s20  }
0x2d: {  	s1 =	sshrl.u32 s16, $0x3  }
0x2e: {  	s5 =	sshll.u32 s20, $0x7;
	[dreg:$0xc] =	wrdreg s1;
	s1 =	smul.u32 $0x1C00, s1  }
0x2f: {  	s0 =	sand.u32 $0x380, s5  }
0x30: {  	[dreg:$0xd] =	wrdreg s0;
	s0 =	sor.u32 s0, s1  }
0x31: {  	s6 =	rddreg [dreg:$0x0];
	s0 =	sshrl.u32 s0, $0x3  }
0x32: {  	v51 =	vmov s20;
	s7 =	simm.s32 $0x0;
	s0 =	sadd.s32 s6, s0  }
0x33: {  	[tilespmem:s7], [sflag:$0x2] =	stream.strided.gather [hbm4b:s0+s4], $0x380, s13, s4, $0x38;
	[tilespmem:$0x4880] =	vst v63  }
0x34: {  	_ =	swait.ge [sflag:s3], $0x380  }
0x35: {  	[sflag:s3] =	ssyncset.done $0x0  }
0x36: {  	s8 =	simm.s32 $0x380;
	[sflag:s3] =	ssyncadd.s32 $0xFFFFFC80  }
0x37: {  	v52 =	vld.idx.msk [tilespmem:v51+s8+$0x0], $0xffff  }
0x38: {  	v53 =	vld [tilespmem:$0x0];
	_ =	sdelay $0x4  }
0x39: {  	[tilespmem:$0x400] =	vst v1;
	vm0 =	vge.f32 v53, v52  }
0x3a: {  	[tilespmem:$0x410] =	vst v1;
	v53 =	vmpcnt.ones.xlane vm0  }
0x3b: {  	[tilespmem:$0x420] =	vst v1  }
0x3c: {  	[tilespmem:$0x430] =	vst v1;
	v53 =	vxor.u32 $0x80000000, v53  }
0x3d: {  	[tilespmem:$0x440] =	vst v1;
	(xrf0) =	vmax.scan.msk.u32 $0xffff, v53  }
0x3e: {  	[tilespmem:$0x450] =	vst v1  }
0x3f: {  	[tilespmem:$0x460] =	vst v1  }
0x40: {  	[tilespmem:$0x470] =	vst v1  }
0x41: {  	[tilespmem:$0x480] =	vst v1  }
0x42: {  	[tilespmem:s13+$0x0] =	vst.msk vm0, v0  }
0x43: {  	v54 =	vld [tilespmem:$0x10];
	v53, _, _ =	vpop (xrf0)  }
0x44: {  	(v2sf) =	vpush v53, $0xF;
	_ =	sdelay $0x3  }
0x45: {  	vm4 =	vge.f32 v54, v52  }
0x46: {  	v62 =	vmpcnt.ones.xlane vm4;
	_ =	sdelay $0x1  }
0x47: {  	v53 =	vxor.u32 $0x80000000, v62  }
0x48: {  	(xrf0) =	vmax.scan.msk.u32 $0xffff, v53;
	_ =	sdelay $0x5  }
0x49: {  	v53, _, _ =	vpop (xrf0)  }
0x4a: {  	s9 =	spop (v2sf);
	(v2sf) =	vpush v53, $0xF  }
0x4b: {  	s0 =	sxor.u32 $0x80000000, s9  }
0x4c: {  	p0 =	slt.s32 s0, $0x80  }
0x4d: {  	s0 =	simm.s32 @!p0 $0x80  }
0x4e: {  	[tilespmem:s0+$0x400] =	vst.msk vm4, v2  }
0x4f: {  	v63 =	vld [tilespmem:$0x20];
	_ =	sdelay $0x4  }
0x50: {  	vm5 =	vge.f32 v63, v52  }
0x51: {  	v53 =	vmpcnt.ones.xlane vm5;
	_ =	sdelay $0x1  }
0x52: {  	v53 =	vxor.u32 $0x80000000, v53  }
0x53: {  	(xrf0) =	vmax.scan.msk.u32 $0xffff, v53  }
0x54: {  	s10 =	spop (v2sf)  }
0x55: {  	s0 =	sadd.s32 s10, s0  }
0x56: {  	s0 =	sadd.s32 $0x80000000, s0  }
0x57: {  	p0 =	slt.s32 s0, $0x80  }
0x58: {  	s0 =	simm.s32 @!p0 $0x80  }
0x59: {  	[tilespmem:s0+$0x400] =	vst.msk vm5, v3;
	v53, _, _ =	vpop (xrf0)  }
0x5a: {  	(v2sf) =	vpush v53, $0xF;
	v56 =	vld [tilespmem:$0x30];
	_ =	sdelay $0x4  }
0x5b: {  	vm6 =	vge.f32 v56, v52  }
0x5c: {  	v53 =	vmpcnt.ones.xlane vm6;
	_ =	sdelay $0x1  }
0x5d: {  	v53 =	vxor.u32 $0x80000000, v53  }
0x5e: {  	(xrf0) =	vmax.scan.msk.u32 $0xffff, v53;
	_ =	sdelay $0x5  }
0x5f: {  	s11 =	spop (v2sf);
	v53, _, _ =	vpop (xrf0)  }
0x60: {  	s0 =	sadd.s32 s11, s0;
	(v2sf) =	vpush v53, $0xF  }
0x61: {  	s23 =	sadd.s32 $0x80000000, s0  }
0x62: {  	p0 =	slt.s32 s23, $0x80  }
0x63: {  	s23 =	simm.s32 @!p0 $0x80  }
0x64: {  	[tilespmem:s23+$0x400] =	vst.msk vm6, v4  }
0x65: {  	v57 =	vld [tilespmem:$0x40];
	_ =	sdelay $0x4  }
0x66: {  	vm7 =	vge.f32 v57, v52  }
0x67: {  	v53 =	vmpcnt.ones.xlane vm7;
	_ =	sdelay $0x1  }
0x68: {  	v53 =	vxor.u32 $0x80000000, v53  }
0x69: {  	(xrf0) =	vmax.scan.msk.u32 $0xffff, v53  }
0x6a: {  	s12 =	spop (v2sf)  }
0x6b: {  	s0 =	sadd.s32 s12, s23  }
0x6c: {  	s0 =	sadd.s32 $0x80000000, s0  }
0x6d: {  	p0 =	slt.s32 s0, $0x80  }
0x6e: {  	s0 =	simm.s32 @!p0 $0x80  }
0x6f: {  	[tilespmem:s0+$0x400] =	vst.msk vm7, v5;
	v53, _, _ =	vpop (xrf0)  }
0x70: {  	(v2sf) =	vpush v53, $0xF;
	v58 =	vld [tilespmem:$0x50];
	_ =	sdelay $0x4  }
0x71: {  	vm8 =	vge.f32 v58, v52  }
0x72: {  	v53 =	vmpcnt.ones.xlane vm8;
	_ =	sdelay $0x1  }
0x73: {  	v53 =	vxor.u32 $0x80000000, v53  }
0x74: {  	(xrf0) =	vmax.scan.msk.u32 $0xffff, v53;
	_ =	sdelay $0x5  }
0x75: {  	s14 =	spop (v2sf);
	v53, _, _ =	vpop (xrf0)  }
0x76: {  	s0 =	sadd.s32 s14, s0;
	(v2sf) =	vpush v53, $0xF  }
0x77: {  	s0 =	sadd.s32 $0x80000000, s0  }
0x78: {  	p0 =	slt.s32 s0, $0x80  }
0x79: {  	s0 =	simm.s32 @!p0 $0x80  }
0x7a: {  	[tilespmem:s0+$0x400] =	vst.msk vm8, v6  }
0x7b: {  	v59 =	vld [tilespmem:$0x60];
	_ =	sdelay $0x4  }
0x7c: {  	vm9 =	vge.f32 v59, v52  }
0x7d: {  	v53 =	vmpcnt.ones.xlane vm9;
	_ =	sdelay $0x1  }
0x7e: {  	v53 =	vxor.u32 $0x80000000, v53  }
0x7f: {  	(xrf0) =	vmax.scan.msk.u32 $0xffff, v53  }
0x80: {  	s17 =	spop (v2sf)  }
0x81: {  	s0 =	sadd.s32 s17, s0  }
0x82: {  	s0 =	sadd.s32 $0x80000000, s0  }
0x83: {  	p0 =	slt.s32 s0, $0x80  }
0x84: {  	s0 =	simm.s32 @!p0 $0x80  }
0x85: {  	[tilespmem:s0+$0x400] =	vst.msk vm9, v7;
	v53, _, _ =	vpop (xrf0)  }
0x86: {  	(v2sf) =	vpush v53, $0xF;
	v60 =	vld [tilespmem:$0x70];
	_ =	sdelay $0x4  }
0x87: {  	vm10 =	vge.f32 v60, v52  }
0x88: {  	v53 =	vmpcnt.ones.xlane vm10;
	_ =	sdelay $0x1  }
0x89: {  	v53 =	vxor.u32 $0x80000000, v53  }
0x8a: {  	(xrf0) =	vmax.scan.msk.u32 $0xffff, v53;
	_ =	sdelay $0x5  }
0x8b: {  	s18 =	spop (v2sf);
	v53, _, _ =	vpop (xrf0)  }
0x8c: {  	s0 =	sadd.s32 s18, s0;
	(v2sf) =	vpush v53, $0xF  }
0x8d: {  	s0 =	sadd.s32 $0x80000000, s0  }
0x8e: {  	p0 =	slt.s32 s0, $0x80  }
0x8f: {  	s0 =	simm.s32 @!p0 $0x80  }
0x90: {  	[tilespmem:s0+$0x400] =	vst.msk vm10, v8  }
0x91: {  	v61 =	vld [tilespmem:$0x80];
	_ =	sdelay $0x4  }
0x92: {  	vm11 =	vge.f32 v61, v52  }
0x93: {  	v53 =	vmpcnt.ones.xlane vm11;
	_ =	sdelay $0x1  }
0x94: {  	v53 =	vxor.u32 $0x80000000, v53  }
0x95: {  	(xrf0) =	vmax.scan.msk.u32 $0xffff, v53  }
0x96: {  	s19 =	spop (v2sf)  }
0x97: {  	s0 =	sadd.s32 s19, s0  }
0x98: {  	s0 =	sadd.s32 $0x80000000, s0  }
0x99: {  	p0 =	slt.s32 s0, $0x80  }
0x9a: {  	s0 =	simm.s32 @!p0 $0x80  }
0x9b: {  	[tilespmem:s0+$0x400] =	vst.msk vm11, v9;
	v53, _, _ =	vpop (xrf0)  }
0x9c: {  	(v2sf) =	vpush v53, $0xF;
	v62 =	vld [tilespmem:$0x90];
	_ =	sdelay $0x4  }
0x9d: {  	vm12 =	vge.f32 v62, v52  }
0x9e: {  	v53 =	vmpcnt.ones.xlane vm12;
	_ =	sdelay $0x1  }
0x9f: {  	v53 =	vxor.u32 $0x80000000, v53  }
0xa0: {  	(xrf0) =	vmax.scan.msk.u32 $0xffff, v53;
	_ =	sdelay $0x5  }
0xa1: {  	s21 =	spop (v2sf);
	v53, _, _ =	vpop (xrf0)  }
0xa2: {  	s0 =	sadd.s32 s21, s0;
	(v2sf) =	vpush v53, $0xF  }
0xa3: {  	s0 =	sadd.s32 $0x80000000, s0  }
0xa4: {  	p0 =	slt.s32 s0, $0x80  }
0xa5: {  	s0 =	simm.s32 @!p0 $0x80  }
0xa6: {  	[tilespmem:s0+$0x400] =	vst.msk vm12, v10  }
0xa7: {  	v63 =	vld [tilespmem:$0xA0];
	_ =	sdelay $0x4  }
0xa8: {  	vm13 =	vge.f32 v63, v52  }
0xa9: {  	v53 =	vmpcnt.ones.xlane vm13;
	_ =	sdelay $0x1  }
0xaa: {  	v53 =	vxor.u32 $0x80000000, v53  }
0xab: {  	(xrf0) =	vmax.scan.msk.u32 $0xffff, v53  }
0xac: {  	s22 =	spop (v2sf)  }
0xad: {  	s0 =	sadd.s32 s22, s0  }
0xae: {  	s0 =	sadd.s32 $0x80000000, s0  }
0xaf: {  	p0 =	slt.s32 s0, $0x80  }
0xb0: {  	s0 =	simm.s32 @!p0 $0x80  }
0xb1: {  	[tilespmem:s0+$0x400] =	vst.msk vm13, v11;
	v53, _, _ =	vpop (xrf0)  }
0xb2: {  	(v2sf) =	vpush v53, $0xF;
	v56 =	vld [tilespmem:$0xB0];
	_ =	sdelay $0x4  }
0xb3: {  	vm14 =	vge.f32 v56, v52  }
0xb4: {  	v53 =	vmpcnt.ones.xlane vm14;
	_ =	sdelay $0x1  }
0xb5: {  	v53 =	vxor.u32 $0x80000000, v53  }
0xb6: {  	(xrf0) =	vmax.scan.msk.u32 $0xffff, v53;
	_ =	sdelay $0x5  }
0xb7: {  	s24 =	spop (v2sf);
	v53, _, _ =	vpop (xrf0)  }
0xb8: {  	s0 =	sadd.s32 s24, s0;
	(v2sf) =	vpush v53, $0xF  }
0xb9: {  	s0 =	sadd.s32 $0x80000000, s0  }
0xba: {  	p0 =	slt.s32 s0, $0x80  }
0xbb: {  	s0 =	simm.s32 @!p0 $0x80  }
0xbc: {  	[tilespmem:s0+$0x400] =	vst.msk vm14, v12  }
0xbd: {  	v57 =	vld [tilespmem:$0xC0];
	_ =	sdelay $0x4  }
0xbe: {  	vm15 =	vge.f32 v57, v52  }
0xbf: {  	v53 =	vmpcnt.ones.xlane vm15;
	_ =	sdelay $0x1  }
0xc0: {  	v53 =	vxor.u32 $0x80000000, v53  }
0xc1: {  	(xrf0) =	vmax.scan.msk.u32 $0xffff, v53  }
0xc2: {  	s25 =	spop (v2sf)  }
0xc3: {  	s0 =	sadd.s32 s25, s0  }
0xc4: {  	s0 =	sadd.s32 $0x80000000, s0  }
0xc5: {  	p0 =	slt.s32 s0, $0x80  }
0xc6: {  	s0 =	simm.s32 @!p0 $0x80  }
0xc7: {  	[tilespmem:s0+$0x400] =	vst.msk vm15, v13;
	v53, _, _ =	vpop (xrf0)  }
0xc8: {  	(v2sf) =	vpush v53, $0xF;
	v58 =	vld [tilespmem:$0xD0];
	_ =	sdelay $0x4  }
0xc9: {  	vm4 =	vge.f32 v58, v52  }
0xca: {  	v53 =	vmpcnt.ones.xlane vm4;
	_ =	sdelay $0x1  }
0xcb: {  	v53 =	vxor.u32 $0x80000000, v53  }
0xcc: {  	(xrf0) =	vmax.scan.msk.u32 $0xffff, v53;
	_ =	sdelay $0x5  }
0xcd: {  	s26 =	spop (v2sf);
	v53, _, _ =	vpop (xrf0)  }
0xce: {  	s0 =	sadd.s32 s26, s0;
	(v2sf) =	vpush v53, $0xF  }
0xcf: {  	s0 =	sadd.s32 $0x80000000, s0  }
0xd0: {  	p0 =	slt.s32 s0, $0x80  }
0xd1: {  	s0 =	simm.s32 @!p0 $0x80  }
0xd2: {  	[tilespmem:s0+$0x400] =	vst.msk vm4, v14  }
0xd3: {  	v59 =	vld [tilespmem:$0xE0];
	_ =	sdelay $0x4  }
0xd4: {  	vm5 =	vge.f32 v59, v52  }
0xd5: {  	v53 =	vmpcnt.ones.xlane vm5;
	_ =	sdelay $0x1  }
0xd6: {  	v53 =	vxor.u32 $0x80000000, v53  }
0xd7: {  	(xrf0) =	vmax.scan.msk.u32 $0xffff, v53  }
0xd8: {  	s2 =	spop (v2sf)  }
0xd9: {  	s0 =	sadd.s32 s2, s0  }
0xda: {  	s0 =	sadd.s32 $0x80000000, s0  }
0xdb: {  	p0 =	slt.s32 s0, $0x80  }
0xdc: {  	s0 =	simm.s32 @!p0 $0x80  }
0xdd: {  	[tilespmem:s0+$0x400] =	vst.msk vm5, v15;
	v53, _, _ =	vpop (xrf0)  }
0xde: {  	(v2sf) =	vpush v53, $0xF;
	v60 =	vld [tilespmem:$0xF0];
	_ =	sdelay $0x4  }
0xdf: {  	vm6 =	vge.f32 v60, v52  }
0xe0: {  	v53 =	vmpcnt.ones.xlane vm6;
	_ =	sdelay $0x1  }
0xe1: {  	v53 =	vxor.u32 $0x80000000, v53  }
0xe2: {  	(xrf0) =	vmax.scan.msk.u32 $0xffff, v53;
	_ =	sdelay $0x5  }
0xe3: {  	s3 =	spop (v2sf);
	v53, _, _ =	vpop (xrf0)  }
0xe4: {  	s0 =	sadd.s32 s3, s0;
	(v2sf) =	vpush v53, $0xF  }
0xe5: {  	s0 =	sadd.s32 $0x80000000, s0  }
0xe6: {  	p0 =	slt.s32 s0, $0x80  }
0xe7: {  	s0 =	simm.s32 @!p0 $0x80  }
0xe8: {  	[tilespmem:s0+$0x400] =	vst.msk vm6, v16  }
0xe9: {  	v61 =	vld [tilespmem:$0x100];
	_ =	sdelay $0x4  }
0xea: {  	vm7 =	vge.f32 v61, v52  }
0xeb: {  	v53 =	vmpcnt.ones.xlane vm7;
	_ =	sdelay $0x1  }
0xec: {  	v53 =	vxor.u32 $0x80000000, v53  }
0xed: {  	(xrf0) =	vmax.scan.msk.u32 $0xffff, v53  }
0xee: {  	s4 =	spop (v2sf)  }
0xef: {  	s0 =	sadd.s32 s4, s0  }
0xf0: {  	s0 =	sadd.s32 $0x80000000, s0  }
0xf1: {  	p0 =	slt.s32 s0, $0x80  }
0xf2: {  	s0 =	simm.s32 @!p0 $0x80  }
0xf3: {  	[tilespmem:s0+$0x400] =	vst.msk vm7, v17;
	v53, _, _ =	vpop (xrf0)  }
0xf4: {  	(v2sf) =	vpush v53, $0xF;
	v62 =	vld [tilespmem:$0x110];
	_ =	sdelay $0x4  }
0xf5: {  	vm8 =	vge.f32 v62, v52  }
0xf6: {  	v53 =	vmpcnt.ones.xlane vm8;
	_ =	sdelay $0x1  }
0xf7: {  	v53 =	vxor.u32 $0x80000000, v53  }
0xf8: {  	(xrf0) =	vmax.scan.msk.u32 $0xffff, v53;
	_ =	sdelay $0x5  }
0xf9: {  	s5 =	spop (v2sf);
	v53, _, _ =	vpop (xrf0)  }
0xfa: {  	s0 =	sadd.s32 s5, s0;
	(v2sf) =	vpush v53, $0xF  }
0xfb: {  	s0 =	sadd.s32 $0x80000000, s0  }
0xfc: {  	p0 =	slt.s32 s0, $0x80  }
0xfd: {  	s0 =	simm.s32 @!p0 $0x80  }
0xfe: {  	[tilespmem:s0+$0x400] =	vst.msk vm8, v18  }
0xff: {  	v63 =	vld [tilespmem:$0x120];
	_ =	sdelay $0x4  }
0x100: {  	vm9 =	vge.f32 v63, v52  }
0x101: {  	v53 =	vmpcnt.ones.xlane vm9;
	_ =	sdelay $0x1  }
0x102: {  	v53 =	vxor.u32 $0x80000000, v53  }
0x103: {  	(xrf0) =	vmax.scan.msk.u32 $0xffff, v53  }
0x104: {  	s6 =	spop (v2sf)  }
0x105: {  	s0 =	sadd.s32 s6, s0  }
0x106: {  	s0 =	sadd.s32 $0x80000000, s0  }
0x107: {  	p0 =	slt.s32 s0, $0x80  }
0x108: {  	s0 =	simm.s32 @!p0 $0x80  }
0x109: {  	[tilespmem:s0+$0x400] =	vst.msk vm9, v19;
	v53, _, _ =	vpop (xrf0)  }
0x10a: {  	(v2sf) =	vpush v53, $0xF;
	v56 =	vld [tilespmem:$0x130];
	_ =	sdelay $0x4  }
0x10b: {  	vm10 =	vge.f32 v56, v52  }
0x10c: {  	v53 =	vmpcnt.ones.xlane vm10;
	_ =	sdelay $0x1  }
0x10d: {  	v53 =	vxor.u32 $0x80000000, v53  }
0x10e: {  	(xrf0) =	vmax.scan.msk.u32 $0xffff, v53;
	_ =	sdelay $0x5  }
0x10f: {  	s7 =	spop (v2sf);
	v53, _, _ =	vpop (xrf0)  }
0x110: {  	s0 =	sadd.s32 s7, s0;
	(v2sf) =	vpush v53, $0xF  }
0x111: {  	s0 =	sadd.s32 $0x80000000, s0  }
0x112: {  	p0 =	slt.s32 s0, $0x80  }
0x113: {  	s0 =	simm.s32 @!p0 $0x80  }
0x114: {  	[tilespmem:s0+$0x400] =	vst.msk vm10, v20  }
0x115: {  	v57 =	vld [tilespmem:$0x140];
	_ =	sdelay $0x4  }
0x116: {  	vm11 =	vge.f32 v57, v52  }
0x117: {  	v53 =	vmpcnt.ones.xlane vm11;
	_ =	sdelay $0x1  }
0x118: {  	v53 =	vxor.u32 $0x80000000, v53  }
0x119: {  	(xrf0) =	vmax.scan.msk.u32 $0xffff, v53  }
0x11a: {  	s8 =	spop (v2sf)  }
0x11b: {  	s0 =	sadd.s32 s8, s0  }
0x11c: {  	s0 =	sadd.s32 $0x80000000, s0  }
0x11d: {  	p0 =	slt.s32 s0, $0x80  }
0x11e: {  	s0 =	simm.s32 @!p0 $0x80  }
0x11f: {  	[tilespmem:s0+$0x400] =	vst.msk vm11, v21;
	v53, _, _ =	vpop (xrf0)  }
0x120: {  	(v2sf) =	vpush v53, $0xF;
	v58 =	vld [tilespmem:$0x150];
	_ =	sdelay $0x4  }
0x121: {  	vm12 =	vge.f32 v58, v52  }
0x122: {  	v53 =	vmpcnt.ones.xlane vm12;
	_ =	sdelay $0x1  }
0x123: {  	v53 =	vxor.u32 $0x80000000, v53  }
0x124: {  	(xrf0) =	vmax.scan.msk.u32 $0xffff, v53;
	_ =	sdelay $0x5  }
0x125: {  	s9 =	spop (v2sf);
	v53, _, _ =	vpop (xrf0)  }
0x126: {  	s0 =	sadd.s32 s9, s0;
	(v2sf) =	vpush v53, $0xF  }
0x127: {  	s0 =	sadd.s32 $0x80000000, s0  }
0x128: {  	p0 =	slt.s32 s0, $0x80  }
0x129: {  	s0 =	simm.s32 @!p0 $0x80  }
0x12a: {  	[tilespmem:s0+$0x400] =	vst.msk vm12, v22  }
0x12b: {  	v59 =	vld [tilespmem:$0x160];
	_ =	sdelay $0x4  }
0x12c: {  	vm13 =	vge.f32 v59, v52  }
0x12d: {  	v53 =	vmpcnt.ones.xlane vm13;
	_ =	sdelay $0x1  }
0x12e: {  	v53 =	vxor.u32 $0x80000000, v53  }
0x12f: {  	(xrf0) =	vmax.scan.msk.u32 $0xffff, v53  }
0x130: {  	s10 =	spop (v2sf)  }
0x131: {  	s0 =	sadd.s32 s10, s0  }
0x132: {  	s0 =	sadd.s32 $0x80000000, s0  }
0x133: {  	p0 =	slt.s32 s0, $0x80  }
0x134: {  	s0 =	simm.s32 @!p0 $0x80  }
0x135: {  	[tilespmem:s0+$0x400] =	vst.msk vm13, v23;
	v53, _, _ =	vpop (xrf0)  }
0x136: {  	(v2sf) =	vpush v53, $0xF;
	v60 =	vld [tilespmem:$0x170];
	_ =	sdelay $0x4  }
0x137: {  	vm14 =	vge.f32 v60, v52  }
0x138: {  	v53 =	vmpcnt.ones.xlane vm14;
	_ =	sdelay $0x1  }
0x139: {  	v53 =	vxor.u32 $0x80000000, v53  }
0x13a: {  	(xrf0) =	vmax.scan.msk.u32 $0xffff, v53;
	_ =	sdelay $0x5  }
0x13b: {  	s11 =	spop (v2sf);
	v53, _, _ =	vpop (xrf0)  }
0x13c: {  	s0 =	sadd.s32 s11, s0;
	(v2sf) =	vpush v53, $0xF  }
0x13d: {  	s0 =	sadd.s32 $0x80000000, s0  }
0x13e: {  	p0 =	slt.s32 s0, $0x80  }
0x13f: {  	s0 =	simm.s32 @!p0 $0x80  }
0x140: {  	[tilespmem:s0+$0x400] =	vst.msk vm14, v24  }
0x141: {  	v61 =	vld [tilespmem:$0x180];
	_ =	sdelay $0x4  }
0x142: {  	vm15 =	vge.f32 v61, v52  }
0x143: {  	v53 =	vmpcnt.ones.xlane vm15;
	_ =	sdelay $0x1  }
0x144: {  	v53 =	vxor.u32 $0x80000000, v53  }
0x145: {  	(xrf0) =	vmax.scan.msk.u32 $0xffff, v53  }
0x146: {  	[dreg:$0xe] =	wrdreg s12;
	s12 =	spop (v2sf)  }
0x147: {  	s0 =	sadd.s32 s12, s0  }
0x148: {  	s0 =	sadd.s32 $0x80000000, s0  }
0x149: {  	p0 =	slt.s32 s0, $0x80  }
0x14a: {  	s0 =	simm.s32 @!p0 $0x80  }
0x14b: {  	[tilespmem:s0+$0x400] =	vst.msk vm15, v25;
	v53, _, _ =	vpop (xrf0)  }
0x14c: {  	(v2sf) =	vpush v53, $0xF;
	v62 =	vld [tilespmem:$0x190];
	_ =	sdelay $0x4  }
0x14d: {  	vm4 =	vge.f32 v62, v52  }
0x14e: {  	v53 =	vmpcnt.ones.xlane vm4;
	_ =	sdelay $0x1  }
0x14f: {  	v53 =	vxor.u32 $0x80000000, v53  }
0x150: {  	(xrf0) =	vmax.scan.msk.u32 $0xffff, v53;
	_ =	sdelay $0x5  }
0x151: {  	[dreg:$0xf] =	wrdreg s14;
	v53, _, _ =	vpop (xrf0);
	s14 =	spop (v2sf)  }
0x152: {  	s0 =	sadd.s32 s14, s0;
	(v2sf) =	vpush v53, $0xF  }
0x153: {  	s0 =	sadd.s32 $0x80000000, s0  }
0x154: {  	p0 =	slt.s32 s0, $0x80  }
0x155: {  	s0 =	simm.s32 @!p0 $0x80  }
0x156: {  	[tilespmem:s0+$0x400] =	vst.msk vm4, v26  }
0x157: {  	v63 =	vld [tilespmem:$0x1A0];
	_ =	sdelay $0x4  }
0x158: {  	vm5 =	vge.f32 v63, v52  }
0x159: {  	v53 =	vmpcnt.ones.xlane vm5;
	_ =	sdelay $0x1  }
0x15a: {  	v53 =	vxor.u32 $0x80000000, v53  }
0x15b: {  	(xrf0) =	vmax.scan.msk.u32 $0xffff, v53  }
0x15c: {  	[smem:$0x7FC] =	sst s12;
	s12 =	spop (v2sf)  }
0x15d: {  	s0 =	sadd.s32 s12, s0  }
0x15e: {  	s0 =	sadd.s32 $0x80000000, s0  }
0x15f: {  	p0 =	slt.s32 s0, $0x80  }
0x160: {  	s0 =	simm.s32 @!p0 $0x80  }
0x161: {  	[tilespmem:s0+$0x400] =	vst.msk vm5, v27;
	v53, _, _ =	vpop (xrf0)  }
0x162: {  	(v2sf) =	vpush v53, $0xF;
	v56 =	vld [tilespmem:$0x1B0];
	_ =	sdelay $0x4  }
0x163: {  	vm6 =	vge.f32 v56, v52  }
0x164: {  	v53 =	vmpcnt.ones.xlane vm6;
	_ =	sdelay $0x1  }
0x165: {  	v53 =	vxor.u32 $0x80000000, v53  }
0x166: {  	(xrf0) =	vmax.scan.msk.u32 $0xffff, v53;
	_ =	sdelay $0x5  }
0x167: {  	[dreg:$0x13] =	wrdreg s21;
	v53, _, _ =	vpop (xrf0);
	s21 =	spop (v2sf)  }
0x168: {  	s0 =	sadd.s32 s21, s0;
	(v2sf) =	vpush v53, $0xF  }
0x169: {  	s0 =	sadd.s32 $0x80000000, s0  }
0x16a: {  	p0 =	slt.s32 s0, $0x80  }
0x16b: {  	s0 =	simm.s32 @!p0 $0x80  }
0x16c: {  	[tilespmem:s0+$0x400] =	vst.msk vm6, v28  }
0x16d: {  	v57 =	vld [tilespmem:$0x1C0];
	_ =	sdelay $0x4  }
0x16e: {  	vm7 =	vge.f32 v57, v52  }
0x16f: {  	v53 =	vmpcnt.ones.xlane vm7;
	_ =	sdelay $0x1  }
0x170: {  	v53 =	vxor.u32 $0x80000000, v53  }
0x171: {  	(xrf0) =	vmax.scan.msk.u32 $0xffff, v53  }
0x172: {  	[dreg:$0x14] =	wrdreg s22;
	s22 =	spop (v2sf)  }
0x173: {  	s0 =	sadd.s32 s22, s0  }
0x174: {  	s0 =	sadd.s32 $0x80000000, s0  }
0x175: {  	p0 =	slt.s32 s0, $0x80  }
0x176: {  	s0 =	simm.s32 @!p0 $0x80  }
0x177: {  	[tilespmem:s0+$0x400] =	vst.msk vm7, v29;
	v53, _, _ =	vpop (xrf0)  }
0x178: {  	(v2sf) =	vpush v53, $0xF;
	v58 =	vld [tilespmem:$0x1D0];
	_ =	sdelay $0x4  }
0x179: {  	vm8 =	vge.f32 v58, v52  }
0x17a: {  	v53 =	vmpcnt.ones.xlane vm8;
	_ =	sdelay $0x1  }
0x17b: {  	v53 =	vxor.u32 $0x80000000, v53  }
0x17c: {  	(xrf0) =	vmax.scan.msk.u32 $0xffff, v53;
	_ =	sdelay $0x5  }
0x17d: {  	[dreg:$0x16] =	wrdreg s25;
	v53, _, _ =	vpop (xrf0);
	s25 =	spop (v2sf)  }
0x17e: {  	s0 =	sadd.s32 s25, s0;
	(v2sf) =	vpush v53, $0xF  }
0x17f: {  	s0 =	sadd.s32 $0x80000000, s0  }
0x180: {  	p0 =	slt.s32 s0, $0x80  }
0x181: {  	s0 =	simm.s32 @!p0 $0x80  }
0x182: {  	[tilespmem:s0+$0x400] =	vst.msk vm8, v30  }
0x183: {  	v59 =	vld [tilespmem:$0x1E0];
	_ =	sdelay $0x4  }
0x184: {  	vm9 =	vge.f32 v59, v52  }
0x185: {  	v53 =	vmpcnt.ones.xlane vm9;
	_ =	sdelay $0x1  }
0x186: {  	v53 =	vxor.u32 $0x80000000, v53  }
0x187: {  	(xrf0) =	vmax.scan.msk.u32 $0xffff, v53  }
0x188: {  	[dreg:$0x17] =	wrdreg s26;
	s26 =	spop (v2sf)  }
0x189: {  	s0 =	sadd.s32 s26, s0  }
0x18a: {  	s0 =	sadd.s32 $0x80000000, s0  }
0x18b: {  	p0 =	slt.s32 s0, $0x80  }
0x18c: {  	s0 =	simm.s32 @!p0 $0x80  }
0x18d: {  	[tilespmem:s0+$0x400] =	vst.msk vm9, v31;
	v53, _, _ =	vpop (xrf0)  }
0x18e: {  	(v2sf) =	vpush v53, $0xF;
	v60 =	vld [tilespmem:$0x1F0];
	_ =	sdelay $0x4  }
0x18f: {  	vm10 =	vge.f32 v60, v52  }
0x190: {  	v53 =	vmpcnt.ones.xlane vm10;
	_ =	sdelay $0x1  }
0x191: {  	v53 =	vxor.u32 $0x80000000, v53  }
0x192: {  	(xrf0) =	vmax.scan.msk.u32 $0xffff, v53;
	_ =	sdelay $0x5  }
0x193: {  	v53, _, _ =	vpop (xrf0);
	s28 =	spop (v2sf)  }
0x194: {  	s0 =	sadd.s32 s28, s0;
	(v2sf) =	vpush v53, $0xF  }
0x195: {  	s0 =	sadd.s32 $0x80000000, s0  }
0x196: {  	p0 =	slt.s32 s0, $0x80  }
0x197: {  	s0 =	simm.s32 @!p0 $0x80  }
0x198: {  	[tilespmem:s0+$0x400] =	vst.msk vm10, v32  }
0x199: {  	v61 =	vld [tilespmem:$0x200];
	_ =	sdelay $0x4  }
0x19a: {  	vm11 =	vge.f32 v61, v52  }
0x19b: {  	v53 =	vmpcnt.ones.xlane vm11;
	_ =	sdelay $0x1  }
0x19c: {  	v53 =	vxor.u32 $0x80000000, v53  }
0x19d: {  	(xrf0) =	vmax.scan.msk.u32 $0xffff, v53  }
0x19e: {  	s29 =	spop (v2sf)  }
0x19f: {  	s0 =	sadd.s32 s29, s0  }
0x1a0: {  	s0 =	sadd.s32 $0x80000000, s0  }
0x1a1: {  	p0 =	slt.s32 s0, $0x80  }
0x1a2: {  	s0 =	simm.s32 @!p0 $0x80  }
0x1a3: {  	[tilespmem:s0+$0x400] =	vst.msk vm11, v33;
	v53, _, _ =	vpop (xrf0)  }
0x1a4: {  	(v2sf) =	vpush v53, $0xF;
	v62 =	vld [tilespmem:$0x210];
	_ =	sdelay $0x4  }
0x1a5: {  	vm12 =	vge.f32 v62, v52  }
0x1a6: {  	v53 =	vmpcnt.ones.xlane vm12;
	_ =	sdelay $0x1  }
0x1a7: {  	v53 =	vxor.u32 $0x80000000, v53  }
0x1a8: {  	(xrf0) =	vmax.scan.msk.u32 $0xffff, v53;
	_ =	sdelay $0x5  }
0x1a9: {  	[smem:$0x7FB] =	sst s11;
	v53, _, _ =	vpop (xrf0);
	s11 =	spop (v2sf)  }
0x1aa: {  	s0 =	sadd.s32 s11, s0;
	(v2sf) =	vpush v53, $0xF  }
0x1ab: {  	s0 =	sadd.s32 $0x80000000, s0  }
0x1ac: {  	p0 =	slt.s32 s0, $0x80  }
0x1ad: {  	s0 =	simm.s32 @!p0 $0x80  }
0x1ae: {  	[tilespmem:s0+$0x400] =	vst.msk vm12, v34  }
0x1af: {  	v63 =	vld [tilespmem:$0x220];
	_ =	sdelay $0x4  }
0x1b0: {  	vm13 =	vge.f32 v63, v52  }
0x1b1: {  	v53 =	vmpcnt.ones.xlane vm13;
	_ =	sdelay $0x1  }
0x1b2: {  	v53 =	vxor.u32 $0x80000000, v53  }
0x1b3: {  	(xrf0) =	vmax.scan.msk.u32 $0xffff, v53  }
0x1b4: {  	s30 =	spop (v2sf)  }
0x1b5: {  	s0 =	sadd.s32 s30, s0  }
0x1b6: {  	s0 =	sadd.s32 $0x80000000, s0  }
0x1b7: {  	p0 =	slt.s32 s0, $0x80  }
0x1b8: {  	s0 =	simm.s32 @!p0 $0x80  }
0x1b9: {  	[tilespmem:s0+$0x400] =	vst.msk vm13, v35;
	v53, _, _ =	vpop (xrf0)  }
0x1ba: {  	(v2sf) =	vpush v53, $0xF;
	v56 =	vld [tilespmem:$0x230];
	_ =	sdelay $0x4  }
0x1bb: {  	vm14 =	vge.f32 v56, v52  }
0x1bc: {  	v53 =	vmpcnt.ones.xlane vm14;
	_ =	sdelay $0x1  }
0x1bd: {  	v53 =	vxor.u32 $0x80000000, v53  }
0x1be: {  	(xrf0) =	vmax.scan.msk.u32 $0xffff, v53;
	_ =	sdelay $0x5  }
0x1bf: {  	v53, _, _ =	vpop (xrf0);
	s31 =	spop (v2sf)  }
0x1c0: {  	s0 =	sadd.s32 s31, s0;
	(v2sf) =	vpush v53, $0xF  }
0x1c1: {  	s0 =	sadd.s32 $0x80000000, s0  }
0x1c2: {  	p0 =	slt.s32 s0, $0x80  }
0x1c3: {  	s0 =	simm.s32 @!p0 $0x80  }
0x1c4: {  	[tilespmem:s0+$0x400] =	vst.msk vm14, v36  }
0x1c5: {  	v57 =	vld [tilespmem:$0x240];
	_ =	sdelay $0x4  }
0x1c6: {  	vm15 =	vge.f32 v57, v52  }
0x1c7: {  	v53 =	vmpcnt.ones.xlane vm15;
	_ =	sdelay $0x1  }
0x1c8: {  	v53 =	vxor.u32 $0x80000000, v53  }
0x1c9: {  	(xrf0) =	vmax.scan.msk.u32 $0xffff, v53  }
0x1ca: {  	s1 =	spop (v2sf)  }
0x1cb: {  	s0 =	sadd.s32 s1, s0  }
0x1cc: {  	s0 =	sadd.s32 $0x80000000, s0  }
0x1cd: {  	p0 =	slt.s32 s0, $0x80  }
0x1ce: {  	s0 =	simm.s32 @!p0 $0x80  }
0x1cf: {  	[tilespmem:s0+$0x400] =	vst.msk vm15, v37;
	v53, _, _ =	vpop (xrf0)  }
0x1d0: {  	(v2sf) =	vpush v53, $0xF;
	v58 =	vld [tilespmem:$0x250];
	_ =	sdelay $0x4  }
0x1d1: {  	vm4 =	vge.f32 v58, v52  }
0x1d2: {  	v53 =	vmpcnt.ones.xlane vm4;
	_ =	sdelay $0x1  }
0x1d3: {  	v53 =	vxor.u32 $0x80000000, v53  }
0x1d4: {  	(xrf0) =	vmax.scan.msk.u32 $0xffff, v53;
	_ =	sdelay $0x5  }
0x1d5: {  	[dreg:$0x19] =	wrdreg s3;
	v53, _, _ =	vpop (xrf0);
	s3 =	spop (v2sf)  }
0x1d6: {  	s0 =	sadd.s32 s3, s0;
	(v2sf) =	vpush v53, $0xF  }
0x1d7: {  	s0 =	sadd.s32 $0x80000000, s0  }
0x1d8: {  	p0 =	slt.s32 s0, $0x80  }
0x1d9: {  	s0 =	simm.s32 @!p0 $0x80  }
0x1da: {  	[tilespmem:s0+$0x400] =	vst.msk vm4, v38  }
0x1db: {  	v59 =	vld [tilespmem:$0x260];
	_ =	sdelay $0x4  }
0x1dc: {  	vm5 =	vge.f32 v59, v52  }
0x1dd: {  	v53 =	vmpcnt.ones.xlane vm5;
	_ =	sdelay $0x1  }
0x1de: {  	v53 =	vxor.u32 $0x80000000, v53  }
0x1df: {  	(xrf0) =	vmax.scan.msk.u32 $0xffff, v53  }
0x1e0: {  	[dreg:$0x1e] =	wrdreg s8;
	s8 =	spop (v2sf)  }
0x1e1: {  	s0 =	sadd.s32 s8, s0  }
0x1e2: {  	s0 =	sadd.s32 $0x80000000, s0  }
0x1e3: {  	p0 =	slt.s32 s0, $0x80  }
0x1e4: {  	s0 =	simm.s32 @!p0 $0x80  }
0x1e5: {  	[tilespmem:s0+$0x400] =	vst.msk vm5, v39;
	v53, _, _ =	vpop (xrf0)  }
0x1e6: {  	(v2sf) =	vpush v53, $0xF;
	v60 =	vld [tilespmem:$0x270];
	_ =	sdelay $0x4  }
0x1e7: {  	vm6 =	vge.f32 v60, v52  }
0x1e8: {  	v53 =	vmpcnt.ones.xlane vm6;
	_ =	sdelay $0x1  }
0x1e9: {  	v53 =	vxor.u32 $0x80000000, v53  }
0x1ea: {  	(xrf0) =	vmax.scan.msk.u32 $0xffff, v53;
	_ =	sdelay $0x5  }
0x1eb: {  	[dreg:$0x15] =	wrdreg s24;
	v53, _, _ =	vpop (xrf0);
	s24 =	spop (v2sf)  }
0x1ec: {  	s0 =	sadd.s32 s24, s0;
	(v2sf) =	vpush v53, $0xF  }
0x1ed: {  	s0 =	sadd.s32 $0x80000000, s0  }
0x1ee: {  	p0 =	slt.s32 s0, $0x80  }
0x1ef: {  	s0 =	simm.s32 @!p0 $0x80  }
0x1f0: {  	[tilespmem:s0+$0x400] =	vst.msk vm6, v40  }
0x1f1: {  	v61 =	vld [tilespmem:$0x280];
	_ =	sdelay $0x4  }
0x1f2: {  	vm7 =	vge.f32 v61, v52  }
0x1f3: {  	v53 =	vmpcnt.ones.xlane vm7;
	_ =	sdelay $0x1  }
0x1f4: {  	v53 =	vxor.u32 $0x80000000, v53  }
0x1f5: {  	(xrf0) =	vmax.scan.msk.u32 $0xffff, v53  }
0x1f6: {  	[dreg:$0x1f] =	wrdreg s9;
	s9 =	spop (v2sf)  }
0x1f7: {  	s0 =	sadd.s32 s9, s0  }
0x1f8: {  	s0 =	sadd.s32 $0x80000000, s0  }
0x1f9: {  	p0 =	slt.s32 s0, $0x80  }
0x1fa: {  	s0 =	simm.s32 @!p0 $0x80  }
0x1fb: {  	[tilespmem:s0+$0x400] =	vst.msk vm7, v41;
	v53, _, _ =	vpop (xrf0)  }
0x1fc: {  	(v2sf) =	vpush v53, $0xF;
	v62 =	vld [tilespmem:$0x290];
	_ =	sdelay $0x4  }
0x1fd: {  	vm8 =	vge.f32 v62, v52  }
0x1fe: {  	v53 =	vmpcnt.ones.xlane vm8;
	_ =	sdelay $0x1  }
0x1ff: {  	v53 =	vxor.u32 $0x80000000, v53  }
0x200: {  	(xrf0) =	vmax.scan.msk.u32 $0xffff, v53;
	_ =	sdelay $0x5  }
0x201: {  	[dreg:$0x12] =	wrdreg s19;
	v53, _, _ =	vpop (xrf0);
	s19 =	spop (v2sf)  }
0x202: {  	s0 =	sadd.s32 s19, s0;
	(v2sf) =	vpush v53, $0xF  }
0x203: {  	[dreg:$0x18] =	wrdreg s2;
	s2 =	sadd.s32 $0x80000000, s0  }
0x204: {  	p0 =	slt.s32 s2, $0x80  }
0x205: {  	s2 =	simm.s32 @!p0 $0x80  }
0x206: {  	[tilespmem:s2+$0x400] =	vst.msk vm8, v42  }
0x207: {  	v63 =	vld [tilespmem:$0x2A0];
	_ =	sdelay $0x4  }
0x208: {  	vm9 =	vge.f32 v63, v52  }
0x209: {  	v53 =	vmpcnt.ones.xlane vm9;
	_ =	sdelay $0x1  }
0x20a: {  	v53 =	vxor.u32 $0x80000000, v53  }
0x20b: {  	(xrf0) =	vmax.scan.msk.u32 $0xffff, v53  }
0x20c: {  	s0 =	spop (v2sf)  }
0x20d: {  	s2 =	sadd.s32 s0, s2  }
0x20e: {  	[dreg:$0x1a] =	wrdreg s4;
	s4 =	sadd.s32 $0x80000000, s2  }
0x20f: {  	p0 =	slt.s32 s4, $0x80  }
0x210: {  	s4 =	simm.s32 @!p0 $0x80  }
0x211: {  	[tilespmem:s4+$0x400] =	vst.msk vm9, v43;
	v53, _, _ =	vpop (xrf0)  }
0x212: {  	(v2sf) =	vpush v53, $0xF;
	v56 =	vld [tilespmem:$0x2B0];
	_ =	sdelay $0x4  }
0x213: {  	vm10 =	vge.f32 v56, v52  }
0x214: {  	v53 =	vmpcnt.ones.xlane vm10;
	_ =	sdelay $0x1  }
0x215: {  	v53 =	vxor.u32 $0x80000000, v53  }
0x216: {  	(xrf0) =	vmax.scan.msk.u32 $0xffff, v53;
	_ =	sdelay $0x5  }
0x217: {  	v53, _, _ =	vpop (xrf0);
	s2 =	spop (v2sf)  }
0x218: {  	s4 =	sadd.s32 s2, s4;
	(v2sf) =	vpush v53, $0xF  }
0x219: {  	s4 =	sadd.s32 $0x80000000, s4  }
0x21a: {  	p0 =	slt.s32 s4, $0x80  }
0x21b: {  	s4 =	simm.s32 @!p0 $0x80  }
0x21c: {  	[tilespmem:s4+$0x400] =	vst.msk vm10, v44  }
0x21d: {  	v57 =	vld [tilespmem:$0x2C0];
	_ =	sdelay $0x4  }
0x21e: {  	vm11 =	vge.f32 v57, v52  }
0x21f: {  	v53 =	vmpcnt.ones.xlane vm11;
	_ =	sdelay $0x1  }
0x220: {  	v53 =	vxor.u32 $0x80000000, v53  }
0x221: {  	(xrf0) =	vmax.scan.msk.u32 $0xffff, v53  }
0x222: {  	[smem:$0x7FD] =	sst s14;
	s14 =	spop (v2sf)  }
0x223: {  	s4 =	sadd.s32 s14, s4  }
0x224: {  	s4 =	sadd.s32 $0x80000000, s4  }
0x225: {  	p0 =	slt.s32 s4, $0x80  }
0x226: {  	s4 =	simm.s32 @!p0 $0x80  }
0x227: {  	[tilespmem:s4+$0x400] =	vst.msk vm11, v45;
	v53, _, _ =	vpop (xrf0)  }
0x228: {  	(v2sf) =	vpush v53, $0xF;
	v58 =	vld [tilespmem:$0x2D0];
	_ =	sdelay $0x4  }
0x229: {  	vm12 =	vge.f32 v58, v52  }
0x22a: {  	v53 =	vmpcnt.ones.xlane vm12;
	_ =	sdelay $0x1  }
0x22b: {  	v53 =	vxor.u32 $0x80000000, v53  }
0x22c: {  	(xrf0) =	vmax.scan.msk.u32 $0xffff, v53;
	_ =	sdelay $0x5  }
0x22d: {  	[dreg:$0x10] =	wrdreg s17;
	v53, _, _ =	vpop (xrf0);
	s17 =	spop (v2sf)  }
0x22e: {  	s4 =	sadd.s32 s17, s4;
	(v2sf) =	vpush v53, $0xF  }
0x22f: {  	s4 =	sadd.s32 $0x80000000, s4  }
0x230: {  	p0 =	slt.s32 s4, $0x80  }
0x231: {  	s4 =	simm.s32 @!p0 $0x80  }
0x232: {  	[tilespmem:s4+$0x400] =	vst.msk vm12, v46  }
0x233: {  	v59 =	vld [tilespmem:$0x2E0];
	_ =	sdelay $0x4  }
0x234: {  	vm13 =	vge.f32 v59, v52  }
0x235: {  	v53 =	vmpcnt.ones.xlane vm13;
	_ =	sdelay $0x1  }
0x236: {  	v53 =	vxor.u32 $0x80000000, v53  }
0x237: {  	(xrf0) =	vmax.scan.msk.u32 $0xffff, v53  }
0x238: {  	[dreg:$0x11] =	wrdreg s18;
	s18 =	spop (v2sf)  }
0x239: {  	s4 =	sadd.s32 s18, s4  }
0x23a: {  	[dreg:$0x1b] =	wrdreg s5;
	s5 =	sadd.s32 $0x80000000, s4  }
0x23b: {  	p0 =	slt.s32 s5, $0x80  }
0x23c: {  	s5 =	simm.s32 @!p0 $0x80  }
0x23d: {  	[tilespmem:s5+$0x400] =	vst.msk vm13, v47;
	v53, _, _ =	vpop (xrf0)  }
0x23e: {  	(v2sf) =	vpush v53, $0xF;
	v60 =	vld [tilespmem:$0x2F0];
	_ =	sdelay $0x4  }
0x23f: {  	vm14 =	vge.f32 v60, v52  }
0x240: {  	v53 =	vmpcnt.ones.xlane vm14;
	_ =	sdelay $0x1  }
0x241: {  	v53 =	vxor.u32 $0x80000000, v53  }
0x242: {  	(xrf0) =	vmax.scan.msk.u32 $0xffff, v53;
	_ =	sdelay $0x5  }
0x243: {  	v53, _, _ =	vpop (xrf0);
	s4 =	spop (v2sf)  }
0x244: {  	s5 =	sadd.s32 s4, s5;
	(v2sf) =	vpush v53, $0xF  }
0x245: {  	[dreg:$0x1c] =	wrdreg s6;
	s6 =	sadd.s32 $0x80000000, s5  }
0x246: {  	p0 =	slt.s32 s6, $0x80  }
0x247: {  	s6 =	simm.s32 @!p0 $0x80  }
0x248: {  	[tilespmem:s6+$0x400] =	vst.msk vm14, v48  }
0x249: {  	v61 =	vld [tilespmem:$0x300];
	_ =	sdelay $0x4  }
0x24a: {  	vm15 =	vge.f32 v61, v52  }
0x24b: {  	v52 =	vmpcnt.ones.xlane vm15;
	_ =	sdelay $0x1  }
0x24c: {  	v52 =	vxor.u32 $0x80000000, v52  }
0x24d: {  	(xrf0) =	vmax.scan.msk.u32 $0xffff, v52  }
0x24e: {  	s5 =	spop (v2sf)  }
0x24f: {  	s6 =	sadd.s32 s5, s6  }
0x250: {  	[dreg:$0x1d] =	wrdreg s7;
	s7 =	sadd.s32 $0x80000000, s6  }
0x251: {  	p0 =	slt.s32 s7, $0x80  }
0x252: {  	s7 =	simm.s32 @!p0 $0x80  }
0x253: {  	[tilespmem:s7+$0x400] =	vst.msk vm15, v49;
	v52, _, _ =	vpop (xrf0)  }
0x254: {  	(v2sf) =	vpush v52, $0xF;
	v62 =	vld [tilespmem:$0x400]  }
0x255: {  	v63 =	vld [tilespmem:$0x410]  }
0x256: {  	v60 =	vld [tilespmem:$0x420]  }
0x257: {  	s16 =	smul.u32 $0x310, s16;
	v55 =	vld [tilespmem:$0x430]  }
0x258: {  	v56 =	vld [tilespmem:$0x440]  }
0x259: {  	v57 =	vld [tilespmem:$0x450];
	v52 =	vadd.s32 s16, v62  }
0x25a: {  	v58 =	vld [tilespmem:$0x470];
	v61 =	vadd.s32 s16, v63;
	[tilespmem:$0x500] =	vst v52  }
0x25b: {  	v62 =	vld [tilespmem:$0x460];
	v63 =	vadd.s32 s16, v60;
	[tilespmem:$0x510] =	vst v61  }
0x25c: {  	v59 =	vadd.s32 s16, v55;
	[tilespmem:$0x520] =	vst v63  }
0x25d: {  	v60 =	vadd.s32 s16, v56;
	[tilespmem:$0x530] =	vst v59  }
0x25e: {  	[tilespmem:$0x540] =	vst v60;
	v61 =	vadd.s32 s16, v57  }
0x25f: {  	v63 =	vadd.s32 s16, v58;
	[tilespmem:$0x550] =	vst v61  }
0x260: {  	[smem:$0x7FA] =	sst s10;
	[tilespmem:$0x570] =	vst v63;
	v62 =	vadd.s32 s16, v62  }
0x261: {  	s10 =	simm.s32 $0x80;
	s6 =	rddreg [dreg:$0x5];
	s16 =	simm.s32 $0x500;
	[tilespmem:$0x560] =	vst v62  }
0x262: {  	[tilespmem:s15], [sflag:$0x1] =	stream.indirect.gather [hbm4b:s6+s10], $0x80, s16, s10, $0xb8;
	[tilespmem:$0x4880] =	vst v63  }
0x263: {  	s16 =	simm.s32 $0x1;
	s6 =	spop (v2sf)  }
0x264: {  	_ =	swait.ge [sflag:s16], $0x4000  }
0x265: {  	[sflag:s16] =	ssyncset.done $0x0  }
0x266: {  	[sflag:s16] =	ssyncadd.s32 $0xFFFFC000;
	s16 =	simm.s32 $0x380  }
0x267: {  	v51 =	vld.idx.msk [tilespmem:v51+s16+$0x0], $0xffff;
	[tilespmem:$0x4580] =	vst v50  }
0x268: {  	[tilespmem:$0x4700] =	vst v1  }
0x269: {  	[tilespmem:$0x4590] =	vst v50  }
0x26a: {  	[tilespmem:$0x4710] =	vst v1  }
0x26b: {  	[tilespmem:$0x45A0] =	vst v50  }
0x26c: {  	[tilespmem:$0x4720] =	vst v1  }
0x26d: {  	[tilespmem:$0x45B0] =	vst v50  }
0x26e: {  	[tilespmem:$0x4730] =	vst v1  }
0x26f: {  	[tilespmem:$0x45C0] =	vst v50  }
0x270: {  	[tilespmem:$0x4740] =	vst v1  }
0x271: {  	[tilespmem:$0x45D0] =	vst v50  }
0x272: {  	[tilespmem:$0x4750] =	vst v1  }
0x273: {  	[tilespmem:$0x45E0] =	vst v50  }
0x274: {  	[tilespmem:$0x4760] =	vst v1  }
0x275: {  	[tilespmem:$0x45F0] =	vst v50  }
0x276: {  	[tilespmem:$0x4770] =	vst v1  }
0x277: {  	[tilespmem:$0x4600] =	vst v50  }
0x278: {  	[tilespmem:$0x4780] =	vst v1  }
0x279: {  	[tilespmem:$0x4610] =	vst v50  }
0x27a: {  	[tilespmem:$0x4790] =	vst v1  }
0x27b: {  	[tilespmem:$0x4620] =	vst v50  }
0x27c: {  	[tilespmem:$0x47A0] =	vst v1  }
0x27d: {  	[tilespmem:$0x4630] =	vst v50  }
0x27e: {  	[tilespmem:$0x47B0] =	vst v1  }
0x27f: {  	[tilespmem:$0x4640] =	vst v50  }
0x280: {  	[tilespmem:$0x47C0] =	vst v1  }
0x281: {  	s7 =	sadd.s32 s6, s7;
	[tilespmem:$0x4650] =	vst v50  }
0x282: {  	s7 =	sadd.s32 $0x80000000, s7;
	[tilespmem:$0x47D0] =	vst v1  }
0x283: {  	p0 =	slt.s32 s7, $0x1;
	[tilespmem:$0x4660] =	vst v50  }
.Ltmp4:
0x284: {  	[tilespmem:$0x47E0] =	vst v1;
	(pc) =	sbr.rel @p0 .LBB2_5-.Ltmp4, $4  }
0x285: {  	[tilespmem:$0x4670] =	vst v50  }
0x286: {  	[tilespmem:$0x47F0] =	vst v1  }
0x287: {  	[tilespmem:$0x4680] =	vst v50  }
0x288: {  	[tilespmem:$0x4800] =	vst v1  }
0x289: {  	s7 =	rddreg [dreg:$0xe]  }
0x28a: {  	s7 =	sadd.s32 s23, s7  }
0x28b: {  	s7 =	sadd.s32 $0x80000000, s7  }
0x28c: {  	p0 =	slt.s32 s7, $0x80  }
0x28d: {  	s10 =	rddreg [dreg:$0xf];
	s7 =	simm.s32 @!p0 $0x80  }
0x28e: {  	s7 =	sadd.s32 s7, s10  }
0x28f: {  	s7 =	sadd.s32 $0x80000000, s7  }
0x290: {  	p0 =	slt.s32 s7, $0x80  }
0x291: {  	s16 =	rddreg [dreg:$0x10];
	s7 =	simm.s32 @!p0 $0x80  }
0x292: {  	s7 =	sadd.s32 s7, s16  }
0x293: {  	s7 =	sadd.s32 $0x80000000, s7  }
0x294: {  	p0 =	slt.s32 s7, $0x80  }
0x295: {  	s23 =	rddreg [dreg:$0x11];
	s7 =	simm.s32 @!p0 $0x80  }
0x296: {  	s7 =	sadd.s32 s7, s23  }
0x297: {  	s7 =	sadd.s32 $0x80000000, s7  }
0x298: {  	p0 =	slt.s32 s7, $0x80  }
0x299: {  	s16 =	rddreg [dreg:$0x12];
	s7 =	simm.s32 @!p0 $0x80  }
0x29a: {  	s7 =	sadd.s32 s7, s16  }
0x29b: {  	s7 =	sadd.s32 $0x80000000, s7  }
0x29c: {  	p0 =	slt.s32 s7, $0x80  }
0x29d: {  	s23 =	rddreg [dreg:$0x13];
	s7 =	simm.s32 @!p0 $0x80  }
0x29e: {  	s7 =	sadd.s32 s7, s23  }
0x29f: {  	s7 =	sadd.s32 $0x80000000, s7  }
0x2a0: {  	p0 =	slt.s32 s7, $0x80  }
0x2a1: {  	s16 =	rddreg [dreg:$0x14];
	s7 =	simm.s32 @!p0 $0x80  }
0x2a2: {  	s7 =	sadd.s32 s7, s16  }
0x2a3: {  	s7 =	sadd.s32 $0x80000000, s7  }
0x2a4: {  	p0 =	slt.s32 s7, $0x80  }
0x2a5: {  	s23 =	rddreg [dreg:$0x15];
	s7 =	simm.s32 @!p0 $0x80  }
0x2a6: {  	s7 =	sadd.s32 s7, s23  }
0x2a7: {  	s7 =	sadd.s32 $0x80000000, s7  }
0x2a8: {  	p0 =	slt.s32 s7, $0x80  }
0x2a9: {  	s16 =	rddreg [dreg:$0x16];
	s7 =	simm.s32 @!p0 $0x80  }
0x2aa: {  	s7 =	sadd.s32 s7, s16  }
0x2ab: {  	s7 =	sadd.s32 $0x80000000, s7  }
0x2ac: {  	p0 =	slt.s32 s7, $0x80  }
0x2ad: {  	s23 =	rddreg [dreg:$0x17];
	s7 =	simm.s32 @!p0 $0x80  }
0x2ae: {  	s7 =	sadd.s32 s7, s23  }
0x2af: {  	s7 =	sadd.s32 $0x80000000, s7  }
0x2b0: {  	p0 =	slt.s32 s7, $0x80  }
0x2b1: {  	s16 =	rddreg [dreg:$0x18];
	s7 =	simm.s32 @!p0 $0x80  }
0x2b2: {  	s7 =	sadd.s32 s7, s16  }
0x2b3: {  	s7 =	sadd.s32 $0x80000000, s7  }
0x2b4: {  	p0 =	slt.s32 s7, $0x80  }
0x2b5: {  	s23 =	rddreg [dreg:$0x19];
	s7 =	simm.s32 @!p0 $0x80  }
0x2b6: {  	s7 =	sadd.s32 s7, s23  }
0x2b7: {  	s7 =	sadd.s32 $0x80000000, s7  }
0x2b8: {  	p0 =	slt.s32 s7, $0x80  }
0x2b9: {  	s16 =	rddreg [dreg:$0x1a];
	s7 =	simm.s32 @!p0 $0x80  }
0x2ba: {  	s7 =	sadd.s32 s7, s16  }
0x2bb: {  	s7 =	sadd.s32 $0x80000000, s7  }
0x2bc: {  	p0 =	slt.s32 s7, $0x80  }
0x2bd: {  	s23 =	rddreg [dreg:$0x1b];
	s7 =	simm.s32 @!p0 $0x80  }
0x2be: {  	s7 =	sadd.s32 s7, s23  }
0x2bf: {  	s7 =	sadd.s32 $0x80000000, s7  }
0x2c0: {  	p0 =	slt.s32 s7, $0x80  }
0x2c1: {  	s16 =	rddreg [dreg:$0x1c];
	s7 =	simm.s32 @!p0 $0x80  }
0x2c2: {  	s7 =	sadd.s32 s7, s16  }
0x2c3: {  	s7 =	sadd.s32 $0x80000000, s7  }
0x2c4: {  	p0 =	slt.s32 s7, $0x80  }
0x2c5: {  	s23 =	rddreg [dreg:$0x1d];
	s7 =	simm.s32 @!p0 $0x80  }
0x2c6: {  	s7 =	sadd.s32 s7, s23  }
0x2c7: {  	s7 =	sadd.s32 $0x80000000, s7  }
0x2c8: {  	p0 =	slt.s32 s7, $0x80  }
0x2c9: {  	s16 =	rddreg [dreg:$0x1e];
	s7 =	simm.s32 @!p0 $0x80  }
0x2ca: {  	s7 =	sadd.s32 s7, s16  }
0x2cb: {  	s7 =	sadd.s32 $0x80000000, s7  }
0x2cc: {  	p0 =	slt.s32 s7, $0x80  }
0x2cd: {  	s23 =	rddreg [dreg:$0x1f];
	s7 =	simm.s32 @!p0 $0x80  }
0x2ce: {  	s7 =	sadd.s32 s7, s23  }
0x2cf: {  	s16 =	sld [smem:$0x7FA];
	s7 =	sadd.s32 $0x80000000, s7  }
0x2d0: {  	p0 =	slt.s32 s7, $0x80  }
0x2d1: {  	s7 =	simm.s32 @!p0 $0x80  }
0x2d2: {  	s7 =	sadd.s32 s7, s16  }
0x2d3: {  	s23 =	sld [smem:$0x7FB];
	s7 =	sadd.s32 $0x80000000, s7  }
0x2d4: {  	p0 =	slt.s32 s7, $0x80  }
0x2d5: {  	s7 =	simm.s32 @!p0 $0x80  }
0x2d6: {  	s7 =	sadd.s32 s7, s23  }
0x2d7: {  	s16 =	sld [smem:$0x7FC];
	s7 =	sadd.s32 $0x80000000, s7  }
0x2d8: {  	p0 =	slt.s32 s7, $0x80  }
0x2d9: {  	s7 =	simm.s32 @!p0 $0x80  }
0x2da: {  	s7 =	sadd.s32 s7, s16  }
0x2db: {  	s23 =	sld [smem:$0x7FD];
	s7 =	sadd.s32 $0x80000000, s7  }
0x2dc: {  	p0 =	slt.s32 s7, $0x80  }
0x2dd: {  	s7 =	simm.s32 @!p0 $0x80  }
0x2de: {  	s7 =	sadd.s32 s7, s23  }
0x2df: {  	s7 =	sadd.s32 $0x80000000, s7  }
0x2e0: {  	p0 =	slt.s32 s7, $0x80  }
0x2e1: {  	s7 =	simm.s32 @!p0 $0x80  }
0x2e2: {  	s7 =	sadd.s32 s7, s12  }
0x2e3: {  	s7 =	sadd.s32 $0x80000000, s7  }
0x2e4: {  	p0 =	slt.s32 s7, $0x80  }
0x2e5: {  	s7 =	simm.s32 @!p0 $0x80  }
0x2e6: {  	s7 =	sadd.s32 s7, s21  }
0x2e7: {  	s7 =	sadd.s32 $0x80000000, s7  }
0x2e8: {  	p0 =	slt.s32 s7, $0x80  }
0x2e9: {  	s7 =	simm.s32 @!p0 $0x80  }
0x2ea: {  	s7 =	sadd.s32 s7, s22  }
0x2eb: {  	s7 =	sadd.s32 $0x80000000, s7  }
0x2ec: {  	p0 =	slt.s32 s7, $0x80  }
0x2ed: {  	s7 =	simm.s32 @!p0 $0x80  }
0x2ee: {  	s7 =	sadd.s32 s7, s25  }
0x2ef: {  	s7 =	sadd.s32 $0x80000000, s7  }
0x2f0: {  	p0 =	slt.s32 s7, $0x80  }
0x2f1: {  	s7 =	simm.s32 @!p0 $0x80  }
0x2f2: {  	s7 =	sadd.s32 s7, s26  }
0x2f3: {  	s7 =	sadd.s32 $0x80000000, s7  }
0x2f4: {  	p0 =	slt.s32 s7, $0x80  }
0x2f5: {  	s7 =	simm.s32 @!p0 $0x80  }
0x2f6: {  	s7 =	sadd.s32 s7, s28  }
0x2f7: {  	s7 =	sadd.s32 $0x80000000, s7  }
0x2f8: {  	p0 =	slt.s32 s7, $0x80  }
0x2f9: {  	s7 =	simm.s32 @!p0 $0x80  }
0x2fa: {  	s7 =	sadd.s32 s7, s29  }
0x2fb: {  	s7 =	sadd.s32 $0x80000000, s7  }
0x2fc: {  	p0 =	slt.s32 s7, $0x80  }
0x2fd: {  	s7 =	simm.s32 @!p0 $0x80  }
0x2fe: {  	s7 =	sadd.s32 s7, s11  }
0x2ff: {  	s7 =	sadd.s32 $0x80000000, s7  }
0x300: {  	p0 =	slt.s32 s7, $0x80  }
0x301: {  	s7 =	simm.s32 @!p0 $0x80  }
0x302: {  	s7 =	sadd.s32 s7, s30  }
0x303: {  	s7 =	sadd.s32 $0x80000000, s7  }
0x304: {  	p0 =	slt.s32 s7, $0x80  }
0x305: {  	s7 =	simm.s32 @!p0 $0x80  }
0x306: {  	s7 =	sadd.s32 s7, s31  }
0x307: {  	s7 =	sadd.s32 $0x80000000, s7  }
0x308: {  	p0 =	slt.s32 s7, $0x80  }
0x309: {  	s7 =	simm.s32 @!p0 $0x80  }
0x30a: {  	s1 =	sadd.s32 s7, s1  }
0x30b: {  	s1 =	sadd.s32 $0x80000000, s1  }
0x30c: {  	p0 =	slt.s32 s1, $0x80  }
0x30d: {  	s1 =	simm.s32 @!p0 $0x80  }
0x30e: {  	s1 =	sadd.s32 s1, s3  }
0x30f: {  	s1 =	sadd.s32 $0x80000000, s1  }
0x310: {  	p0 =	slt.s32 s1, $0x80  }
0x311: {  	s1 =	simm.s32 @!p0 $0x80  }
0x312: {  	s1 =	sadd.s32 s1, s8  }
0x313: {  	s1 =	sadd.s32 $0x80000000, s1  }
0x314: {  	p0 =	slt.s32 s1, $0x80  }
0x315: {  	s1 =	simm.s32 @!p0 $0x80  }
0x316: {  	s1 =	sadd.s32 s1, s24  }
0x317: {  	s1 =	sadd.s32 $0x80000000, s1  }
0x318: {  	p0 =	slt.s32 s1, $0x80  }
0x319: {  	s1 =	simm.s32 @!p0 $0x80  }
0x31a: {  	s1 =	sadd.s32 s1, s9  }
0x31b: {  	s1 =	sadd.s32 $0x80000000, s1  }
0x31c: {  	p0 =	slt.s32 s1, $0x80  }
0x31d: {  	s1 =	simm.s32 @!p0 $0x80  }
0x31e: {  	s1 =	sadd.s32 s1, s19  }
0x31f: {  	s1 =	sadd.s32 $0x80000000, s1  }
0x320: {  	p0 =	slt.s32 s1, $0x80  }
0x321: {  	s1 =	simm.s32 @!p0 $0x80  }
0x322: {  	s0 =	sadd.s32 s1, s0  }
0x323: {  	s0 =	sadd.s32 $0x80000000, s0  }
0x324: {  	p0 =	slt.s32 s0, $0x80  }
0x325: {  	s0 =	simm.s32 @!p0 $0x80  }
0x326: {  	s0 =	sadd.s32 s0, s2  }
0x327: {  	s0 =	sadd.s32 $0x80000000, s0  }
0x328: {  	p0 =	slt.s32 s0, $0x80  }
0x329: {  	s0 =	simm.s32 @!p0 $0x80  }
0x32a: {  	s0 =	sadd.s32 s0, s14  }
0x32b: {  	s0 =	sadd.s32 $0x80000000, s0  }
0x32c: {  	p0 =	slt.s32 s0, $0x80  }
0x32d: {  	s0 =	simm.s32 @!p0 $0x80  }
0x32e: {  	s0 =	sadd.s32 s0, s17  }
0x32f: {  	s0 =	sadd.s32 $0x80000000, s0  }
0x330: {  	p0 =	slt.s32 s0, $0x80  }
0x331: {  	s0 =	simm.s32 @!p0 $0x80  }
0x332: {  	s0 =	sadd.s32 s0, s18  }
0x333: {  	s0 =	sadd.s32 $0x80000000, s0  }
0x334: {  	p0 =	slt.s32 s0, $0x80  }
0x335: {  	s0 =	simm.s32 @!p0 $0x80  }
0x336: {  	s0 =	sadd.s32 s0, s4  }
0x337: {  	s0 =	sadd.s32 $0x80000000, s0  }
0x338: {  	p0 =	slt.s32 s0, $0x80  }
0x339: {  	s0 =	simm.s32 @!p0 $0x80  }
0x33a: {  	s0 =	sadd.s32 s0, s5  }
0x33b: {  	s0 =	sadd.s32 $0x80000000, s0  }
0x33c: {  	p0 =	slt.s32 s0, $0x80  }
0x33d: {  	s0 =	simm.s32 @!p0 $0x80  }
0x33e: {  	s0 =	sadd.s32 s0, s6  }
0x33f: {  	s0 =	sadd.s32 $0x80000000, s0  }
0x340: {  	s0 =	smin.u32 s0, $0x80  }
0x341: {  	s1 =	simm.s32 $0x0;
	[dreg:$0x4] =	wrdreg s0;
	s0 =	simm.s32 $0x0  }
.LBB2_4:
0x342: {  	v52 =	vmov s0  }
0x343: {  	v53 =	vshll.u32 v52, $0x7  }
0x344: {  	v54 =	vor.u32 v0, v53;
	_ =	sdelay $0x3  }
0x345: {  	v52 =	vld.idx.msk [tilespmem:v52+s13+$0x0], $0xffff  }
0x346: {  	v54 =	vld.idx.msk [tilespmem:v54+s15+$0x0], $0xffff;
	_ =	sdelay $0x2  }
0x347: {  	v55 =	vor.u32 v2, v53;
	_ =	sdelay $0x1  }
0x348: {  	v52 =	vshll.u32 v52, $0x7;
	vm0 =	vge.f32 v54, v51  }
0x349: {  	v56 =	vor.u32 v0, v52;
	[tilespmem:s1+$0x4580] =	vst.msk vm0, v54;
	v59 =	vmpcnt.ones.xlane vm0  }
0x34a: {  	[tilespmem:s1+$0x4700] =	vst.msk vm0, v56  }
0x34b: {  	v54 =	vxor.u32 $0x80000000, v59;
	v55 =	vld.idx.msk [tilespmem:v55+s15+$0x0], $0xffff  }
0x34c: {  	(xrf0) =	vmax.scan.msk.u32 $0xffff, v54;
	_ =	sdelay $0x3  }
0x34d: {  	vm9 =	vge.f32 v55, v51  }
0x34e: {  	v60 =	vmpcnt.ones.xlane vm9  }
0x34f: {  	v61, _, _ =	vpop (xrf0)  }
0x350: {  	(v2sf) =	vpush v61, $0xF;
	v54 =	vxor.u32 $0x80000000, v60  }
0x351: {  	(xrf0) =	vmax.scan.msk.u32 $0xffff, v54;
	_ =	sdelay $0x5  }
0x352: {  	v54, _, _ =	vpop (xrf0)  }
0x353: {  	(v2sf) =	vpush v54, $0xF;
	_ =	sdelay $0x6  }
0x354: {  	s2 =	spop (v2sf)  }
0x355: {  	s23 =	sadd.s32 s2, s1  }
0x356: {  	v62 =	vor.u32 v3, v53;
	s1 =	sadd.s32 $0x80000000, s23  }
0x357: {  	p0 =	slt.s32 s1, $0x100  }
0x358: {  	s1 =	simm.s32 @!p0 $0x100  }
0x359: {  	v63 =	vor.u32 v2, v52;
	[tilespmem:s1+$0x4580] =	vst.msk vm9, v55  }
0x35a: {  	[tilespmem:s1+$0x4700] =	vst.msk vm9, v63  }
0x35b: {  	v54 =	vld.idx.msk [tilespmem:v62+s15+$0x0], $0xffff  }
0x35c: {  	s24 =	spop (v2sf)  }
0x35d: {  	s1 =	sadd.s32 s24, s1  }
0x35e: {  	v60 =	vor.u32 v4, v53;
	s1 =	sadd.s32 $0x80000000, s1  }
0x35f: {  	p0 =	slt.s32 s1, $0x100  }
0x360: {  	s1 =	simm.s32 @!p0 $0x100;
	vm10 =	vge.f32 v54, v51  }
0x361: {  	v61 =	vor.u32 v3, v52;
	[tilespmem:s1+$0x4580] =	vst.msk vm10, v54;
	v62 =	vmpcnt.ones.xlane vm10  }
0x362: {  	[tilespmem:s1+$0x4700] =	vst.msk vm10, v61  }
0x363: {  	v54 =	vxor.u32 $0x80000000, v62;
	v55 =	vld.idx.msk [tilespmem:v60+s15+$0x0], $0xffff  }
0x364: {  	(xrf0) =	vmax.scan.msk.u32 $0xffff, v54;
	_ =	sdelay $0x3  }
0x365: {  	vm11 =	vge.f32 v55, v51  }
0x366: {  	v63 =	vmpcnt.ones.xlane vm11  }
0x367: {  	v60, _, _ =	vpop (xrf0)  }
0x368: {  	(v2sf) =	vpush v60, $0xF;
	v54 =	vxor.u32 $0x80000000, v63  }
0x369: {  	(xrf0) =	vmax.scan.msk.u32 $0xffff, v54;
	_ =	sdelay $0x5  }
0x36a: {  	v54, _, _ =	vpop (xrf0)  }
0x36b: {  	(v2sf) =	vpush v54, $0xF;
	_ =	sdelay $0x6  }
0x36c: {  	s25 =	spop (v2sf)  }
0x36d: {  	s1 =	sadd.s32 s25, s1  }
0x36e: {  	v61 =	vor.u32 v5, v53;
	s1 =	sadd.s32 $0x80000000, s1  }
0x36f: {  	p0 =	slt.s32 s1, $0x100  }
0x370: {  	s1 =	simm.s32 @!p0 $0x100  }
0x371: {  	v62 =	vor.u32 v4, v52;
	[tilespmem:s1+$0x4580] =	vst.msk vm11, v55  }
0x372: {  	[tilespmem:s1+$0x4700] =	vst.msk vm11, v62  }
0x373: {  	v54 =	vld.idx.msk [tilespmem:v61+s15+$0x0], $0xffff  }
0x374: {  	s26 =	spop (v2sf)  }
0x375: {  	s1 =	sadd.s32 s26, s1  }
0x376: {  	v63 =	vor.u32 v6, v53;
	s1 =	sadd.s32 $0x80000000, s1  }
0x377: {  	p0 =	slt.s32 s1, $0x100  }
0x378: {  	s1 =	simm.s32 @!p0 $0x100;
	vm12 =	vge.f32 v54, v51  }
0x379: {  	v60 =	vor.u32 v5, v52;
	[tilespmem:s1+$0x4580] =	vst.msk vm12, v54;
	v61 =	vmpcnt.ones.xlane vm12  }
0x37a: {  	[tilespmem:s1+$0x4700] =	vst.msk vm12, v60  }
0x37b: {  	v54 =	vxor.u32 $0x80000000, v61;
	v55 =	vld.idx.msk [tilespmem:v63+s15+$0x0], $0xffff  }
0x37c: {  	(xrf0) =	vmax.scan.msk.u32 $0xffff, v54;
	_ =	sdelay $0x3  }
0x37d: {  	vm13 =	vge.f32 v55, v51  }
0x37e: {  	v62 =	vmpcnt.ones.xlane vm13  }
0x37f: {  	v63, _, _ =	vpop (xrf0)  }
0x380: {  	(v2sf) =	vpush v63, $0xF;
	v54 =	vxor.u32 $0x80000000, v62  }
0x381: {  	(xrf0) =	vmax.scan.msk.u32 $0xffff, v54;
	_ =	sdelay $0x5  }
0x382: {  	v54, _, _ =	vpop (xrf0)  }
0x383: {  	(v2sf) =	vpush v54, $0xF;
	_ =	sdelay $0x6  }
0x384: {  	s28 =	spop (v2sf)  }
0x385: {  	s1 =	sadd.s32 s28, s1  }
0x386: {  	v57 =	vor.u32 v7, v53;
	s1 =	sadd.s32 $0x80000000, s1  }
0x387: {  	p0 =	slt.s32 s1, $0x100  }
0x388: {  	s1 =	simm.s32 @!p0 $0x100  }
0x389: {  	v58 =	vor.u32 v6, v52;
	[tilespmem:s1+$0x4580] =	vst.msk vm13, v55  }
0x38a: {  	[tilespmem:s1+$0x4700] =	vst.msk vm13, v58  }
0x38b: {  	v54 =	vld.idx.msk [tilespmem:v57+s15+$0x0], $0xffff  }
0x38c: {  	s29 =	spop (v2sf)  }
0x38d: {  	s1 =	sadd.s32 s29, s1  }
0x38e: {  	v53 =	vor.u32 v8, v53;
	s1 =	sadd.s32 $0x80000000, s1  }
0x38f: {  	p0 =	slt.s32 s1, $0x100  }
0x390: {  	s1 =	simm.s32 @!p0 $0x100;
	vm14 =	vge.f32 v54, v51  }
0x391: {  	v59 =	vor.u32 v7, v52;
	[tilespmem:s1+$0x4580] =	vst.msk vm14, v54  }
0x392: {  	[tilespmem:s1+$0x4700] =	vst.msk vm14, v59  }
0x393: {  	v53 =	vld.idx.msk [tilespmem:v53+s15+$0x0], $0xffff  }
0x394: {  	v60 =	vmpcnt.ones.xlane vm14;
	_ =	sdelay $0x1  }
0x395: {  	v54 =	vxor.u32 $0x80000000, v60  }
0x396: {  	(xrf0) =	vmax.scan.msk.u32 $0xffff, v54  }
0x397: {  	vm15 =	vge.f32 v53, v51  }
0x398: {  	v61 =	vmpcnt.ones.xlane vm15;
	_ =	sdelay $0x1  }
0x399: {  	v54 =	vxor.u32 $0x80000000, v61  }
0x39a: {  	(xrf0) =	vmax.scan.msk.u32 $0xffff, v54  }
0x39b: {  	v62, _, _ =	vpop (xrf0)  }
0x39c: {  	(v2sf) =	vpush v62, $0xF;
	_ =	sdelay $0x3  }
0x39d: {  	v63, _, _ =	vpop (xrf0)  }
0x39e: {  	(v2sf) =	vpush v63, $0xF;
	_ =	sdelay $0x9  }
0x39f: {  	s30 =	spop (v2sf)  }
0x3a0: {  	s1 =	sadd.s32 s30, s1  }
0x3a1: {  	s2 =	sadd.s32 $0x80000000, s1  }
0x3a2: {  	s3 =	rddreg [dreg:$0x4];
	s0 =	sadd.s32 $0x1, s0;
	p0 =	slt.s32 s2, $0x100  }
0x3a3: {  	s2 =	simm.s32 @!p0 $0x100;
	p0 =	sne.s32 s3, s0  }
.Ltmp5:
0x3a4: {  	s31 =	spop (v2sf);
	(pc) =	sbr.rel @p0 .LBB2_4-.Ltmp5, $4  }
0x3a5: {  	s1 =	sadd.s32 s31, s2  }
0x3a6: {  	s1 =	sadd.s32 $0x80000000, s1  }
0x3a7: {  	v52 =	vor.u32 v8, v52;
	[tilespmem:s2+$0x4580] =	vst.msk vm15, v53;
	p1 =	slt.s32 s1, $0x100  }
0x3a8: {  	[tilespmem:s2+$0x4700] =	vst.msk vm15, v52;
	s1 =	simm.s32 @!p1 $0x100  }
.Ltmp6:
0x3a9: {  	_ = 	snop;
	(pc) =	sbr.rel .LBB2_5-.Ltmp6, $1  }
0x3aa: {  	_ =	sdelay $0x3  }
.LBB2_7:
0x3ab: {  	_ =	sfence.sel $0x180000  }
0x3ac: {  	[bflag:$0x0] =	sbarrier.arrive $0xFFFF  }
0x3ad: {  	_ =	strace $0x90000047  }
0x3ae: {  	s0 =	stileid.u32;
	[bflag:$0x2] =	sbarrier.arrive $0xFFFF  }
0x3af: {  	p0 =	sne.s32 s0, $0x0;
	s0 =	rddreg [dreg:$0x3]  }
0x3b0: {  	s0 =	sadd.s32 @!p0 $0x100000, s0  }
0x3b1: {  	[sflag:s0] =	ssyncadd.tile.s32 @!p0 $0x1;
	_ =	shalt  }
.Lfunc_end2:
_tile_overlayer_lowered:
.L_overlay_start_2:
0x3b2: {  	(tag) =	ssettag $0x2  }
0x3b3: {  	s0 =	rddreg [dreg:$0x0];
	s2 =	stileid.u32  }
0x3b4: {  	s1 =	rddreg [dreg:$0x1];
	p0 =	sne.s32 s2, $0x0  }
0x3b5: {  	s3 =	rddreg [dreg:$0x2];
	[bflag:$0x3] =	sbarrier.arrive $0xFFFF;
	s2 =	simm.s32 @!p0 $0x1C02  }
0x3b6: {  	[timem:s3], [sflag:s2] =	dma.local @!p0 [hbm:s0], s1  }
0x3b7: {  	s0 =	simm.s32 @!p0 $0x2  }
0x3b8: {  	_ =	swait.ge @!p0 [sflag:s0], s1  }
0x3b9: {  	s1 =	ssub.s32 @!p0 $0x0, s1;
	[sflag:s0] =	ssyncset.done @!p0 $0x0  }
0x3ba: {  	[sflag:s0] =	ssyncadd.s32 @!p0 s1  }
0x3bb: {  	[bflag:$0x3] =	sbarrier.arrive $0xFFFF  }
0x3bc: {  	_ =	shalt  }

</sc_bundles>
